<compile_context>
chip_gen: v7x
topology: tpu7x:2x2x1
jax: 0.10.2.dev20260603
libtpu: 0.0.44.dev20260713+nightly
codegen_flags: <defaults>
</compile_context>

<pallas_src>
import jax
import jax.numpy as jnp
from jax import lax
from jax.experimental import pallas as pl
from jax.experimental.pallas import tpu as pltpu
from jax.experimental.pallas import tpu_sc as plsc

B = 16384
F = 26
DIM = 32
N = B * F
NUM_WORKERS = 32
PER_W = N // NUM_WORKERS
GSZ = 128
K = 13
STEP = K * GSZ
NSTEPS = PER_W // STEP
LANES = 16


def _emb_body(x_hbm, offrep_hbm, table_hbm, out_hbm,
              off_v, raw_v, idx_v, rows_v, sem):
    cid = lax.axis_index("c")
    sid = lax.axis_index("s")
    wid = sid * 2 + cid
    base = wid * PER_W

    pltpu.sync_copy(offrep_hbm, off_v)

    def step(s, carry):
        s_base = base + s * STEP
        pltpu.sync_copy(x_hbm.at[pl.ds(s_base, STEP)], raw_v)
        for j in range(K):
            for c in range(GSZ // LANES):
                p0 = j * GSZ + c * LANES
                idx_v[j, pl.ds(c * LANES, LANES)] = (
                    raw_v[pl.ds(p0, LANES)] + off_v[pl.ds(p0, LANES)]
                )
        cps = [
            pltpu.async_copy(
                table_hbm.at[idx_v.at[j]],
                rows_v.at[pl.ds(j * GSZ, GSZ)],
                sem,
            )
            for j in range(K)
        ]
        for cp in cps:
            cp.wait()
        pltpu.sync_copy(rows_v, out_hbm.at[pl.ds(s_base, STEP)])
        return carry

    lax.fori_loop(0, NSTEPS, step, 0)


@jax.jit
def _emb_call(x_flat, off_rep, table):
    mesh = plsc.VectorSubcoreMesh(core_axis_name="c", subcore_axis_name="s")
    f = pl.kernel(
        _emb_body,
        out_type=jax.ShapeDtypeStruct((N, DIM), jnp.float32),
        mesh=mesh,
        scratch_types=[
            pltpu.VMEM((STEP,), jnp.int32),
            pltpu.VMEM((STEP,), jnp.int32),
            pltpu.VMEM((K, GSZ), jnp.int32),
            pltpu.VMEM((STEP, DIM), jnp.float32),
            pltpu.SemaphoreType.DMA,
        ],
        compiler_params=pltpu.CompilerParams(use_tc_tiling_on_sc=False),
    )
    return f(x_flat, off_rep, table)


def kernel(x_cat, emb_weight, offsets):
    x_flat = x_cat.astype(jnp.int32).reshape(N)
    off_rep = jnp.tile(offsets.astype(jnp.int32), STEP // F)
    out = _emb_call(x_flat, off_rep, emb_weight)
    return out.reshape(B, F, DIM)

# --- scband reference (transcript-rebuilt; emitter-appended) ---
"""Pipeline reference for scband-categorical-tokenizer-58342835749123 (READ-ONLY COPY).

The authoritative reference and input builder live on the scoring server;
editing this copy changes nothing except your own understanding.
"""

import jax, jax.numpy as jnp
import numpy as np

NUM_FIELDS = 26
CAT_SIZE = 100000
DIM = 32
NUM_SPECIAL = 1
TOTAL_TOKENS = NUM_FIELDS * CAT_SIZE + NUM_SPECIAL


def _make_offsets():
    categories = np.full(NUM_FIELDS, CAT_SIZE, dtype=np.int64)
    # offsets = pad(categories, prepend num_special_tokens).cumsum()[:-1]
    padded = np.concatenate([[NUM_SPECIAL], categories]).astype(np.int64)
    offsets = np.cumsum(padded)[:-1]
    return jnp.asarray(offsets, dtype=jnp.int64)


def setup_inputs(seed: int = 0) -> dict:
    key = jax.random.key(seed)
    k1, k2 = jax.random.split(key)
    x_cat = jax.random.randint(k1, (16384, NUM_FIELDS), 0, CAT_SIZE, dtype=jnp.int64)
    emb_weight = jax.random.normal(k2, (TOTAL_TOKENS, DIM), dtype=jnp.float32)
    offsets = _make_offsets()
    return {"x_cat": x_cat, "emb_weight": emb_weight, "offsets": offsets}


def reference(x_cat, emb_weight, offsets):
    x = x_cat + offsets  # broadcast per-field offsets, shape [B, F]
    return jnp.take(emb_weight, x, axis=0)  # [B, F, DIM]

if __name__ == "__main__":
    import jax
    _d = setup_inputs()
    print(jax.jit(kernel)(*tuple(_d.values())))

</pallas_src>

<mosaic_0001>
#map = affine_map<(d0, d1) -> (0)>
#map1 = affine_map<(d0, d1) -> (0, 0)>
module attributes {stable_mosaic.version = 14 : i64} {
  func.func @_emb_body(%arg0: i32, %arg1: i32, %arg2: memref<425984xi32, #tpu.memory_space<hbm>>, %arg3: memref<1664xi32, #tpu.memory_space<hbm>>, %arg4: memref<2600001x32xf32, #tpu.memory_space<hbm>>, %arg5: memref<425984x32xf32, #tpu.memory_space<hbm>>, %arg6: memref<1664xi32, #tpu.memory_space<vmem>>, %arg7: memref<1664xi32, #tpu.memory_space<vmem>>, %arg8: memref<13x128xi32, #tpu.memory_space<vmem>>, %arg9: memref<1664x32xf32, #tpu.memory_space<vmem>>, %arg10: memref<!tpu.dma_semaphore, #tpu.memory_space<semaphore_mem>>) attributes {dimension_semantics = [#tpu.dimension_semantics<core_parallel>, #tpu.dimension_semantics<subcore_parallel>], iteration_bounds = array<i64: 2, 16>, scalar_prefetch = 0 : i64, scratch_operands = 5 : i64, tpu.core_type = #tpu.core_type<sc_vector_subcore>, window_params = [{transform_indices = #map}, {transform_indices = #map}, {transform_indices = #map1}, {transform_indices = #map1}]} {
    %mul3A = arith.constant 2 : i32
    %mul3A_0 = arith.muli %arg1, %mul3A : i32
    %add3A = arith.addi %mul3A_0, %arg0 : i32
    %mul3A_1 = arith.constant 13312 : i32
    %mul3A_2 = arith.muli %add3A, %mul3A_1 : i32
    "tpu.region"() ({
      %run_scoped3A = tpu.sem_alloc : memref<!tpu.dma_semaphore, #tpu.memory_space<semaphore_mem>>
      tpu.enqueue_dma source(%arg3 : memref<1664xi32, #tpu.memory_space<hbm>>) target(%arg6 : memref<1664xi32, #tpu.memory_space<vmem>>) target_semaphore(%run_scoped3A : memref<!tpu.dma_semaphore, #tpu.memory_space<semaphore_mem>>)
      tpu.wait_dma2 semaphore(%run_scoped3A : memref<!tpu.dma_semaphore, #tpu.memory_space<semaphore_mem>>) src(%arg3 : memref<1664xi32, #tpu.memory_space<hbm>>) dst(%arg6 : memref<1664xi32, #tpu.memory_space<vmem>>)
      tpu.yield
    }) : () -> ()
    %scan3A = arith.constant 0 : i32
    %scan3A_3 = arith.constant 0 : i32
    %scan3A_4 = arith.constant 8 : i32
    %scan3A_5 = arith.addi %scan3A_3, %scan3A_4 : i32
    %scan3A_6 = arith.constant 1 : i32
    scf.for %scan3A_8 = %scan3A_3 to %scan3A_5 step %scan3A_6  : i32 {
      %mul3A_9 = arith.constant 1664 : i32
      %mul3A_10 = arith.muli %scan3A_8, %mul3A_9 : i32
      %add3A_11 = arith.addi %mul3A_2, %mul3A_10 : i32
      "tpu.region"() ({
        %run_scoped3A = tpu.sem_alloc : memref<!tpu.dma_semaphore, #tpu.memory_space<semaphore_mem>>
        %dma_start3A_1620 = tpu.memref_slice %arg2[%add3A_11] : memref<425984xi32, #tpu.memory_space<hbm>> -> memref<1664xi32, #tpu.memory_space<hbm>>
        %dma_start3A_1621 = tpu.memref_slice %arg2[%add3A_11] : memref<425984xi32, #tpu.memory_space<hbm>> -> memref<1664xi32, #tpu.memory_space<hbm>>
        tpu.enqueue_dma source(%dma_start3A_1621 : memref<1664xi32, #tpu.memory_space<hbm>>) target(%arg7 : memref<1664xi32, #tpu.memory_space<vmem>>) target_semaphore(%run_scoped3A : memref<!tpu.dma_semaphore, #tpu.memory_space<semaphore_mem>>)
        %dma_wait3A_1622 = tpu.memref_slice %arg2[%add3A_11] : memref<425984xi32, #tpu.memory_space<hbm>> -> memref<1664xi32, #tpu.memory_space<hbm>>
        %dma_wait3A_1623 = tpu.memref_slice %arg2[%add3A_11] : memref<425984xi32, #tpu.memory_space<hbm>> -> memref<1664xi32, #tpu.memory_space<hbm>>
        tpu.wait_dma2 semaphore(%run_scoped3A : memref<!tpu.dma_semaphore, #tpu.memory_space<semaphore_mem>>) src(%dma_wait3A_1623 : memref<1664xi32, #tpu.memory_space<hbm>>) dst(%arg7 : memref<1664xi32, #tpu.memory_space<vmem>>)
        tpu.yield
      }) : () -> ()
      %get3A = arith.constant 0 : index
      %get3A_12 = tpu.vector_load %arg7[%get3A] {strides = array<i32>} : memref<1664xi32, #tpu.memory_space<vmem>>, vector<16xi32>,
      %get3A_13 = vector.shape_cast %get3A_12 : vector<16xi32> to vector<16xi32>
      %get3A_14 = arith.constant 0 : index
      %get3A_15 = tpu.vector_load %arg6[%get3A_14] {strides = array<i32>} : memref<1664xi32, #tpu.memory_space<vmem>>, vector<16xi32>,
      %get3A_16 = vector.shape_cast %get3A_15 : vector<16xi32> to vector<16xi32>
      %add3A_17 = arith.addi %get3A_13, %get3A_16 : vector<16xi32>
      %swap3A = arith.constant 0 : i32
      %swap3A_18 = arith.index_cast %swap3A : i32 to index
      %swap3A_19 = arith.constant 0 : index
      %swap3A_20 = tpu.vector_load %arg8[%swap3A_18, %swap3A_19] {strides = array<i32>} : memref<13x128xi32, #tpu.memory_space<vmem>>, vector<1x16xi32>,
      %swap3A_21 = vector.shape_cast %swap3A_20 : vector<1x16xi32> to vector<16xi32>
      %swap3A_22 = vector.shape_cast %add3A_17 : vector<16xi32> to vector<1x16xi32>
      tpu.vector_store %arg8[%swap3A_18, %swap3A_19], %swap3A_22 {strides = array<i32>} : memref<13x128xi32, #tpu.memory_space<vmem>>, vector<1x16xi32>,
      %get3A_23 = arith.constant 16 : index
      %get3A_24 = tpu.vector_load %arg7[%get3A_23] {strides = array<i32>} : memref<1664xi32, #tpu.memory_space<vmem>>, vector<16xi32>,
      %get3A_25 = vector.shape_cast %get3A_24 : vector<16xi32> to vector<16xi32>
      %get3A_26 = arith.constant 16 : index
      %get3A_27 = tpu.vector_load %arg6[%get3A_26] {strides = array<i32>} : memref<1664xi32, #tpu.memory_space<vmem>>, vector<16xi32>,
      %get3A_28 = vector.shape_cast %get3A_27 : vector<16xi32> to vector<16xi32>
      %add3A_29 = arith.addi %get3A_25, %get3A_28 : vector<16xi32>
      %swap3A_30 = arith.constant 0 : i32
      %swap3A_31 = arith.index_cast %swap3A_30 : i32 to index
      %swap3A_32 = arith.constant 16 : index
      %swap3A_33 = tpu.vector_load %arg8[%swap3A_31, %swap3A_32] {strides = array<i32>} : memref<13x128xi32, #tpu.memory_space<vmem>>, vector<1x16xi32>,
      %swap3A_34 = vector.shape_cast %swap3A_33 : vector<1x16xi32> to vector<16xi32>
      %swap3A_35 = vector.shape_cast %add3A_29 : vector<16xi32> to vector<1x16xi32>
      tpu.vector_store %arg8[%swap3A_31, %swap3A_32], %swap3A_35 {strides = array<i32>} : memref<13x128xi32, #tpu.memory_space<vmem>>, vector<1x16xi32>,
      %get3A_36 = arith.constant 32 : index
      %get3A_37 = tpu.vector_load %arg7[%get3A_36] {strides = array<i32>} : memref<1664xi32, #tpu.memory_space<vmem>>, vector<16xi32>,
      %get3A_38 = vector.shape_cast %get3A_37 : vector<16xi32> to vector<16xi32>
      %get3A_39 = arith.constant 32 : index
      %get3A_40 = tpu.vector_load %arg6[%get3A_39] {strides = array<i32>} : memref<1664xi32, #tpu.memory_space<vmem>>, vector<16xi32>,
      %get3A_41 = vector.shape_cast %get3A_40 : vector<16xi32> to vector<16xi32>
      %add3A_42 = arith.addi %get3A_38, %get3A_41 : vector<16xi32>
      %swap3A_43 = arith.constant 0 : i32
      %swap3A_44 = arith.index_cast %swap3A_43 : i32 to index
      %swap3A_45 = arith.constant 32 : index
      %swap3A_46 = tpu.vector_load %arg8[%swap3A_44, %swap3A_45] {strides = array<i32>} : memref<13x128xi32, #tpu.memory_space<vmem>>, vector<1x16xi32>,
      %swap3A_47 = vector.shape_cast %swap3A_46 : vector<1x16xi32> to vector<16xi32>
      %swap3A_48 = vector.shape_cast %add3A_42 : vector<16xi32> to vector<1x16xi32>
      tpu.vector_store %arg8[%swap3A_44, %swap3A_45], %swap3A_48 {strides = array<i32>} : memref<13x128xi32, #tpu.memory_space<vmem>>, vector<1x16xi32>,
      %get3A_49 = arith.constant 48 : index
      %get3A_50 = tpu.vector_load %arg7[%get3A_49] {strides = array<i32>} : memref<1664xi32, #tpu.memory_space<vmem>>, vector<16xi32>,
      %get3A_51 = vector.shape_cast %get3A_50 : vector<16xi32> to vector<16xi32>
      %get3A_52 = arith.constant 48 : index
      %get3A_53 = tpu.vector_load %arg6[%get3A_52] {strides = array<i32>} : memref<1664xi32, #tpu.memory_space<vmem>>, vector<16xi32>,
      %get3A_54 = vector.shape_cast %get3A_53 : vector<16xi32> to vector<16xi32>
      %add3A_55 = arith.addi %get3A_51, %get3A_54 : vector<16xi32>
      %swap3A_56 = arith.constant 0 : i32
      %swap3A_57 = arith.index_cast %swap3A_56 : i32 to index
      %swap3A_58 = arith.constant 48 : index
      %swap3A_59 = tpu.vector_load %arg8[%swap3A_57, %swap3A_58] {strides = array<i32>} : memref<13x128xi32, #tpu.memory_space<vmem>>, vector<1x16xi32>,
      %swap3A_60 = vector.shape_cast %swap3A_59 : vector<1x16xi32> to vector<16xi32>
      %swap3A_61 = vector.shape_cast %add3A_55 : vector<16xi32> to vector<1x16xi32>
      tpu.vector_store %arg8[%swap3A_57, %swap3A_58], %swap3A_61 {strides = array<i32>} : memref<13x128xi32, #tpu.memory_space<vmem>>, vector<1x16xi32>,
      %get3A_62 = arith.constant 64 : index
      %get3A_63 = tpu.vector_load %arg7[%get3A_62] {strides = array<i32>} : memref<1664xi32, #tpu.memory_space<vmem>>, vector<16xi32>,
      %get3A_64 = vector.shape_cast %get3A_63 : vector<16xi32> to vector<16xi32>
      %get3A_65 = arith.constant 64 : index
      %get3A_66 = tpu.vector_load %arg6[%get3A_65] {strides = array<i32>} : memref<1664xi32, #tpu.memory_space<vmem>>, vector<16xi32>,
      %get3A_67 = vector.shape_cast %get3A_66 : vector<16xi32> to vector<16xi32>
      %add3A_68 = arith.addi %get3A_64, %get3A_67 : vector<16xi32>
      %swap3A_69 = arith.constant 0 : i32
      %swap3A_70 = arith.index_cast %swap3A_69 : i32 to index
      %swap3A_71 = arith.constant 64 : index
      %swap3A_72 = tpu.vector_load %arg8[%swap3A_70, %swap3A_71] {strides = array<i32>} : memref<13x128xi32, #tpu.memory_space<vmem>>, vector<1x16xi32>,
      %swap3A_73 = vector.shape_cast %swap3A_72 : vector<1x16xi32> to vector<16xi32>
      %swap3A_74 = vector.shape_cast %add3A_68 : vector<16xi32> to vector<1x16xi32>
      tpu.vector_store %arg8[%swap3A_70, %swap3A_71], %swap3A_74 {strides = array<i32>} : memref<13x128xi32, #tpu.memory_space<vmem>>, vector<1x16xi32>,
      %get3A_75 = arith.constant 80 : index
      %get3A_76 = tpu.vector_load %arg7[%get3A_75] {strides = array<i32>} : memref<1664xi32, #tpu.memory_space<vmem>>, vector<16xi32>,
      %get3A_77 = vector.shape_cast %get3A_76 : vector<16xi32> to vector<16xi32>
      %get3A_78 = arith.constant 80 : index
      %get3A_79 = tpu.vector_load %arg6[%get3A_78] {strides = array<i32>} : memref<1664xi32, #tpu.memory_space<vmem>>, vector<16xi32>,
      %get3A_80 = vector.shape_cast %get3A_79 : vector<16xi32> to vector<16xi32>
      %add3A_81 = arith.addi %get3A_77, %get3A_80 : vector<16xi32>
      %swap3A_82 = arith.constant 0 : i32
      %swap3A_83 = arith.index_cast %swap3A_82 : i32 to index
      %swap3A_84 = arith.constant 80 : index
      %swap3A_85 = tpu.vector_load %arg8[%swap3A_83, %swap3A_84] {strides = array<i32>} : memref<13x128xi32, #tpu.memory_space<vmem>>, vector<1x16xi32>,
      %swap3A_86 = vector.shape_cast %swap3A_85 : vector<1x16xi32> to vector<16xi32>
      %swap3A_87 = vector.shape_cast %add3A_81 : vector<16xi32> to vector<1x16xi32>
      tpu.vector_store %arg8[%swap3A_83, %swap3A_84], %swap3A_87 {strides = array<i32>} : memref<13x128xi32, #tpu.memory_space<vmem>>, vector<1x16xi32>,
      %get3A_88 = arith.constant 96 : index
      %get3A_89 = tpu.vector_load %arg7[%get3A_88] {strides = array<i32>} : memref<1664xi32, #tpu.memory_space<vmem>>, vector<16xi32>,
      %get3A_90 = vector.shape_cast %get3A_89 : vector<16xi32> to vector<16xi32>
      %get3A_91 = arith.constant 96 : index
      %get3A_92 = tpu.vector_load %arg6[%get3A_91] {strides = array<i32>} : memref<1664xi32, #tpu.memory_space<vmem>>, vector<16xi32>,
      %get3A_93 = vector.shape_cast %get3A_92 : vector<16xi32> to vector<16xi32>
      %add3A_94 = arith.addi %get3A_90, %get3A_93 : vector<16xi32>
      %swap3A_95 = arith.constant 0 : i32
      %swap3A_96 = arith.index_cast %swap3A_95 : i32 to index
      %swap3A_97 = arith.constant 96 : index
      %swap3A_98 = tpu.vector_load %arg8[%swap3A_96, %swap3A_97] {strides = array<i32>} : memref<13x128xi32, #tpu.memory_space<vmem>>, vector<1x16xi32>,
      %swap3A_99 = vector.shape_cast %swap3A_98 : vector<1x16xi32> to vector<16xi32>
      %swap3A_100 = vector.shape_cast %add3A_94 : vector<16xi32> to vector<1x16xi32>
      tpu.vector_store %arg8[%swap3A_96, %swap3A_97], %swap3A_100 {strides = array<i32>} : memref<13x128xi32, #tpu.memory_space<vmem>>, vector<1x16xi32>,
      %get3A_101 = arith.constant 112 : index
      %get3A_102 = tpu.vector_load %arg7[%get3A_101] {strides = array<i32>} : memref<1664xi32, #tpu.memory_space<vmem>>, vector<16xi32>,
      %get3A_103 = vector.shape_cast %get3A_102 : vector<16xi32> to vector<16xi32>
      %get3A_104 = arith.constant 112 : index
      %get3A_105 = tpu.vector_load %arg6[%get3A_104] {strides = array<i32>} : memref<1664xi32, #tpu.memory_space<vmem>>, vector<16xi32>,
      %get3A_106 = vector.shape_cast %get3A_105 : vector<16xi32> to vector<16xi32>
      %add3A_107 = arith.addi %get3A_103, %get3A_106 : vector<16xi32>
      %swap3A_108 = arith.constant 0 : i32
      %swap3A_109 = arith.index_cast %swap3A_108 : i32 to index
      %swap3A_110 = arith.constant 112 : index
      %swap3A_111 = tpu.vector_load %arg8[%swap3A_109, %swap3A_110] {strides = array<i32>} : memref<13x128xi32, #tpu.memory_space<vmem>>, vector<1x16xi32>,
      %swap3A_112 = vector.shape_cast %swap3A_111 : vector<1x16xi32> to vector<16xi32>
      %swap3A_113 = vector.shape_cast %add3A_107 : vector<16xi32> to vector<1x16xi32>
      tpu.vector_store %arg8[%swap3A_109, %swap3A_110], %swap3A_113 {strides = array<i32>} : memref<13x128xi32, #tpu.memory_space<vmem>>, vector<1x16xi32>,
      %get3A_114 = arith.constant 128 : index
      %get3A_115 = tpu.vector_load %arg7[%get3A_114] {strides = array<i32>} : memref<1664xi32, #tpu.memory_space<vmem>>, vector<16xi32>,
      %get3A_116 = vector.shape_cast %get3A_115 : vector<16xi32> to vector<16xi32>
      %get3A_117 = arith.constant 128 : index
      %get3A_118 = tpu.vector_load %arg6[%get3A_117] {strides = array<i32>} : memref<1664xi32, #tpu.memory_space<vmem>>, vector<16xi32>,
      %get3A_119 = vector.shape_cast %get3A_118 : vector<16xi32> to vector<16xi32>
      %add3A_120 = arith.addi %get3A_116, %get3A_119 : vector<16xi32>
      %swap3A_121 = arith.constant 1 : i32
      %swap3A_122 = arith.index_cast %swap3A_121 : i32 to index
      %swap3A_123 = arith.constant 0 : index
      %swap3A_124 = tpu.vector_load %arg8[%swap3A_122, %swap3A_123] {strides = array<i32>} : memref<13x128xi32, #tpu.memory_space<vmem>>, vector<1x16xi32>,
      %swap3A_125 = vector.shape_cast %swap3A_124 : vector<1x16xi32> to vector<16xi32>
      %swap3A_126 = vector.shape_cast %add3A_120 : vector<16xi32> to vector<1x16xi32>
      tpu.vector_store %arg8[%swap3A_122, %swap3A_123], %swap3A_126 {strides = array<i32>} : memref<13x128xi32, #tpu.memory_space<vmem>>, vector<1x16xi32>,
      %get3A_127 = arith.constant 144 : index
      %get3A_128 = tpu.vector_load %arg7[%get3A_127] {strides = array<i32>} : memref<1664xi32, #tpu.memory_space<vmem>>, vector<16xi32>,
      %get3A_129 = vector.shape_cast %get3A_128 : vector<16xi32> to vector<16xi32>
      %get3A_130 = arith.constant 144 : index
      %get3A_131 = tpu.vector_load %arg6[%get3A_130] {strides = array<i32>} : memref<1664xi32, #tpu.memory_space<vmem>>, vector<16xi32>,
      %get3A_132 = vector.shape_cast %get3A_131 : vector<16xi32> to vector<16xi32>
      %add3A_133 = arith.addi %get3A_129, %get3A_132 : vector<16xi32>
      %swap3A_134 = arith.constant 1 : i32
      %swap3A_135 = arith.index_cast %swap3A_134 : i32 to index
      %swap3A_136 = arith.constant 16 : index
      %swap3A_137 = tpu.vector_load %arg8[%swap3A_135, %swap3A_136] {strides = array<i32>} : memref<13x128xi32, #tpu.memory_space<vmem>>, vector<1x16xi32>,
      %swap3A_138 = vector.shape_cast %swap3A_137 : vector<1x16xi32> to vector<16xi32>
      %swap3A_139 = vector.shape_cast %add3A_133 : vector<16xi32> to vector<1x16xi32>
      tpu.vector_store %arg8[%swap3A_135, %swap3A_136], %swap3A_139 {strides = array<i32>} : memref<13x128xi32, #tpu.memory_space<vmem>>, vector<1x16xi32>,
      %get3A_140 = arith.constant 160 : index
      %get3A_141 = tpu.vector_load %arg7[%get3A_140] {strides = array<i32>} : memref<1664xi32, #tpu.memory_space<vmem>>, vector<16xi32>,
      %get3A_142 = vector.shape_cast %get3A_141 : vector<16xi32> to vector<16xi32>
      %get3A_143 = arith.constant 160 : index
      %get3A_144 = tpu.vector_load %arg6[%get3A_143] {strides = array<i32>} : memref<1664xi32, #tpu.memory_space<vmem>>, vector<16xi32>,
      %get3A_145 = vector.shape_cast %get3A_144 : vector<16xi32> to vector<16xi32>
      %add3A_146 = arith.addi %get3A_142, %get3A_145 : vector<16xi32>
      %swap3A_147 = arith.constant 1 : i32
      %swap3A_148 = arith.index_cast %swap3A_147 : i32 to index
      %swap3A_149 = arith.constant 32 : index
      %swap3A_150 = tpu.vector_load %arg8[%swap3A_148, %swap3A_149] {strides = array<i32>} : memref<13x128xi32, #tpu.memory_space<vmem>>, vector<1x16xi32>,
      %swap3A_151 = vector.shape_cast %swap3A_150 : vector<1x16xi32> to vector<16xi32>
      %swap3A_152 = vector.shape_cast %add3A_146 : vector<16xi32> to vector<1x16xi32>
      tpu.vector_store %arg8[%swap3A_148, %swap3A_149], %swap3A_152 {strides = array<i32>} : memref<13x128xi32, #tpu.memory_space<vmem>>, vector<1x16xi32>,
      %get3A_153 = arith.constant 176 : index
      %get3A_154 = tpu.vector_load %arg7[%get3A_153] {strides = array<i32>} : memref<1664xi32, #tpu.memory_space<vmem>>, vector<16xi32>,
      %get3A_155 = vector.shape_cast %get3A_154 : vector<16xi32> to vector<16xi32>
      %get3A_156 = arith.constant 176 : index
      %get3A_157 = tpu.vector_load %arg6[%get3A_156] {strides = array<i32>} : memref<1664xi32, #tpu.memory_space<vmem>>, vector<16xi32>,
      %get3A_158 = vector.shape_cast %get3A_157 : vector<16xi32> to vector<16xi32>
      %add3A_159 = arith.addi %get3A_155, %get3A_158 : vector<16xi32>
      %swap3A_160 = arith.constant 1 : i32
      %swap3A_161 = arith.index_cast %swap3A_160 : i32 to index
      %swap3A_162 = arith.constant 48 : index
      %swap3A_163 = tpu.vector_load %arg8[%swap3A_161, %swap3A_162] {strides = array<i32>} : memref<13x128xi32, #tpu.memory_space<vmem>>, vector<1x16xi32>,
      %swap3A_164 = vector.shape_cast %swap3A_163 : vector<1x16xi32> to vector<16xi32>
      %swap3A_165 = vector.shape_cast %add3A_159 : vector<16xi32> to vector<1x16xi32>
      tpu.vector_store %arg8[%swap3A_161, %swap3A_162], %swap3A_165 {strides = array<i32>} : memref<13x128xi32, #tpu.memory_space<vmem>>, vector<1x16xi32>,
      %get3A_166 = arith.constant 192 : index
      %get3A_167 = tpu.vector_load %arg7[%get3A_166] {strides = array<i32>} : memref<1664xi32, #tpu.memory_space<vmem>>, vector<16xi32>,
      %get3A_168 = vector.shape_cast %get3A_167 : vector<16xi32> to vector<16xi32>
      %get3A_169 = arith.constant 192 : index
      %get3A_170 = tpu.vector_load %arg6[%get3A_169] {strides = array<i32>} : memref<1664xi32, #tpu.memory_space<vmem>>, vector<16xi32>,
      %get3A_171 = vector.shape_cast %get3A_170 : vector<16xi32> to vector<16xi32>
      %add3A_172 = arith.addi %get3A_168, %get3A_171 : vector<16xi32>
      %swap3A_173 = arith.constant 1 : i32
      %swap3A_174 = arith.index_cast %swap3A_173 : i32 to index
      %swap3A_175 = arith.constant 64 : index
      %swap3A_176 = tpu.vector_load %arg8[%swap3A_174, %swap3A_175] {strides = array<i32>} : memref<13x128xi32, #tpu.memory_space<vmem>>, vector<1x16xi32>,
      %swap3A_177 = vector.shape_cast %swap3A_176 : vector<1x16xi32> to vector<16xi32>
      %swap3A_178 = vector.shape_cast %add3A_172 : vector<16xi32> to vector<1x16xi32>
      tpu.vector_store %arg8[%swap3A_174, %swap3A_175], %swap3A_178 {strides = array<i32>} : memref<13x128xi32, #tpu.memory_space<vmem>>, vector<1x16xi32>,
      %get3A_179 = arith.constant 208 : index
      %get3A_180 = tpu.vector_load %arg7[%get3A_179] {strides = array<i32>} : memref<1664xi32, #tpu.memory_space<vmem>>, vector<16xi32>,
      %get3A_181 = vector.shape_cast %get3A_180 : vector<16xi32> to vector<16xi32>
      %get3A_182 = arith.constant 208 : index
      %get3A_183 = tpu.vector_load %arg6[%get3A_182] {strides = array<i32>} : memref<1664xi32, #tpu.memory_space<vmem>>, vector<16xi32>,
      %get3A_184 = vector.shape_cast %get3A_183 : vector<16xi32> to vector<16xi32>
      %add3A_185 = arith.addi %get3A_181, %get3A_184 : vector<16xi32>
      %swap3A_186 = arith.constant 1 : i32
      %swap3A_187 = arith.index_cast %swap3A_186 : i32 to index
      %swap3A_188 = arith.constant 80 : index
      %swap3A_189 = tpu.vector_load %arg8[%swap3A_187, %swap3A_188] {strides = array<i32>} : memref<13x128xi32, #tpu.memory_space<vmem>>, vector<1x16xi32>,
      %swap3A_190 = vector.shape_cast %swap3A_189 : vector<1x16xi32> to vector<16xi32>
      %swap3A_191 = vector.shape_cast %add3A_185 : vector<16xi32> to vector<1x16xi32>
      tpu.vector_store %arg8[%swap3A_187, %swap3A_188], %swap3A_191 {strides = array<i32>} : memref<13x128xi32, #tpu.memory_space<vmem>>, vector<1x16xi32>,
      %get3A_192 = arith.constant 224 : index
      %get3A_193 = tpu.vector_load %arg7[%get3A_192] {strides = array<i32>} : memref<1664xi32, #tpu.memory_space<vmem>>, vector<16xi32>,
      %get3A_194 = vector.shape_cast %get3A_193 : vector<16xi32> to vector<16xi32>
      %get3A_195 = arith.constant 224 : index
      %get3A_196 = tpu.vector_load %arg6[%get3A_195] {strides = array<i32>} : memref<1664xi32, #tpu.memory_space<vmem>>, vector<16xi32>,
      %get3A_197 = vector.shape_cast %get3A_196 : vector<16xi32> to vector<16xi32>
      %add3A_198 = arith.addi %get3A_194, %get3A_197 : vector<16xi32>
      %swap3A_199 = arith.constant 1 : i32
      %swap3A_200 = arith.index_cast %swap3A_199 : i32 to index
      %swap3A_201 = arith.constant 96 : index
      %swap3A_202 = tpu.vector_load %arg8[%swap3A_200, %swap3A_201] {strides = array<i32>} : memref<13x128xi32, #tpu.memory_space<vmem>>, vector<1x16xi32>,
      %swap3A_203 = vector.shape_cast %swap3A_202 : vector<1x16xi32> to vector<16xi32>
      %swap3A_204 = vector.shape_cast %add3A_198 : vector<16xi32> to vector<1x16xi32>
      tpu.vector_store %arg8[%swap3A_200, %swap3A_201], %swap3A_204 {strides = array<i32>} : memref<13x128xi32, #tpu.memory_space<vmem>>, vector<1x16xi32>,
      %get3A_205 = arith.constant 240 : index
      %get3A_206 = tpu.vector_load %arg7[%get3A_205] {strides = array<i32>} : memref<1664xi32, #tpu.memory_space<vmem>>, vector<16xi32>,
      %get3A_207 = vector.shape_cast %get3A_206 : vector<16xi32> to vector<16xi32>
      %get3A_208 = arith.constant 240 : index
      %get3A_209 = tpu.vector_load %arg6[%get3A_208] {strides = array<i32>} : memref<1664xi32, #tpu.memory_space<vmem>>, vector<16xi32>,
      %get3A_210 = vector.shape_cast %get3A_209 : vector<16xi32> to vector<16xi32>
      %add3A_211 = arith.addi %get3A_207, %get3A_210 : vector<16xi32>
      %swap3A_212 = arith.constant 1 : i32
      %swap3A_213 = arith.index_cast %swap3A_212 : i32 to index
      %swap3A_214 = arith.constant 112 : index
      %swap3A_215 = tpu.vector_load %arg8[%swap3A_213, %swap3A_214] {strides = array<i32>} : memref<13x128xi32, #tpu.memory_space<vmem>>, vector<1x16xi32>,
      %swap3A_216 = vector.shape_cast %swap3A_215 : vector<1x16xi32> to vector<16xi32>
      %swap3A_217 = vector.shape_cast %add3A_211 : vector<16xi32> to vector<1x16xi32>
      tpu.vector_store %arg8[%swap3A_213, %swap3A_214], %swap3A_217 {strides = array<i32>} : memref<13x128xi32, #tpu.memory_space<vmem>>, vector<1x16xi32>,
      %get3A_218 = arith.constant 256 : index
      %get3A_219 = tpu.vector_load %arg7[%get3A_218] {strides = array<i32>} : memref<1664xi32, #tpu.memory_space<vmem>>, vector<16xi32>,
      %get3A_220 = vector.shape_cast %get3A_219 : vector<16xi32> to vector<16xi32>
      %get3A_221 = arith.constant 256 : index
      %get3A_222 = tpu.vector_load %arg6[%get3A_221] {strides = array<i32>} : memref<1664xi32, #tpu.memory_space<vmem>>, vector<16xi32>,
      %get3A_223 = vector.shape_cast %get3A_222 : vector<16xi32> to vector<16xi32>
      %add3A_224 = arith.addi %get3A_220, %get3A_223 : vector<16xi32>
      %swap3A_225 = arith.constant 2 : i32
      %swap3A_226 = arith.index_cast %swap3A_225 : i32 to index
      %swap3A_227 = arith.constant 0 : index
      %swap3A_228 = tpu.vector_load %arg8[%swap3A_226, %swap3A_227] {strides = array<i32>} : memref<13x128xi32, #tpu.memory_space<vmem>>, vector<1x16xi32>,
      %swap3A_229 = vector.shape_cast %swap3A_228 : vector<1x16xi32> to vector<16xi32>
      %swap3A_230 = vector.shape_cast %add3A_224 : vector<16xi32> to vector<1x16xi32>
      tpu.vector_store %arg8[%swap3A_226, %swap3A_227], %swap3A_230 {strides = array<i32>} : memref<13x128xi32, #tpu.memory_space<vmem>>, vector<1x16xi32>,
      %get3A_231 = arith.constant 272 : index
      %get3A_232 = tpu.vector_load %arg7[%get3A_231] {strides = array<i32>} : memref<1664xi32, #tpu.memory_space<vmem>>, vector<16xi32>,
      %get3A_233 = vector.shape_cast %get3A_232 : vector<16xi32> to vector<16xi32>
      %get3A_234 = arith.constant 272 : index
      %get3A_235 = tpu.vector_load %arg6[%get3A_234] {strides = array<i32>} : memref<1664xi32, #tpu.memory_space<vmem>>, vector<16xi32>,
      %get3A_236 = vector.shape_cast %get3A_235 : vector<16xi32> to vector<16xi32>
      %add3A_237 = arith.addi %get3A_233, %get3A_236 : vector<16xi32>
      %swap3A_238 = arith.constant 2 : i32
      %swap3A_239 = arith.index_cast %swap3A_238 : i32 to index
      %swap3A_240 = arith.constant 16 : index
      %swap3A_241 = tpu.vector_load %arg8[%swap3A_239, %swap3A_240] {strides = array<i32>} : memref<13x128xi32, #tpu.memory_space<vmem>>, vector<1x16xi32>,
      %swap3A_242 = vector.shape_cast %swap3A_241 : vector<1x16xi32> to vector<16xi32>
      %swap3A_243 = vector.shape_cast %add3A_237 : vector<16xi32> to vector<1x16xi32>
      tpu.vector_store %arg8[%swap3A_239, %swap3A_240], %swap3A_243 {strides = array<i32>} : memref<13x128xi32, #tpu.memory_space<vmem>>, vector<1x16xi32>,
      %get3A_244 = arith.constant 288 : index
      %get3A_245 = tpu.vector_load %arg7[%get3A_244] {strides = array<i32>} : memref<1664xi32, #tpu.memory_space<vmem>>, vector<16xi32>,
      %get3A_246 = vector.shape_cast %get3A_245 : vector<16xi32> to vector<16xi32>
      %get3A_247 = arith.constant 288 : index
      %get3A_248 = tpu.vector_load %arg6[%get3A_247] {strides = array<i32>} : memref<1664xi32, #tpu.memory_space<vmem>>, vector<16xi32>,
      %get3A_249 = vector.shape_cast %get3A_248 : vector<16xi32> to vector<16xi32>
      %add3A_250 = arith.addi %get3A_246, %get3A_249 : vector<16xi32>
      %swap3A_251 = arith.constant 2 : i32
      %swap3A_252 = arith.index_cast %swap3A_251 : i32 to index
      %swap3A_253 = arith.constant 32 : index
      %swap3A_254 = tpu.vector_load %arg8[%swap3A_252, %swap3A_253] {strides = array<i32>} : memref<13x128xi32, #tpu.memory_space<vmem>>, vector<1x16xi32>,
      %swap3A_255 = vector.shape_cast %swap3A_254 : vector<1x16xi32> to vector<16xi32>
      %swap3A_256 = vector.shape_cast %add3A_250 : vector<16xi32> to vector<1x16xi32>
      tpu.vector_store %arg8[%swap3A_252, %swap3A_253], %swap3A_256 {strides = array<i32>} : memref<13x128xi32, #tpu.memory_space<vmem>>, vector<1x16xi32>,
      %get3A_257 = arith.constant 304 : index
      %get3A_258 = tpu.vector_load %arg7[%get3A_257] {strides = array<i32>} : memref<1664xi32, #tpu.memory_space<vmem>>, vector<16xi32>,
      %get3A_259 = vector.shape_cast %get3A_258 : vector<16xi32> to vector<16xi32>
      %get3A_260 = arith.constant 304 : index
      %get3A_261 = tpu.vector_load %arg6[%get3A_260] {strides = array<i32>} : memref<1664xi32, #tpu.memory_space<vmem>>, vector<16xi32>,
      %get3A_262 = vector.shape_cast %get3A_261 : vector<16xi32> to vector<16xi32>
      %add3A_263 = arith.addi %get3A_259, %get3A_262 : vector<16xi32>
      %swap3A_264 = arith.constant 2 : i32
      %swap3A_265 = arith.index_cast %swap3A_264 : i32 to index
      %swap3A_266 = arith.constant 48 : index
      %swap3A_267 = tpu.vector_load %arg8[%swap3A_265, %swap3A_266] {strides = array<i32>} : memref<13x128xi32, #tpu.memory_space<vmem>>, vector<1x16xi32>,
      %swap3A_268 = vector.shape_cast %swap3A_267 : vector<1x16xi32> to vector<16xi32>
      %swap3A_269 = vector.shape_cast %add3A_263 : vector<16xi32> to vector<1x16xi32>
      tpu.vector_store %arg8[%swap3A_265, %swap3A_266], %swap3A_269 {strides = array<i32>} : memref<13x128xi32, #tpu.memory_space<vmem>>, vector<1x16xi32>,
      %get3A_270 = arith.constant 320 : index
      %get3A_271 = tpu.vector_load %arg7[%get3A_270] {strides = array<i32>} : memref<1664xi32, #tpu.memory_space<vmem>>, vector<16xi32>,
      %get3A_272 = vector.shape_cast %get3A_271 : vector<16xi32> to vector<16xi32>
      %get3A_273 = arith.constant 320 : index
      %get3A_274 = tpu.vector_load %arg6[%get3A_273] {strides = array<i32>} : memref<1664xi32, #tpu.memory_space<vmem>>, vector<16xi32>,
      %get3A_275 = vector.shape_cast %get3A_274 : vector<16xi32> to vector<16xi32>
      %add3A_276 = arith.addi %get3A_272, %get3A_275 : vector<16xi32>
      %swap3A_277 = arith.constant 2 : i32
      %swap3A_278 = arith.index_cast %swap3A_277 : i32 to index
      %swap3A_279 = arith.constant 64 : index
      %swap3A_280 = tpu.vector_load %arg8[%swap3A_278, %swap3A_279] {strides = array<i32>} : memref<13x128xi32, #tpu.memory_space<vmem>>, vector<1x16xi32>,
      %swap3A_281 = vector.shape_cast %swap3A_280 : vector<1x16xi32> to vector<16xi32>
      %swap3A_282 = vector.shape_cast %add3A_276 : vector<16xi32> to vector<1x16xi32>
      tpu.vector_store %arg8[%swap3A_278, %swap3A_279], %swap3A_282 {strides = array<i32>} : memref<13x128xi32, #tpu.memory_space<vmem>>, vector<1x16xi32>,
      %get3A_283 = arith.constant 336 : index
      %get3A_284 = tpu.vector_load %arg7[%get3A_283] {strides = array<i32>} : memref<1664xi32, #tpu.memory_space<vmem>>, vector<16xi32>,
      %get3A_285 = vector.shape_cast %get3A_284 : vector<16xi32> to vector<16xi32>
      %get3A_286 = arith.constant 336 : index
      %get3A_287 = tpu.vector_load %arg6[%get3A_286] {strides = array<i32>} : memref<1664xi32, #tpu.memory_space<vmem>>, vector<16xi32>,
      %get3A_288 = vector.shape_cast %get3A_287 : vector<16xi32> to vector<16xi32>
      %add3A_289 = arith.addi %get3A_285, %get3A_288 : vector<16xi32>
      %swap3A_290 = arith.constant 2 : i32
      %swap3A_291 = arith.index_cast %swap3A_290 : i32 to index
      %swap3A_292 = arith.constant 80 : index
      %swap3A_293 = tpu.vector_load %arg8[%swap3A_291, %swap3A_292] {strides = array<i32>} : memref<13x128xi32, #tpu.memory_space<vmem>>, vector<1x16xi32>,
      %swap3A_294 = vector.shape_cast %swap3A_293 : vector<1x16xi32> to vector<16xi32>
      %swap3A_295 = vector.shape_cast %add3A_289 : vector<16xi32> to vector<1x16xi32>
      tpu.vector_store %arg8[%swap3A_291, %swap3A_292], %swap3A_295 {strides = array<i32>} : memref<13x128xi32, #tpu.memory_space<vmem>>, vector<1x16xi32>,
      %get3A_296 = arith.constant 352 : index
      %get3A_297 = tpu.vector_load %arg7[%get3A_296] {strides = array<i32>} : memref<1664xi32, #tpu.memory_space<vmem>>, vector<16xi32>,
      %get3A_298 = vector.shape_cast %get3A_297 : vector<16xi32> to vector<16xi32>
      %get3A_299 = arith.constant 352 : index
      %get3A_300 = tpu.vector_load %arg6[%get3A_299] {strides = array<i32>} : memref<1664xi32, #tpu.memory_space<vmem>>, vector<16xi32>,
      %get3A_301 = vector.shape_cast %get3A_300 : vector<16xi32> to vector<16xi32>
      %add3A_302 = arith.addi %get3A_298, %get3A_301 : vector<16xi32>
      %swap3A_303 = arith.constant 2 : i32
      %swap3A_304 = arith.index_cast %swap3A_303 : i32 to index
      %swap3A_305 = arith.constant 96 : index
      %swap3A_306 = tpu.vector_load %arg8[%swap3A_304, %swap3A_305] {strides = array<i32>} : memref<13x128xi32, #tpu.memory_space<vmem>>, vector<1x16xi32>,
      %swap3A_307 = vector.shape_cast %swap3A_306 : vector<1x16xi32> to vector<16xi32>
      %swap3A_308 = vector.shape_cast %add3A_302 : vector<16xi32> to vector<1x16xi32>
      tpu.vector_store %arg8[%swap3A_304, %swap3A_305], %swap3A_308 {strides = array<i32>} : memref<13x128xi32, #tpu.memory_space<vmem>>, vector<1x16xi32>,
      %get3A_309 = arith.constant 368 : index
      %get3A_310 = tpu.vector_load %arg7[%get3A_309] {strides = array<i32>} : memref<1664xi32, #tpu.memory_space<vmem>>, vector<16xi32>,
      %get3A_311 = vector.shape_cast %get3A_310 : vector<16xi32> to vector<16xi32>
      %get3A_312 = arith.constant 368 : index
      %get3A_313 = tpu.vector_load %arg6[%get3A_312] {strides = array<i32>} : memref<1664xi32, #tpu.memory_space<vmem>>, vector<16xi32>,
      %get3A_314 = vector.shape_cast %get3A_313 : vector<16xi32> to vector<16xi32>
      %add3A_315 = arith.addi %get3A_311, %get3A_314 : vector<16xi32>
      %swap3A_316 = arith.constant 2 : i32
      %swap3A_317 = arith.index_cast %swap3A_316 : i32 to index
      %swap3A_318 = arith.constant 112 : index
      %swap3A_319 = tpu.vector_load %arg8[%swap3A_317, %swap3A_318] {strides = array<i32>} : memref<13x128xi32, #tpu.memory_space<vmem>>, vector<1x16xi32>,
      %swap3A_320 = vector.shape_cast %swap3A_319 : vector<1x16xi32> to vector<16xi32>
      %swap3A_321 = vector.shape_cast %add3A_315 : vector<16xi32> to vector<1x16xi32>
      tpu.vector_store %arg8[%swap3A_317, %swap3A_318], %swap3A_321 {strides = array<i32>} : memref<13x128xi32, #tpu.memory_space<vmem>>, vector<1x16xi32>,
      %get3A_322 = arith.constant 384 : index
      %get3A_323 = tpu.vector_load %arg7[%get3A_322] {strides = array<i32>} : memref<1664xi32, #tpu.memory_space<vmem>>, vector<16xi32>,
      %get3A_324 = vector.shape_cast %get3A_323 : vector<16xi32> to vector<16xi32>
      %get3A_325 = arith.constant 384 : index
      %get3A_326 = tpu.vector_load %arg6[%get3A_325] {strides = array<i32>} : memref<1664xi32, #tpu.memory_space<vmem>>, vector<16xi32>,
      %get3A_327 = vector.shape_cast %get3A_326 : vector<16xi32> to vector<16xi32>
      %add3A_328 = arith.addi %get3A_324, %get3A_327 : vector<16xi32>
      %swap3A_329 = arith.constant 3 : i32
      %swap3A_330 = arith.index_cast %swap3A_329 : i32 to index
      %swap3A_331 = arith.constant 0 : index
      %swap3A_332 = tpu.vector_load %arg8[%swap3A_330, %swap3A_331] {strides = array<i32>} : memref<13x128xi32, #tpu.memory_space<vmem>>, vector<1x16xi32>,
      %swap3A_333 = vector.shape_cast %swap3A_332 : vector<1x16xi32> to vector<16xi32>
      %swap3A_334 = vector.shape_cast %add3A_328 : vector<16xi32> to vector<1x16xi32>
      tpu.vector_store %arg8[%swap3A_330, %swap3A_331], %swap3A_334 {strides = array<i32>} : memref<13x128xi32, #tpu.memory_space<vmem>>, vector<1x16xi32>,
      %get3A_335 = arith.constant 400 : index
      %get3A_336 = tpu.vector_load %arg7[%get3A_335] {strides = array<i32>} : memref<1664xi32, #tpu.memory_space<vmem>>, vector<16xi32>,
      %get3A_337 = vector.shape_cast %get3A_336 : vector<16xi32> to vector<16xi32>
      %get3A_338 = arith.constant 400 : index
      %get3A_339 = tpu.vector_load %arg6[%get3A_338] {strides = array<i32>} : memref<1664xi32, #tpu.memory_space<vmem>>, vector<16xi32>,
      %get3A_340 = vector.shape_cast %get3A_339 : vector<16xi32> to vector<16xi32>
      %add3A_341 = arith.addi %get3A_337, %get3A_340 : vector<16xi32>
      %swap3A_342 = arith.constant 3 : i32
      %swap3A_343 = arith.index_cast %swap3A_342 : i32 to index
      %swap3A_344 = arith.constant 16 : index
      %swap3A_345 = tpu.vector_load %arg8[%swap3A_343, %swap3A_344] {strides = array<i32>} : memref<13x128xi32, #tpu.memory_space<vmem>>, vector<1x16xi32>,
      %swap3A_346 = vector.shape_cast %swap3A_345 : vector<1x16xi32> to vector<16xi32>
      %swap3A_347 = vector.shape_cast %add3A_341 : vector<16xi32> to vector<1x16xi32>
      tpu.vector_store %arg8[%swap3A_343, %swap3A_344], %swap3A_347 {strides = array<i32>} : memref<13x128xi32, #tpu.memory_space<vmem>>, vector<1x16xi32>,
      %get3A_348 = arith.constant 416 : index
      %get3A_349 = tpu.vector_load %arg7[%get3A_348] {strides = array<i32>} : memref<1664xi32, #tpu.memory_space<vmem>>, vector<16xi32>,
      %get3A_350 = vector.shape_cast %get3A_349 : vector<16xi32> to vector<16xi32>
      %get3A_351 = arith.constant 416 : index
      %get3A_352 = tpu.vector_load %arg6[%get3A_351] {strides = array<i32>} : memref<1664xi32, #tpu.memory_space<vmem>>, vector<16xi32>,
      %get3A_353 = vector.shape_cast %get3A_352 : vector<16xi32> to vector<16xi32>
      %add3A_354 = arith.addi %get3A_350, %get3A_353 : vector<16xi32>
      %swap3A_355 = arith.constant 3 : i32
      %swap3A_356 = arith.index_cast %swap3A_355 : i32 to index
      %swap3A_357 = arith.constant 32 : index
      %swap3A_358 = tpu.vector_load %arg8[%swap3A_356, %swap3A_357] {strides = array<i32>} : memref<13x128xi32, #tpu.memory_space<vmem>>, vector<1x16xi32>,
      %swap3A_359 = vector.shape_cast %swap3A_358 : vector<1x16xi32> to vector<16xi32>
      %swap3A_360 = vector.shape_cast %add3A_354 : vector<16xi32> to vector<1x16xi32>
      tpu.vector_store %arg8[%swap3A_356, %swap3A_357], %swap3A_360 {strides = array<i32>} : memref<13x128xi32, #tpu.memory_space<vmem>>, vector<1x16xi32>,
      %get3A_361 = arith.constant 432 : index
      %get3A_362 = tpu.vector_load %arg7[%get3A_361] {strides = array<i32>} : memref<1664xi32, #tpu.memory_space<vmem>>, vector<16xi32>,
      %get3A_363 = vector.shape_cast %get3A_362 : vector<16xi32> to vector<16xi32>
      %get3A_364 = arith.constant 432 : index
      %get3A_365 = tpu.vector_load %arg6[%get3A_364] {strides = array<i32>} : memref<1664xi32, #tpu.memory_space<vmem>>, vector<16xi32>,
      %get3A_366 = vector.shape_cast %get3A_365 : vector<16xi32> to vector<16xi32>
      %add3A_367 = arith.addi %get3A_363, %get3A_366 : vector<16xi32>
      %swap3A_368 = arith.constant 3 : i32
      %swap3A_369 = arith.index_cast %swap3A_368 : i32 to index
      %swap3A_370 = arith.constant 48 : index
      %swap3A_371 = tpu.vector_load %arg8[%swap3A_369, %swap3A_370] {strides = array<i32>} : memref<13x128xi32, #tpu.memory_space<vmem>>, vector<1x16xi32>,
      %swap3A_372 = vector.shape_cast %swap3A_371 : vector<1x16xi32> to vector<16xi32>
      %swap3A_373 = vector.shape_cast %add3A_367 : vector<16xi32> to vector<1x16xi32>
      tpu.vector_store %arg8[%swap3A_369, %swap3A_370], %swap3A_373 {strides = array<i32>} : memref<13x128xi32, #tpu.memory_space<vmem>>, vector<1x16xi32>,
      %get3A_374 = arith.constant 448 : index
      %get3A_375 = tpu.vector_load %arg7[%get3A_374] {strides = array<i32>} : memref<1664xi32, #tpu.memory_space<vmem>>, vector<16xi32>,
      %get3A_376 = vector.shape_cast %get3A_375 : vector<16xi32> to vector<16xi32>
      %get3A_377 = arith.constant 448 : index
      %get3A_378 = tpu.vector_load %arg6[%get3A_377] {strides = array<i32>} : memref<1664xi32, #tpu.memory_space<vmem>>, vector<16xi32>,
      %get3A_379 = vector.shape_cast %get3A_378 : vector<16xi32> to vector<16xi32>
      %add3A_380 = arith.addi %get3A_376, %get3A_379 : vector<16xi32>
      %swap3A_381 = arith.constant 3 : i32
      %swap3A_382 = arith.index_cast %swap3A_381 : i32 to index
      %swap3A_383 = arith.constant 64 : index
      %swap3A_384 = tpu.vector_load %arg8[%swap3A_382, %swap3A_383] {strides = array<i32>} : memref<13x128xi32, #tpu.memory_space<vmem>>, vector<1x16xi32>,
      %swap3A_385 = vector.shape_cast %swap3A_384 : vector<1x16xi32> to vector<16xi32>
      %swap3A_386 = vector.shape_cast %add3A_380 : vector<16xi32> to vector<1x16xi32>
      tpu.vector_store %arg8[%swap3A_382, %swap3A_383], %swap3A_386 {strides = array<i32>} : memref<13x128xi32, #tpu.memory_space<vmem>>, vector<1x16xi32>,
      %get3A_387 = arith.constant 464 : index
      %get3A_388 = tpu.vector_load %arg7[%get3A_387] {strides = array<i32>} : memref<1664xi32, #tpu.memory_space<vmem>>, vector<16xi32>,
      %get3A_389 = vector.shape_cast %get3A_388 : vector<16xi32> to vector<16xi32>
      %get3A_390 = arith.constant 464 : index
      %get3A_391 = tpu.vector_load %arg6[%get3A_390] {strides = array<i32>} : memref<1664xi32, #tpu.memory_space<vmem>>, vector<16xi32>,
      %get3A_392 = vector.shape_cast %get3A_391 : vector<16xi32> to vector<16xi32>
      %add3A_393 = arith.addi %get3A_389, %get3A_392 : vector<16xi32>
      %swap3A_394 = arith.constant 3 : i32
      %swap3A_395 = arith.index_cast %swap3A_394 : i32 to index
      %swap3A_396 = arith.constant 80 : index
      %swap3A_397 = tpu.vector_load %arg8[%swap3A_395, %swap3A_396] {strides = array<i32>} : memref<13x128xi32, #tpu.memory_space<vmem>>, vector<1x16xi32>,
      %swap3A_398 = vector.shape_cast %swap3A_397 : vector<1x16xi32> to vector<16xi32>
      %swap3A_399 = vector.shape_cast %add3A_393 : vector<16xi32> to vector<1x16xi32>
      tpu.vector_store %arg8[%swap3A_395, %swap3A_396], %swap3A_399 {strides = array<i32>} : memref<13x128xi32, #tpu.memory_space<vmem>>, vector<1x16xi32>,
      %get3A_400 = arith.constant 480 : index
      %get3A_401 = tpu.vector_load %arg7[%get3A_400] {strides = array<i32>} : memref<1664xi32, #tpu.memory_space<vmem>>, vector<16xi32>,
      %get3A_402 = vector.shape_cast %get3A_401 : vector<16xi32> to vector<16xi32>
      %get3A_403 = arith.constant 480 : index
      %get3A_404 = tpu.vector_load %arg6[%get3A_403] {strides = array<i32>} : memref<1664xi32, #tpu.memory_space<vmem>>, vector<16xi32>,
      %get3A_405 = vector.shape_cast %get3A_404 : vector<16xi32> to vector<16xi32>
      %add3A_406 = arith.addi %get3A_402, %get3A_405 : vector<16xi32>
      %swap3A_407 = arith.constant 3 : i32
      %swap3A_408 = arith.index_cast %swap3A_407 : i32 to index
      %swap3A_409 = arith.constant 96 : index
      %swap3A_410 = tpu.vector_load %arg8[%swap3A_408, %swap3A_409] {strides = array<i32>} : memref<13x128xi32, #tpu.memory_space<vmem>>, vector<1x16xi32>,
      %swap3A_411 = vector.shape_cast %swap3A_410 : vector<1x16xi32> to vector<16xi32>
      %swap3A_412 = vector.shape_cast %add3A_406 : vector<16xi32> to vector<1x16xi32>
      tpu.vector_store %arg8[%swap3A_408, %swap3A_409], %swap3A_412 {strides = array<i32>} : memref<13x128xi32, #tpu.memory_space<vmem>>, vector<1x16xi32>,
      %get3A_413 = arith.constant 496 : index
      %get3A_414 = tpu.vector_load %arg7[%get3A_413] {strides = array<i32>} : memref<1664xi32, #tpu.memory_space<vmem>>, vector<16xi32>,
      %get3A_415 = vector.shape_cast %get3A_414 : vector<16xi32> to vector<16xi32>
      %get3A_416 = arith.constant 496 : index
      %get3A_417 = tpu.vector_load %arg6[%get3A_416] {strides = array<i32>} : memref<1664xi32, #tpu.memory_space<vmem>>, vector<16xi32>,
      %get3A_418 = vector.shape_cast %get3A_417 : vector<16xi32> to vector<16xi32>
      %add3A_419 = arith.addi %get3A_415, %get3A_418 : vector<16xi32>
      %swap3A_420 = arith.constant 3 : i32
      %swap3A_421 = arith.index_cast %swap3A_420 : i32 to index
      %swap3A_422 = arith.constant 112 : index
      %swap3A_423 = tpu.vector_load %arg8[%swap3A_421, %swap3A_422] {strides = array<i32>} : memref<13x128xi32, #tpu.memory_space<vmem>>, vector<1x16xi32>,
      %swap3A_424 = vector.shape_cast %swap3A_423 : vector<1x16xi32> to vector<16xi32>
      %swap3A_425 = vector.shape_cast %add3A_419 : vector<16xi32> to vector<1x16xi32>
      tpu.vector_store %arg8[%swap3A_421, %swap3A_422], %swap3A_425 {strides = array<i32>} : memref<13x128xi32, #tpu.memory_space<vmem>>, vector<1x16xi32>,
      %get3A_426 = arith.constant 512 : index
      %get3A_427 = tpu.vector_load %arg7[%get3A_426] {strides = array<i32>} : memref<1664xi32, #tpu.memory_space<vmem>>, vector<16xi32>,
      %get3A_428 = vector.shape_cast %get3A_427 : vector<16xi32> to vector<16xi32>
      %get3A_429 = arith.constant 512 : index
      %get3A_430 = tpu.vector_load %arg6[%get3A_429] {strides = array<i32>} : memref<1664xi32, #tpu.memory_space<vmem>>, vector<16xi32>,
      %get3A_431 = vector.shape_cast %get3A_430 : vector<16xi32> to vector<16xi32>
      %add3A_432 = arith.addi %get3A_428, %get3A_431 : vector<16xi32>
      %swap3A_433 = arith.constant 4 : i32
      %swap3A_434 = arith.index_cast %swap3A_433 : i32 to index
      %swap3A_435 = arith.constant 0 : index
      %swap3A_436 = tpu.vector_load %arg8[%swap3A_434, %swap3A_435] {strides = array<i32>} : memref<13x128xi32, #tpu.memory_space<vmem>>, vector<1x16xi32>,
      %swap3A_437 = vector.shape_cast %swap3A_436 : vector<1x16xi32> to vector<16xi32>
      %swap3A_438 = vector.shape_cast %add3A_432 : vector<16xi32> to vector<1x16xi32>
      tpu.vector_store %arg8[%swap3A_434, %swap3A_435], %swap3A_438 {strides = array<i32>} : memref<13x128xi32, #tpu.memory_space<vmem>>, vector<1x16xi32>,
      %get3A_439 = arith.constant 528 : index
      %get3A_440 = tpu.vector_load %arg7[%get3A_439] {strides = array<i32>} : memref<1664xi32, #tpu.memory_space<vmem>>, vector<16xi32>,
      %get3A_441 = vector.shape_cast %get3A_440 : vector<16xi32> to vector<16xi32>
      %get3A_442 = arith.constant 528 : index
      %get3A_443 = tpu.vector_load %arg6[%get3A_442] {strides = array<i32>} : memref<1664xi32, #tpu.memory_space<vmem>>, vector<16xi32>,
      %get3A_444 = vector.shape_cast %get3A_443 : vector<16xi32> to vector<16xi32>
      %add3A_445 = arith.addi %get3A_441, %get3A_444 : vector<16xi32>
      %swap3A_446 = arith.constant 4 : i32
      %swap3A_447 = arith.index_cast %swap3A_446 : i32 to index
      %swap3A_448 = arith.constant 16 : index
      %swap3A_449 = tpu.vector_load %arg8[%swap3A_447, %swap3A_448] {strides = array<i32>} : memref<13x128xi32, #tpu.memory_space<vmem>>, vector<1x16xi32>,
      %swap3A_450 = vector.shape_cast %swap3A_449 : vector<1x16xi32> to vector<16xi32>
      %swap3A_451 = vector.shape_cast %add3A_445 : vector<16xi32> to vector<1x16xi32>
      tpu.vector_store %arg8[%swap3A_447, %swap3A_448], %swap3A_451 {strides = array<i32>} : memref<13x128xi32, #tpu.memory_space<vmem>>, vector<1x16xi32>,
      %get3A_452 = arith.constant 544 : index
      %get3A_453 = tpu.vector_load %arg7[%get3A_452] {strides = array<i32>} : memref<1664xi32, #tpu.memory_space<vmem>>, vector<16xi32>,
      %get3A_454 = vector.shape_cast %get3A_453 : vector<16xi32> to vector<16xi32>
      %get3A_455 = arith.constant 544 : index
      %get3A_456 = tpu.vector_load %arg6[%get3A_455] {strides = array<i32>} : memref<1664xi32, #tpu.memory_space<vmem>>, vector<16xi32>,
      %get3A_457 = vector.shape_cast %get3A_456 : vector<16xi32> to vector<16xi32>
      %add3A_458 = arith.addi %get3A_454, %get3A_457 : vector<16xi32>
      %swap3A_459 = arith.constant 4 : i32
      %swap3A_460 = arith.index_cast %swap3A_459 : i32 to index
      %swap3A_461 = arith.constant 32 : index
      %swap3A_462 = tpu.vector_load %arg8[%swap3A_460, %swap3A_461] {strides = array<i32>} : memref<13x128xi32, #tpu.memory_space<vmem>>, vector<1x16xi32>,
      %swap3A_463 = vector.shape_cast %swap3A_462 : vector<1x16xi32> to vector<16xi32>
      %swap3A_464 = vector.shape_cast %add3A_458 : vector<16xi32> to vector<1x16xi32>
      tpu.vector_store %arg8[%swap3A_460, %swap3A_461], %swap3A_464 {strides = array<i32>} : memref<13x128xi32, #tpu.memory_space<vmem>>, vector<1x16xi32>,
      %get3A_465 = arith.constant 560 : index
      %get3A_466 = tpu.vector_load %arg7[%get3A_465] {strides = array<i32>} : memref<1664xi32, #tpu.memory_space<vmem>>, vector<16xi32>,
      %get3A_467 = vector.shape_cast %get3A_466 : vector<16xi32> to vector<16xi32>
      %get3A_468 = arith.constant 560 : index
      %get3A_469 = tpu.vector_load %arg6[%get3A_468] {strides = array<i32>} : memref<1664xi32, #tpu.memory_space<vmem>>, vector<16xi32>,
      %get3A_470 = vector.shape_cast %get3A_469 : vector<16xi32> to vector<16xi32>
      %add3A_471 = arith.addi %get3A_467, %get3A_470 : vector<16xi32>
      %swap3A_472 = arith.constant 4 : i32
      %swap3A_473 = arith.index_cast %swap3A_472 : i32 to index
      %swap3A_474 = arith.constant 48 : index
      %swap3A_475 = tpu.vector_load %arg8[%swap3A_473, %swap3A_474] {strides = array<i32>} : memref<13x128xi32, #tpu.memory_space<vmem>>, vector<1x16xi32>,
      %swap3A_476 = vector.shape_cast %swap3A_475 : vector<1x16xi32> to vector<16xi32>
      %swap3A_477 = vector.shape_cast %add3A_471 : vector<16xi32> to vector<1x16xi32>
      tpu.vector_store %arg8[%swap3A_473, %swap3A_474], %swap3A_477 {strides = array<i32>} : memref<13x128xi32, #tpu.memory_space<vmem>>, vector<1x16xi32>,
      %get3A_478 = arith.constant 576 : index
      %get3A_479 = tpu.vector_load %arg7[%get3A_478] {strides = array<i32>} : memref<1664xi32, #tpu.memory_space<vmem>>, vector<16xi32>,
      %get3A_480 = vector.shape_cast %get3A_479 : vector<16xi32> to vector<16xi32>
      %get3A_481 = arith.constant 576 : index
      %get3A_482 = tpu.vector_load %arg6[%get3A_481] {strides = array<i32>} : memref<1664xi32, #tpu.memory_space<vmem>>, vector<16xi32>,
      %get3A_483 = vector.shape_cast %get3A_482 : vector<16xi32> to vector<16xi32>
      %add3A_484 = arith.addi %get3A_480, %get3A_483 : vector<16xi32>
      %swap3A_485 = arith.constant 4 : i32
      %swap3A_486 = arith.index_cast %swap3A_485 : i32 to index
      %swap3A_487 = arith.constant 64 : index
      %swap3A_488 = tpu.vector_load %arg8[%swap3A_486, %swap3A_487] {strides = array<i32>} : memref<13x128xi32, #tpu.memory_space<vmem>>, vector<1x16xi32>,
      %swap3A_489 = vector.shape_cast %swap3A_488 : vector<1x16xi32> to vector<16xi32>
      %swap3A_490 = vector.shape_cast %add3A_484 : vector<16xi32> to vector<1x16xi32>
      tpu.vector_store %arg8[%swap3A_486, %swap3A_487], %swap3A_490 {strides = array<i32>} : memref<13x128xi32, #tpu.memory_space<vmem>>, vector<1x16xi32>,
      %get3A_491 = arith.constant 592 : index
      %get3A_492 = tpu.vector_load %arg7[%get3A_491] {strides = array<i32>} : memref<1664xi32, #tpu.memory_space<vmem>>, vector<16xi32>,
      %get3A_493 = vector.shape_cast %get3A_492 : vector<16xi32> to vector<16xi32>
      %get3A_494 = arith.constant 592 : index
      %get3A_495 = tpu.vector_load %arg6[%get3A_494] {strides = array<i32>} : memref<1664xi32, #tpu.memory_space<vmem>>, vector<16xi32>,
      %get3A_496 = vector.shape_cast %get3A_495 : vector<16xi32> to vector<16xi32>
      %add3A_497 = arith.addi %get3A_493, %get3A_496 : vector<16xi32>
      %swap3A_498 = arith.constant 4 : i32
      %swap3A_499 = arith.index_cast %swap3A_498 : i32 to index
      %swap3A_500 = arith.constant 80 : index
      %swap3A_501 = tpu.vector_load %arg8[%swap3A_499, %swap3A_500] {strides = array<i32>} : memref<13x128xi32, #tpu.memory_space<vmem>>, vector<1x16xi32>,
      %swap3A_502 = vector.shape_cast %swap3A_501 : vector<1x16xi32> to vector<16xi32>
      %swap3A_503 = vector.shape_cast %add3A_497 : vector<16xi32> to vector<1x16xi32>
      tpu.vector_store %arg8[%swap3A_499, %swap3A_500], %swap3A_503 {strides = array<i32>} : memref<13x128xi32, #tpu.memory_space<vmem>>, vector<1x16xi32>,
      %get3A_504 = arith.constant 608 : index
      %get3A_505 = tpu.vector_load %arg7[%get3A_504] {strides = array<i32>} : memref<1664xi32, #tpu.memory_space<vmem>>, vector<16xi32>,
      %get3A_506 = vector.shape_cast %get3A_505 : vector<16xi32> to vector<16xi32>
      %get3A_507 = arith.constant 608 : index
      %get3A_508 = tpu.vector_load %arg6[%get3A_507] {strides = array<i32>} : memref<1664xi32, #tpu.memory_space<vmem>>, vector<16xi32>,
      %get3A_509 = vector.shape_cast %get3A_508 : vector<16xi32> to vector<16xi32>
      %add3A_510 = arith.addi %get3A_506, %get3A_509 : vector<16xi32>
      %swap3A_511 = arith.constant 4 : i32
      %swap3A_512 = arith.index_cast %swap3A_511 : i32 to index
      %swap3A_513 = arith.constant 96 : index
      %swap3A_514 = tpu.vector_load %arg8[%swap3A_512, %swap3A_513] {strides = array<i32>} : memref<13x128xi32, #tpu.memory_space<vmem>>, vector<1x16xi32>,
      %swap3A_515 = vector.shape_cast %swap3A_514 : vector<1x16xi32> to vector<16xi32>
      %swap3A_516 = vector.shape_cast %add3A_510 : vector<16xi32> to vector<1x16xi32>
      tpu.vector_store %arg8[%swap3A_512, %swap3A_513], %swap3A_516 {strides = array<i32>} : memref<13x128xi32, #tpu.memory_space<vmem>>, vector<1x16xi32>,
      %get3A_517 = arith.constant 624 : index
      %get3A_518 = tpu.vector_load %arg7[%get3A_517] {strides = array<i32>} : memref<1664xi32, #tpu.memory_space<vmem>>, vector<16xi32>,
      %get3A_519 = vector.shape_cast %get3A_518 : vector<16xi32> to vector<16xi32>
      %get3A_520 = arith.constant 624 : index
      %get3A_521 = tpu.vector_load %arg6[%get3A_520] {strides = array<i32>} : memref<1664xi32, #tpu.memory_space<vmem>>, vector<16xi32>,
      %get3A_522 = vector.shape_cast %get3A_521 : vector<16xi32> to vector<16xi32>
      %add3A_523 = arith.addi %get3A_519, %get3A_522 : vector<16xi32>
      %swap3A_524 = arith.constant 4 : i32
      %swap3A_525 = arith.index_cast %swap3A_524 : i32 to index
      %swap3A_526 = arith.constant 112 : index
      %swap3A_527 = tpu.vector_load %arg8[%swap3A_525, %swap3A_526] {strides = array<i32>} : memref<13x128xi32, #tpu.memory_space<vmem>>, vector<1x16xi32>,
      %swap3A_528 = vector.shape_cast %swap3A_527 : vector<1x16xi32> to vector<16xi32>
      %swap3A_529 = vector.shape_cast %add3A_523 : vector<16xi32> to vector<1x16xi32>
      tpu.vector_store %arg8[%swap3A_525, %swap3A_526], %swap3A_529 {strides = array<i32>} : memref<13x128xi32, #tpu.memory_space<vmem>>, vector<1x16xi32>,
      %get3A_530 = arith.constant 640 : index
      %get3A_531 = tpu.vector_load %arg7[%get3A_530] {strides = array<i32>} : memref<1664xi32, #tpu.memory_space<vmem>>, vector<16xi32>,
      %get3A_532 = vector.shape_cast %get3A_531 : vector<16xi32> to vector<16xi32>
      %get3A_533 = arith.constant 640 : index
      %get3A_534 = tpu.vector_load %arg6[%get3A_533] {strides = array<i32>} : memref<1664xi32, #tpu.memory_space<vmem>>, vector<16xi32>,
      %get3A_535 = vector.shape_cast %get3A_534 : vector<16xi32> to vector<16xi32>
      %add3A_536 = arith.addi %get3A_532, %get3A_535 : vector<16xi32>
      %swap3A_537 = arith.constant 5 : i32
      %swap3A_538 = arith.index_cast %swap3A_537 : i32 to index
      %swap3A_539 = arith.constant 0 : index
      %swap3A_540 = tpu.vector_load %arg8[%swap3A_538, %swap3A_539] {strides = array<i32>} : memref<13x128xi32, #tpu.memory_space<vmem>>, vector<1x16xi32>,
      %swap3A_541 = vector.shape_cast %swap3A_540 : vector<1x16xi32> to vector<16xi32>
      %swap3A_542 = vector.shape_cast %add3A_536 : vector<16xi32> to vector<1x16xi32>
      tpu.vector_store %arg8[%swap3A_538, %swap3A_539], %swap3A_542 {strides = array<i32>} : memref<13x128xi32, #tpu.memory_space<vmem>>, vector<1x16xi32>,
      %get3A_543 = arith.constant 656 : index
      %get3A_544 = tpu.vector_load %arg7[%get3A_543] {strides = array<i32>} : memref<1664xi32, #tpu.memory_space<vmem>>, vector<16xi32>,
      %get3A_545 = vector.shape_cast %get3A_544 : vector<16xi32> to vector<16xi32>
      %get3A_546 = arith.constant 656 : index
      %get3A_547 = tpu.vector_load %arg6[%get3A_546] {strides = array<i32>} : memref<1664xi32, #tpu.memory_space<vmem>>, vector<16xi32>,
      %get3A_548 = vector.shape_cast %get3A_547 : vector<16xi32> to vector<16xi32>
      %add3A_549 = arith.addi %get3A_545, %get3A_548 : vector<16xi32>
      %swap3A_550 = arith.constant 5 : i32
      %swap3A_551 = arith.index_cast %swap3A_550 : i32 to index
      %swap3A_552 = arith.constant 16 : index
      %swap3A_553 = tpu.vector_load %arg8[%swap3A_551, %swap3A_552] {strides = array<i32>} : memref<13x128xi32, #tpu.memory_space<vmem>>, vector<1x16xi32>,
      %swap3A_554 = vector.shape_cast %swap3A_553 : vector<1x16xi32> to vector<16xi32>
      %swap3A_555 = vector.shape_cast %add3A_549 : vector<16xi32> to vector<1x16xi32>
      tpu.vector_store %arg8[%swap3A_551, %swap3A_552], %swap3A_555 {strides = array<i32>} : memref<13x128xi32, #tpu.memory_space<vmem>>, vector<1x16xi32>,
      %get3A_556 = arith.constant 672 : index
      %get3A_557 = tpu.vector_load %arg7[%get3A_556] {strides = array<i32>} : memref<1664xi32, #tpu.memory_space<vmem>>, vector<16xi32>,
      %get3A_558 = vector.shape_cast %get3A_557 : vector<16xi32> to vector<16xi32>
      %get3A_559 = arith.constant 672 : index
      %get3A_560 = tpu.vector_load %arg6[%get3A_559] {strides = array<i32>} : memref<1664xi32, #tpu.memory_space<vmem>>, vector<16xi32>,
      %get3A_561 = vector.shape_cast %get3A_560 : vector<16xi32> to vector<16xi32>
      %add3A_562 = arith.addi %get3A_558, %get3A_561 : vector<16xi32>
      %swap3A_563 = arith.constant 5 : i32
      %swap3A_564 = arith.index_cast %swap3A_563 : i32 to index
      %swap3A_565 = arith.constant 32 : index
      %swap3A_566 = tpu.vector_load %arg8[%swap3A_564, %swap3A_565] {strides = array<i32>} : memref<13x128xi32, #tpu.memory_space<vmem>>, vector<1x16xi32>,
      %swap3A_567 = vector.shape_cast %swap3A_566 : vector<1x16xi32> to vector<16xi32>
      %swap3A_568 = vector.shape_cast %add3A_562 : vector<16xi32> to vector<1x16xi32>
      tpu.vector_store %arg8[%swap3A_564, %swap3A_565], %swap3A_568 {strides = array<i32>} : memref<13x128xi32, #tpu.memory_space<vmem>>, vector<1x16xi32>,
      %get3A_569 = arith.constant 688 : index
      %get3A_570 = tpu.vector_load %arg7[%get3A_569] {strides = array<i32>} : memref<1664xi32, #tpu.memory_space<vmem>>, vector<16xi32>,
      %get3A_571 = vector.shape_cast %get3A_570 : vector<16xi32> to vector<16xi32>
      %get3A_572 = arith.constant 688 : index
      %get3A_573 = tpu.vector_load %arg6[%get3A_572] {strides = array<i32>} : memref<1664xi32, #tpu.memory_space<vmem>>, vector<16xi32>,
      %get3A_574 = vector.shape_cast %get3A_573 : vector<16xi32> to vector<16xi32>
      %add3A_575 = arith.addi %get3A_571, %get3A_574 : vector<16xi32>
      %swap3A_576 = arith.constant 5 : i32
      %swap3A_577 = arith.index_cast %swap3A_576 : i32 to index
      %swap3A_578 = arith.constant 48 : index
      %swap3A_579 = tpu.vector_load %arg8[%swap3A_577, %swap3A_578] {strides = array<i32>} : memref<13x128xi32, #tpu.memory_space<vmem>>, vector<1x16xi32>,
      %swap3A_580 = vector.shape_cast %swap3A_579 : vector<1x16xi32> to vector<16xi32>
      %swap3A_581 = vector.shape_cast %add3A_575 : vector<16xi32> to vector<1x16xi32>
      tpu.vector_store %arg8[%swap3A_577, %swap3A_578], %swap3A_581 {strides = array<i32>} : memref<13x128xi32, #tpu.memory_space<vmem>>, vector<1x16xi32>,
      %get3A_582 = arith.constant 704 : index
      %get3A_583 = tpu.vector_load %arg7[%get3A_582] {strides = array<i32>} : memref<1664xi32, #tpu.memory_space<vmem>>, vector<16xi32>,
      %get3A_584 = vector.shape_cast %get3A_583 : vector<16xi32> to vector<16xi32>
      %get3A_585 = arith.constant 704 : index
      %get3A_586 = tpu.vector_load %arg6[%get3A_585] {strides = array<i32>} : memref<1664xi32, #tpu.memory_space<vmem>>, vector<16xi32>,
      %get3A_587 = vector.shape_cast %get3A_586 : vector<16xi32> to vector<16xi32>
      %add3A_588 = arith.addi %get3A_584, %get3A_587 : vector<16xi32>
      %swap3A_589 = arith.constant 5 : i32
      %swap3A_590 = arith.index_cast %swap3A_589 : i32 to index
      %swap3A_591 = arith.constant 64 : index
      %swap3A_592 = tpu.vector_load %arg8[%swap3A_590, %swap3A_591] {strides = array<i32>} : memref<13x128xi32, #tpu.memory_space<vmem>>, vector<1x16xi32>,
      %swap3A_593 = vector.shape_cast %swap3A_592 : vector<1x16xi32> to vector<16xi32>
      %swap3A_594 = vector.shape_cast %add3A_588 : vector<16xi32> to vector<1x16xi32>
      tpu.vector_store %arg8[%swap3A_590, %swap3A_591], %swap3A_594 {strides = array<i32>} : memref<13x128xi32, #tpu.memory_space<vmem>>, vector<1x16xi32>,
      %get3A_595 = arith.constant 720 : index
      %get3A_596 = tpu.vector_load %arg7[%get3A_595] {strides = array<i32>} : memref<1664xi32, #tpu.memory_space<vmem>>, vector<16xi32>,
      %get3A_597 = vector.shape_cast %get3A_596 : vector<16xi32> to vector<16xi32>
      %get3A_598 = arith.constant 720 : index
      %get3A_599 = tpu.vector_load %arg6[%get3A_598] {strides = array<i32>} : memref<1664xi32, #tpu.memory_space<vmem>>, vector<16xi32>,
      %get3A_600 = vector.shape_cast %get3A_599 : vector<16xi32> to vector<16xi32>
      %add3A_601 = arith.addi %get3A_597, %get3A_600 : vector<16xi32>
      %swap3A_602 = arith.constant 5 : i32
      %swap3A_603 = arith.index_cast %swap3A_602 : i32 to index
      %swap3A_604 = arith.constant 80 : index
      %swap3A_605 = tpu.vector_load %arg8[%swap3A_603, %swap3A_604] {strides = array<i32>} : memref<13x128xi32, #tpu.memory_space<vmem>>, vector<1x16xi32>,
      %swap3A_606 = vector.shape_cast %swap3A_605 : vector<1x16xi32> to vector<16xi32>
      %swap3A_607 = vector.shape_cast %add3A_601 : vector<16xi32> to vector<1x16xi32>
      tpu.vector_store %arg8[%swap3A_603, %swap3A_604], %swap3A_607 {strides = array<i32>} : memref<13x128xi32, #tpu.memory_space<vmem>>, vector<1x16xi32>,
      %get3A_608 = arith.constant 736 : index
      %get3A_609 = tpu.vector_load %arg7[%get3A_608] {strides = array<i32>} : memref<1664xi32, #tpu.memory_space<vmem>>, vector<16xi32>,
      %get3A_610 = vector.shape_cast %get3A_609 : vector<16xi32> to vector<16xi32>
      %get3A_611 = arith.constant 736 : index
      %get3A_612 = tpu.vector_load %arg6[%get3A_611] {strides = array<i32>} : memref<1664xi32, #tpu.memory_space<vmem>>, vector<16xi32>,
      %get3A_613 = vector.shape_cast %get3A_612 : vector<16xi32> to vector<16xi32>
      %add3A_614 = arith.addi %get3A_610, %get3A_613 : vector<16xi32>
      %swap3A_615 = arith.constant 5 : i32
      %swap3A_616 = arith.index_cast %swap3A_615 : i32 to index
      %swap3A_617 = arith.constant 96 : index
      %swap3A_618 = tpu.vector_load %arg8[%swap3A_616, %swap3A_617] {strides = array<i32>} : memref<13x128xi32, #tpu.memory_space<vmem>>, vector<1x16xi32>,
      %swap3A_619 = vector.shape_cast %swap3A_618 : vector<1x16xi32> to vector<16xi32>
      %swap3A_620 = vector.shape_cast %add3A_614 : vector<16xi32> to vector<1x16xi32>
      tpu.vector_store %arg8[%swap3A_616, %swap3A_617], %swap3A_620 {strides = array<i32>} : memref<13x128xi32, #tpu.memory_space<vmem>>, vector<1x16xi32>,
      %get3A_621 = arith.constant 752 : index
      %get3A_622 = tpu.vector_load %arg7[%get3A_621] {strides = array<i32>} : memref<1664xi32, #tpu.memory_space<vmem>>, vector<16xi32>,
      %get3A_623 = vector.shape_cast %get3A_622 : vector<16xi32> to vector<16xi32>
      %get3A_624 = arith.constant 752 : index
      %get3A_625 = tpu.vector_load %arg6[%get3A_624] {strides = array<i32>} : memref<1664xi32, #tpu.memory_space<vmem>>, vector<16xi32>,
      %get3A_626 = vector.shape_cast %get3A_625 : vector<16xi32> to vector<16xi32>
      %add3A_627 = arith.addi %get3A_623, %get3A_626 : vector<16xi32>
      %swap3A_628 = arith.constant 5 : i32
      %swap3A_629 = arith.index_cast %swap3A_628 : i32 to index
      %swap3A_630 = arith.constant 112 : index
      %swap3A_631 = tpu.vector_load %arg8[%swap3A_629, %swap3A_630] {strides = array<i32>} : memref<13x128xi32, #tpu.memory_space<vmem>>, vector<1x16xi32>,
      %swap3A_632 = vector.shape_cast %swap3A_631 : vector<1x16xi32> to vector<16xi32>
      %swap3A_633 = vector.shape_cast %add3A_627 : vector<16xi32> to vector<1x16xi32>
      tpu.vector_store %arg8[%swap3A_629, %swap3A_630], %swap3A_633 {strides = array<i32>} : memref<13x128xi32, #tpu.memory_space<vmem>>, vector<1x16xi32>,
      %get3A_634 = arith.constant 768 : index
      %get3A_635 = tpu.vector_load %arg7[%get3A_634] {strides = array<i32>} : memref<1664xi32, #tpu.memory_space<vmem>>, vector<16xi32>,
      %get3A_636 = vector.shape_cast %get3A_635 : vector<16xi32> to vector<16xi32>
      %get3A_637 = arith.constant 768 : index
      %get3A_638 = tpu.vector_load %arg6[%get3A_637] {strides = array<i32>} : memref<1664xi32, #tpu.memory_space<vmem>>, vector<16xi32>,
      %get3A_639 = vector.shape_cast %get3A_638 : vector<16xi32> to vector<16xi32>
      %add3A_640 = arith.addi %get3A_636, %get3A_639 : vector<16xi32>
      %swap3A_641 = arith.constant 6 : i32
      %swap3A_642 = arith.index_cast %swap3A_641 : i32 to index
      %swap3A_643 = arith.constant 0 : index
      %swap3A_644 = tpu.vector_load %arg8[%swap3A_642, %swap3A_643] {strides = array<i32>} : memref<13x128xi32, #tpu.memory_space<vmem>>, vector<1x16xi32>,
      %swap3A_645 = vector.shape_cast %swap3A_644 : vector<1x16xi32> to vector<16xi32>
      %swap3A_646 = vector.shape_cast %add3A_640 : vector<16xi32> to vector<1x16xi32>
      tpu.vector_store %arg8[%swap3A_642, %swap3A_643], %swap3A_646 {strides = array<i32>} : memref<13x128xi32, #tpu.memory_space<vmem>>, vector<1x16xi32>,
      %get3A_647 = arith.constant 784 : index
      %get3A_648 = tpu.vector_load %arg7[%get3A_647] {strides = array<i32>} : memref<1664xi32, #tpu.memory_space<vmem>>, vector<16xi32>,
      %get3A_649 = vector.shape_cast %get3A_648 : vector<16xi32> to vector<16xi32>
      %get3A_650 = arith.constant 784 : index
      %get3A_651 = tpu.vector_load %arg6[%get3A_650] {strides = array<i32>} : memref<1664xi32, #tpu.memory_space<vmem>>, vector<16xi32>,
      %get3A_652 = vector.shape_cast %get3A_651 : vector<16xi32> to vector<16xi32>
      %add3A_653 = arith.addi %get3A_649, %get3A_652 : vector<16xi32>
      %swap3A_654 = arith.constant 6 : i32
      %swap3A_655 = arith.index_cast %swap3A_654 : i32 to index
      %swap3A_656 = arith.constant 16 : index
      %swap3A_657 = tpu.vector_load %arg8[%swap3A_655, %swap3A_656] {strides = array<i32>} : memref<13x128xi32, #tpu.memory_space<vmem>>, vector<1x16xi32>,
      %swap3A_658 = vector.shape_cast %swap3A_657 : vector<1x16xi32> to vector<16xi32>
      %swap3A_659 = vector.shape_cast %add3A_653 : vector<16xi32> to vector<1x16xi32>
      tpu.vector_store %arg8[%swap3A_655, %swap3A_656], %swap3A_659 {strides = array<i32>} : memref<13x128xi32, #tpu.memory_space<vmem>>, vector<1x16xi32>,
      %get3A_660 = arith.constant 800 : index
      %get3A_661 = tpu.vector_load %arg7[%get3A_660] {strides = array<i32>} : memref<1664xi32, #tpu.memory_space<vmem>>, vector<16xi32>,
      %get3A_662 = vector.shape_cast %get3A_661 : vector<16xi32> to vector<16xi32>
      %get3A_663 = arith.constant 800 : index
      %get3A_664 = tpu.vector_load %arg6[%get3A_663] {strides = array<i32>} : memref<1664xi32, #tpu.memory_space<vmem>>, vector<16xi32>,
      %get3A_665 = vector.shape_cast %get3A_664 : vector<16xi32> to vector<16xi32>
      %add3A_666 = arith.addi %get3A_662, %get3A_665 : vector<16xi32>
      %swap3A_667 = arith.constant 6 : i32
      %swap3A_668 = arith.index_cast %swap3A_667 : i32 to index
      %swap3A_669 = arith.constant 32 : index
      %swap3A_670 = tpu.vector_load %arg8[%swap3A_668, %swap3A_669] {strides = array<i32>} : memref<13x128xi32, #tpu.memory_space<vmem>>, vector<1x16xi32>,
      %swap3A_671 = vector.shape_cast %swap3A_670 : vector<1x16xi32> to vector<16xi32>
      %swap3A_672 = vector.shape_cast %add3A_666 : vector<16xi32> to vector<1x16xi32>
      tpu.vector_store %arg8[%swap3A_668, %swap3A_669], %swap3A_672 {strides = array<i32>} : memref<13x128xi32, #tpu.memory_space<vmem>>, vector<1x16xi32>,
      %get3A_673 = arith.constant 816 : index
      %get3A_674 = tpu.vector_load %arg7[%get3A_673] {strides = array<i32>} : memref<1664xi32, #tpu.memory_space<vmem>>, vector<16xi32>,
      %get3A_675 = vector.shape_cast %get3A_674 : vector<16xi32> to vector<16xi32>
      %get3A_676 = arith.constant 816 : index
      %get3A_677 = tpu.vector_load %arg6[%get3A_676] {strides = array<i32>} : memref<1664xi32, #tpu.memory_space<vmem>>, vector<16xi32>,
      %get3A_678 = vector.shape_cast %get3A_677 : vector<16xi32> to vector<16xi32>
      %add3A_679 = arith.addi %get3A_675, %get3A_678 : vector<16xi32>
      %swap3A_680 = arith.constant 6 : i32
      %swap3A_681 = arith.index_cast %swap3A_680 : i32 to index
      %swap3A_682 = arith.constant 48 : index
      %swap3A_683 = tpu.vector_load %arg8[%swap3A_681, %swap3A_682] {strides = array<i32>} : memref<13x128xi32, #tpu.memory_space<vmem>>, vector<1x16xi32>,
      %swap3A_684 = vector.shape_cast %swap3A_683 : vector<1x16xi32> to vector<16xi32>
      %swap3A_685 = vector.shape_cast %add3A_679 : vector<16xi32> to vector<1x16xi32>
      tpu.vector_store %arg8[%swap3A_681, %swap3A_682], %swap3A_685 {strides = array<i32>} : memref<13x128xi32, #tpu.memory_space<vmem>>, vector<1x16xi32>,
      %get3A_686 = arith.constant 832 : index
      %get3A_687 = tpu.vector_load %arg7[%get3A_686] {strides = array<i32>} : memref<1664xi32, #tpu.memory_space<vmem>>, vector<16xi32>,
      %get3A_688 = vector.shape_cast %get3A_687 : vector<16xi32> to vector<16xi32>
      %get3A_689 = arith.constant 832 : index
      %get3A_690 = tpu.vector_load %arg6[%get3A_689] {strides = array<i32>} : memref<1664xi32, #tpu.memory_space<vmem>>, vector<16xi32>,
      %get3A_691 = vector.shape_cast %get3A_690 : vector<16xi32> to vector<16xi32>
      %add3A_692 = arith.addi %get3A_688, %get3A_691 : vector<16xi32>
      %swap3A_693 = arith.constant 6 : i32
      %swap3A_694 = arith.index_cast %swap3A_693 : i32 to index
      %swap3A_695 = arith.constant 64 : index
      %swap3A_696 = tpu.vector_load %arg8[%swap3A_694, %swap3A_695] {strides = array<i32>} : memref<13x128xi32, #tpu.memory_space<vmem>>, vector<1x16xi32>,
      %swap3A_697 = vector.shape_cast %swap3A_696 : vector<1x16xi32> to vector<16xi32>
      %swap3A_698 = vector.shape_cast %add3A_692 : vector<16xi32> to vector<1x16xi32>
      tpu.vector_store %arg8[%swap3A_694, %swap3A_695], %swap3A_698 {strides = array<i32>} : memref<13x128xi32, #tpu.memory_space<vmem>>, vector<1x16xi32>,
      %get3A_699 = arith.constant 848 : index
      %get3A_700 = tpu.vector_load %arg7[%get3A_699] {strides = array<i32>} : memref<1664xi32, #tpu.memory_space<vmem>>, vector<16xi32>,
      %get3A_701 = vector.shape_cast %get3A_700 : vector<16xi32> to vector<16xi32>
      %get3A_702 = arith.constant 848 : index
      %get3A_703 = tpu.vector_load %arg6[%get3A_702] {strides = array<i32>} : memref<1664xi32, #tpu.memory_space<vmem>>, vector<16xi32>,
      %get3A_704 = vector.shape_cast %get3A_703 : vector<16xi32> to vector<16xi32>
      %add3A_705 = arith.addi %get3A_701, %get3A_704 : vector<16xi32>
      %swap3A_706 = arith.constant 6 : i32
      %swap3A_707 = arith.index_cast %swap3A_706 : i32 to index
      %swap3A_708 = arith.constant 80 : index
      %swap3A_709 = tpu.vector_load %arg8[%swap3A_707, %swap3A_708] {strides = array<i32>} : memref<13x128xi32, #tpu.memory_space<vmem>>, vector<1x16xi32>,
      %swap3A_710 = vector.shape_cast %swap3A_709 : vector<1x16xi32> to vector<16xi32>
      %swap3A_711 = vector.shape_cast %add3A_705 : vector<16xi32> to vector<1x16xi32>
      tpu.vector_store %arg8[%swap3A_707, %swap3A_708], %swap3A_711 {strides = array<i32>} : memref<13x128xi32, #tpu.memory_space<vmem>>, vector<1x16xi32>,
      %get3A_712 = arith.constant 864 : index
      %get3A_713 = tpu.vector_load %arg7[%get3A_712] {strides = array<i32>} : memref<1664xi32, #tpu.memory_space<vmem>>, vector<16xi32>,
      %get3A_714 = vector.shape_cast %get3A_713 : vector<16xi32> to vector<16xi32>
      %get3A_715 = arith.constant 864 : index
      %get3A_716 = tpu.vector_load %arg6[%get3A_715] {strides = array<i32>} : memref<1664xi32, #tpu.memory_space<vmem>>, vector<16xi32>,
      %get3A_717 = vector.shape_cast %get3A_716 : vector<16xi32> to vector<16xi32>
      %add3A_718 = arith.addi %get3A_714, %get3A_717 : vector<16xi32>
      %swap3A_719 = arith.constant 6 : i32
      %swap3A_720 = arith.index_cast %swap3A_719 : i32 to index
      %swap3A_721 = arith.constant 96 : index
      %swap3A_722 = tpu.vector_load %arg8[%swap3A_720, %swap3A_721] {strides = array<i32>} : memref<13x128xi32, #tpu.memory_space<vmem>>, vector<1x16xi32>,
      %swap3A_723 = vector.shape_cast %swap3A_722 : vector<1x16xi32> to vector<16xi32>
      %swap3A_724 = vector.shape_cast %add3A_718 : vector<16xi32> to vector<1x16xi32>
      tpu.vector_store %arg8[%swap3A_720, %swap3A_721], %swap3A_724 {strides = array<i32>} : memref<13x128xi32, #tpu.memory_space<vmem>>, vector<1x16xi32>,
      %get3A_725 = arith.constant 880 : index
      %get3A_726 = tpu.vector_load %arg7[%get3A_725] {strides = array<i32>} : memref<1664xi32, #tpu.memory_space<vmem>>, vector<16xi32>,
      %get3A_727 = vector.shape_cast %get3A_726 : vector<16xi32> to vector<16xi32>
      %get3A_728 = arith.constant 880 : index
      %get3A_729 = tpu.vector_load %arg6[%get3A_728] {strides = array<i32>} : memref<1664xi32, #tpu.memory_space<vmem>>, vector<16xi32>,
      %get3A_730 = vector.shape_cast %get3A_729 : vector<16xi32> to vector<16xi32>
      %add3A_731 = arith.addi %get3A_727, %get3A_730 : vector<16xi32>
      %swap3A_732 = arith.constant 6 : i32
      %swap3A_733 = arith.index_cast %swap3A_732 : i32 to index
      %swap3A_734 = arith.constant 112 : index
      %swap3A_735 = tpu.vector_load %arg8[%swap3A_733, %swap3A_734] {strides = array<i32>} : memref<13x128xi32, #tpu.memory_space<vmem>>, vector<1x16xi32>,
      %swap3A_736 = vector.shape_cast %swap3A_735 : vector<1x16xi32> to vector<16xi32>
      %swap3A_737 = vector.shape_cast %add3A_731 : vector<16xi32> to vector<1x16xi32>
      tpu.vector_store %arg8[%swap3A_733, %swap3A_734], %swap3A_737 {strides = array<i32>} : memref<13x128xi32, #tpu.memory_space<vmem>>, vector<1x16xi32>,
      %get3A_738 = arith.constant 896 : index
      %get3A_739 = tpu.vector_load %arg7[%get3A_738] {strides = array<i32>} : memref<1664xi32, #tpu.memory_space<vmem>>, vector<16xi32>,
      %get3A_740 = vector.shape_cast %get3A_739 : vector<16xi32> to vector<16xi32>
      %get3A_741 = arith.constant 896 : index
      %get3A_742 = tpu.vector_load %arg6[%get3A_741] {strides = array<i32>} : memref<1664xi32, #tpu.memory_space<vmem>>, vector<16xi32>,
      %get3A_743 = vector.shape_cast %get3A_742 : vector<16xi32> to vector<16xi32>
      %add3A_744 = arith.addi %get3A_740, %get3A_743 : vector<16xi32>
      %swap3A_745 = arith.constant 7 : i32
      %swap3A_746 = arith.index_cast %swap3A_745 : i32 to index
      %swap3A_747 = arith.constant 0 : index
      %swap3A_748 = tpu.vector_load %arg8[%swap3A_746, %swap3A_747] {strides = array<i32>} : memref<13x128xi32, #tpu.memory_space<vmem>>, vector<1x16xi32>,
      %swap3A_749 = vector.shape_cast %swap3A_748 : vector<1x16xi32> to vector<16xi32>
      %swap3A_750 = vector.shape_cast %add3A_744 : vector<16xi32> to vector<1x16xi32>
      tpu.vector_store %arg8[%swap3A_746, %swap3A_747], %swap3A_750 {strides = array<i32>} : memref<13x128xi32, #tpu.memory_space<vmem>>, vector<1x16xi32>,
      %get3A_751 = arith.constant 912 : index
      %get3A_752 = tpu.vector_load %arg7[%get3A_751] {strides = array<i32>} : memref<1664xi32, #tpu.memory_space<vmem>>, vector<16xi32>,
      %get3A_753 = vector.shape_cast %get3A_752 : vector<16xi32> to vector<16xi32>
      %get3A_754 = arith.constant 912 : index
      %get3A_755 = tpu.vector_load %arg6[%get3A_754] {strides = array<i32>} : memref<1664xi32, #tpu.memory_space<vmem>>, vector<16xi32>,
      %get3A_756 = vector.shape_cast %get3A_755 : vector<16xi32> to vector<16xi32>
      %add3A_757 = arith.addi %get3A_753, %get3A_756 : vector<16xi32>
      %swap3A_758 = arith.constant 7 : i32
      %swap3A_759 = arith.index_cast %swap3A_758 : i32 to index
      %swap3A_760 = arith.constant 16 : index
      %swap3A_761 = tpu.vector_load %arg8[%swap3A_759, %swap3A_760] {strides = array<i32>} : memref<13x128xi32, #tpu.memory_space<vmem>>, vector<1x16xi32>,
      %swap3A_762 = vector.shape_cast %swap3A_761 : vector<1x16xi32> to vector<16xi32>
      %swap3A_763 = vector.shape_cast %add3A_757 : vector<16xi32> to vector<1x16xi32>
      tpu.vector_store %arg8[%swap3A_759, %swap3A_760], %swap3A_763 {strides = array<i32>} : memref<13x128xi32, #tpu.memory_space<vmem>>, vector<1x16xi32>,
      %get3A_764 = arith.constant 928 : index
      %get3A_765 = tpu.vector_load %arg7[%get3A_764] {strides = array<i32>} : memref<1664xi32, #tpu.memory_space<vmem>>, vector<16xi32>,
      %get3A_766 = vector.shape_cast %get3A_765 : vector<16xi32> to vector<16xi32>
      %get3A_767 = arith.constant 928 : index
      %get3A_768 = tpu.vector_load %arg6[%get3A_767] {strides = array<i32>} : memref<1664xi32, #tpu.memory_space<vmem>>, vector<16xi32>,
      %get3A_769 = vector.shape_cast %get3A_768 : vector<16xi32> to vector<16xi32>
      %add3A_770 = arith.addi %get3A_766, %get3A_769 : vector<16xi32>
      %swap3A_771 = arith.constant 7 : i32
      %swap3A_772 = arith.index_cast %swap3A_771 : i32 to index
      %swap3A_773 = arith.constant 32 : index
      %swap3A_774 = tpu.vector_load %arg8[%swap3A_772, %swap3A_773] {strides = array<i32>} : memref<13x128xi32, #tpu.memory_space<vmem>>, vector<1x16xi32>,
      %swap3A_775 = vector.shape_cast %swap3A_774 : vector<1x16xi32> to vector<16xi32>
      %swap3A_776 = vector.shape_cast %add3A_770 : vector<16xi32> to vector<1x16xi32>
      tpu.vector_store %arg8[%swap3A_772, %swap3A_773], %swap3A_776 {strides = array<i32>} : memref<13x128xi32, #tpu.memory_space<vmem>>, vector<1x16xi32>,
      %get3A_777 = arith.constant 944 : index
      %get3A_778 = tpu.vector_load %arg7[%get3A_777] {strides = array<i32>} : memref<1664xi32, #tpu.memory_space<vmem>>, vector<16xi32>,
      %get3A_779 = vector.shape_cast %get3A_778 : vector<16xi32> to vector<16xi32>
      %get3A_780 = arith.constant 944 : index
      %get3A_781 = tpu.vector_load %arg6[%get3A_780] {strides = array<i32>} : memref<1664xi32, #tpu.memory_space<vmem>>, vector<16xi32>,
      %get3A_782 = vector.shape_cast %get3A_781 : vector<16xi32> to vector<16xi32>
      %add3A_783 = arith.addi %get3A_779, %get3A_782 : vector<16xi32>
      %swap3A_784 = arith.constant 7 : i32
      %swap3A_785 = arith.index_cast %swap3A_784 : i32 to index
      %swap3A_786 = arith.constant 48 : index
      %swap3A_787 = tpu.vector_load %arg8[%swap3A_785, %swap3A_786] {strides = array<i32>} : memref<13x128xi32, #tpu.memory_space<vmem>>, vector<1x16xi32>,
      %swap3A_788 = vector.shape_cast %swap3A_787 : vector<1x16xi32> to vector<16xi32>
      %swap3A_789 = vector.shape_cast %add3A_783 : vector<16xi32> to vector<1x16xi32>
      tpu.vector_store %arg8[%swap3A_785, %swap3A_786], %swap3A_789 {strides = array<i32>} : memref<13x128xi32, #tpu.memory_space<vmem>>, vector<1x16xi32>,
      %get3A_790 = arith.constant 960 : index
      %get3A_791 = tpu.vector_load %arg7[%get3A_790] {strides = array<i32>} : memref<1664xi32, #tpu.memory_space<vmem>>, vector<16xi32>,
      %get3A_792 = vector.shape_cast %get3A_791 : vector<16xi32> to vector<16xi32>
      %get3A_793 = arith.constant 960 : index
      %get3A_794 = tpu.vector_load %arg6[%get3A_793] {strides = array<i32>} : memref<1664xi32, #tpu.memory_space<vmem>>, vector<16xi32>,
      %get3A_795 = vector.shape_cast %get3A_794 : vector<16xi32> to vector<16xi32>
      %add3A_796 = arith.addi %get3A_792, %get3A_795 : vector<16xi32>
      %swap3A_797 = arith.constant 7 : i32
      %swap3A_798 = arith.index_cast %swap3A_797 : i32 to index
      %swap3A_799 = arith.constant 64 : index
      %swap3A_800 = tpu.vector_load %arg8[%swap3A_798, %swap3A_799] {strides = array<i32>} : memref<13x128xi32, #tpu.memory_space<vmem>>, vector<1x16xi32>,
      %swap3A_801 = vector.shape_cast %swap3A_800 : vector<1x16xi32> to vector<16xi32>
      %swap3A_802 = vector.shape_cast %add3A_796 : vector<16xi32> to vector<1x16xi32>
      tpu.vector_store %arg8[%swap3A_798, %swap3A_799], %swap3A_802 {strides = array<i32>} : memref<13x128xi32, #tpu.memory_space<vmem>>, vector<1x16xi32>,
      %get3A_803 = arith.constant 976 : index
      %get3A_804 = tpu.vector_load %arg7[%get3A_803] {strides = array<i32>} : memref<1664xi32, #tpu.memory_space<vmem>>, vector<16xi32>,
      %get3A_805 = vector.shape_cast %get3A_804 : vector<16xi32> to vector<16xi32>
      %get3A_806 = arith.constant 976 : index
      %get3A_807 = tpu.vector_load %arg6[%get3A_806] {strides = array<i32>} : memref<1664xi32, #tpu.memory_space<vmem>>, vector<16xi32>,
      %get3A_808 = vector.shape_cast %get3A_807 : vector<16xi32> to vector<16xi32>
      %add3A_809 = arith.addi %get3A_805, %get3A_808 : vector<16xi32>
      %swap3A_810 = arith.constant 7 : i32
      %swap3A_811 = arith.index_cast %swap3A_810 : i32 to index
      %swap3A_812 = arith.constant 80 : index
      %swap3A_813 = tpu.vector_load %arg8[%swap3A_811, %swap3A_812] {strides = array<i32>} : memref<13x128xi32, #tpu.memory_space<vmem>>, vector<1x16xi32>,
      %swap3A_814 = vector.shape_cast %swap3A_813 : vector<1x16xi32> to vector<16xi32>
      %swap3A_815 = vector.shape_cast %add3A_809 : vector<16xi32> to vector<1x16xi32>
      tpu.vector_store %arg8[%swap3A_811, %swap3A_812], %swap3A_815 {strides = array<i32>} : memref<13x128xi32, #tpu.memory_space<vmem>>, vector<1x16xi32>,
      %get3A_816 = arith.constant 992 : index
      %get3A_817 = tpu.vector_load %arg7[%get3A_816] {strides = array<i32>} : memref<1664xi32, #tpu.memory_space<vmem>>, vector<16xi32>,
      %get3A_818 = vector.shape_cast %get3A_817 : vector<16xi32> to vector<16xi32>
      %get3A_819 = arith.constant 992 : index
      %get3A_820 = tpu.vector_load %arg6[%get3A_819] {strides = array<i32>} : memref<1664xi32, #tpu.memory_space<vmem>>, vector<16xi32>,
      %get3A_821 = vector.shape_cast %get3A_820 : vector<16xi32> to vector<16xi32>
      %add3A_822 = arith.addi %get3A_818, %get3A_821 : vector<16xi32>
      %swap3A_823 = arith.constant 7 : i32
      %swap3A_824 = arith.index_cast %swap3A_823 : i32 to index
      %swap3A_825 = arith.constant 96 : index
      %swap3A_826 = tpu.vector_load %arg8[%swap3A_824, %swap3A_825] {strides = array<i32>} : memref<13x128xi32, #tpu.memory_space<vmem>>, vector<1x16xi32>,
      %swap3A_827 = vector.shape_cast %swap3A_826 : vector<1x16xi32> to vector<16xi32>
      %swap3A_828 = vector.shape_cast %add3A_822 : vector<16xi32> to vector<1x16xi32>
      tpu.vector_store %arg8[%swap3A_824, %swap3A_825], %swap3A_828 {strides = array<i32>} : memref<13x128xi32, #tpu.memory_space<vmem>>, vector<1x16xi32>,
      %get3A_829 = arith.constant 1008 : index
      %get3A_830 = tpu.vector_load %arg7[%get3A_829] {strides = array<i32>} : memref<1664xi32, #tpu.memory_space<vmem>>, vector<16xi32>,
      %get3A_831 = vector.shape_cast %get3A_830 : vector<16xi32> to vector<16xi32>
      %get3A_832 = arith.constant 1008 : index
      %get3A_833 = tpu.vector_load %arg6[%get3A_832] {strides = array<i32>} : memref<1664xi32, #tpu.memory_space<vmem>>, vector<16xi32>,
      %get3A_834 = vector.shape_cast %get3A_833 : vector<16xi32> to vector<16xi32>
      %add3A_835 = arith.addi %get3A_831, %get3A_834 : vector<16xi32>
      %swap3A_836 = arith.constant 7 : i32
      %swap3A_837 = arith.index_cast %swap3A_836 : i32 to index
      %swap3A_838 = arith.constant 112 : index
      %swap3A_839 = tpu.vector_load %arg8[%swap3A_837, %swap3A_838] {strides = array<i32>} : memref<13x128xi32, #tpu.memory_space<vmem>>, vector<1x16xi32>,
      %swap3A_840 = vector.shape_cast %swap3A_839 : vector<1x16xi32> to vector<16xi32>
      %swap3A_841 = vector.shape_cast %add3A_835 : vector<16xi32> to vector<1x16xi32>
      tpu.vector_store %arg8[%swap3A_837, %swap3A_838], %swap3A_841 {strides = array<i32>} : memref<13x128xi32, #tpu.memory_space<vmem>>, vector<1x16xi32>,
      %get3A_842 = arith.constant 1024 : index
      %get3A_843 = tpu.vector_load %arg7[%get3A_842] {strides = array<i32>} : memref<1664xi32, #tpu.memory_space<vmem>>, vector<16xi32>,
      %get3A_844 = vector.shape_cast %get3A_843 : vector<16xi32> to vector<16xi32>
      %get3A_845 = arith.constant 1024 : index
      %get3A_846 = tpu.vector_load %arg6[%get3A_845] {strides = array<i32>} : memref<1664xi32, #tpu.memory_space<vmem>>, vector<16xi32>,
      %get3A_847 = vector.shape_cast %get3A_846 : vector<16xi32> to vector<16xi32>
      %add3A_848 = arith.addi %get3A_844, %get3A_847 : vector<16xi32>
      %swap3A_849 = arith.constant 8 : i32
      %swap3A_850 = arith.index_cast %swap3A_849 : i32 to index
      %swap3A_851 = arith.constant 0 : index
      %swap3A_852 = tpu.vector_load %arg8[%swap3A_850, %swap3A_851] {strides = array<i32>} : memref<13x128xi32, #tpu.memory_space<vmem>>, vector<1x16xi32>,
      %swap3A_853 = vector.shape_cast %swap3A_852 : vector<1x16xi32> to vector<16xi32>
      %swap3A_854 = vector.shape_cast %add3A_848 : vector<16xi32> to vector<1x16xi32>
      tpu.vector_store %arg8[%swap3A_850, %swap3A_851], %swap3A_854 {strides = array<i32>} : memref<13x128xi32, #tpu.memory_space<vmem>>, vector<1x16xi32>,
      %get3A_855 = arith.constant 1040 : index
      %get3A_856 = tpu.vector_load %arg7[%get3A_855] {strides = array<i32>} : memref<1664xi32, #tpu.memory_space<vmem>>, vector<16xi32>,
      %get3A_857 = vector.shape_cast %get3A_856 : vector<16xi32> to vector<16xi32>
      %get3A_858 = arith.constant 1040 : index
      %get3A_859 = tpu.vector_load %arg6[%get3A_858] {strides = array<i32>} : memref<1664xi32, #tpu.memory_space<vmem>>, vector<16xi32>,
      %get3A_860 = vector.shape_cast %get3A_859 : vector<16xi32> to vector<16xi32>
      %add3A_861 = arith.addi %get3A_857, %get3A_860 : vector<16xi32>
      %swap3A_862 = arith.constant 8 : i32
      %swap3A_863 = arith.index_cast %swap3A_862 : i32 to index
      %swap3A_864 = arith.constant 16 : index
      %swap3A_865 = tpu.vector_load %arg8[%swap3A_863, %swap3A_864] {strides = array<i32>} : memref<13x128xi32, #tpu.memory_space<vmem>>, vector<1x16xi32>,
      %swap3A_866 = vector.shape_cast %swap3A_865 : vector<1x16xi32> to vector<16xi32>
      %swap3A_867 = vector.shape_cast %add3A_861 : vector<16xi32> to vector<1x16xi32>
      tpu.vector_store %arg8[%swap3A_863, %swap3A_864], %swap3A_867 {strides = array<i32>} : memref<13x128xi32, #tpu.memory_space<vmem>>, vector<1x16xi32>,
      %get3A_868 = arith.constant 1056 : index
      %get3A_869 = tpu.vector_load %arg7[%get3A_868] {strides = array<i32>} : memref<1664xi32, #tpu.memory_space<vmem>>, vector<16xi32>,
      %get3A_870 = vector.shape_cast %get3A_869 : vector<16xi32> to vector<16xi32>
      %get3A_871 = arith.constant 1056 : index
      %get3A_872 = tpu.vector_load %arg6[%get3A_871] {strides = array<i32>} : memref<1664xi32, #tpu.memory_space<vmem>>, vector<16xi32>,
      %get3A_873 = vector.shape_cast %get3A_872 : vector<16xi32> to vector<16xi32>
      %add3A_874 = arith.addi %get3A_870, %get3A_873 : vector<16xi32>
      %swap3A_875 = arith.constant 8 : i32
      %swap3A_876 = arith.index_cast %swap3A_875 : i32 to index
      %swap3A_877 = arith.constant 32 : index
      %swap3A_878 = tpu.vector_load %arg8[%swap3A_876, %swap3A_877] {strides = array<i32>} : memref<13x128xi32, #tpu.memory_space<vmem>>, vector<1x16xi32>,
      %swap3A_879 = vector.shape_cast %swap3A_878 : vector<1x16xi32> to vector<16xi32>
      %swap3A_880 = vector.shape_cast %add3A_874 : vector<16xi32> to vector<1x16xi32>
      tpu.vector_store %arg8[%swap3A_876, %swap3A_877], %swap3A_880 {strides = array<i32>} : memref<13x128xi32, #tpu.memory_space<vmem>>, vector<1x16xi32>,
      %get3A_881 = arith.constant 1072 : index
      %get3A_882 = tpu.vector_load %arg7[%get3A_881] {strides = array<i32>} : memref<1664xi32, #tpu.memory_space<vmem>>, vector<16xi32>,
      %get3A_883 = vector.shape_cast %get3A_882 : vector<16xi32> to vector<16xi32>
      %get3A_884 = arith.constant 1072 : index
      %get3A_885 = tpu.vector_load %arg6[%get3A_884] {strides = array<i32>} : memref<1664xi32, #tpu.memory_space<vmem>>, vector<16xi32>,
      %get3A_886 = vector.shape_cast %get3A_885 : vector<16xi32> to vector<16xi32>
      %add3A_887 = arith.addi %get3A_883, %get3A_886 : vector<16xi32>
      %swap3A_888 = arith.constant 8 : i32
      %swap3A_889 = arith.index_cast %swap3A_888 : i32 to index
      %swap3A_890 = arith.constant 48 : index
      %swap3A_891 = tpu.vector_load %arg8[%swap3A_889, %swap3A_890] {strides = array<i32>} : memref<13x128xi32, #tpu.memory_space<vmem>>, vector<1x16xi32>,
      %swap3A_892 = vector.shape_cast %swap3A_891 : vector<1x16xi32> to vector<16xi32>
      %swap3A_893 = vector.shape_cast %add3A_887 : vector<16xi32> to vector<1x16xi32>
      tpu.vector_store %arg8[%swap3A_889, %swap3A_890], %swap3A_893 {strides = array<i32>} : memref<13x128xi32, #tpu.memory_space<vmem>>, vector<1x16xi32>,
      %get3A_894 = arith.constant 1088 : index
      %get3A_895 = tpu.vector_load %arg7[%get3A_894] {strides = array<i32>} : memref<1664xi32, #tpu.memory_space<vmem>>, vector<16xi32>,
      %get3A_896 = vector.shape_cast %get3A_895 : vector<16xi32> to vector<16xi32>
      %get3A_897 = arith.constant 1088 : index
      %get3A_898 = tpu.vector_load %arg6[%get3A_897] {strides = array<i32>} : memref<1664xi32, #tpu.memory_space<vmem>>, vector<16xi32>,
      %get3A_899 = vector.shape_cast %get3A_898 : vector<16xi32> to vector<16xi32>
      %add3A_900 = arith.addi %get3A_896, %get3A_899 : vector<16xi32>
      %swap3A_901 = arith.constant 8 : i32
      %swap3A_902 = arith.index_cast %swap3A_901 : i32 to index
      %swap3A_903 = arith.constant 64 : index
      %swap3A_904 = tpu.vector_load %arg8[%swap3A_902, %swap3A_903] {strides = array<i32>} : memref<13x128xi32, #tpu.memory_space<vmem>>, vector<1x16xi32>,
      %swap3A_905 = vector.shape_cast %swap3A_904 : vector<1x16xi32> to vector<16xi32>
      %swap3A_906 = vector.shape_cast %add3A_900 : vector<16xi32> to vector<1x16xi32>
      tpu.vector_store %arg8[%swap3A_902, %swap3A_903], %swap3A_906 {strides = array<i32>} : memref<13x128xi32, #tpu.memory_space<vmem>>, vector<1x16xi32>,
      %get3A_907 = arith.constant 1104 : index
      %get3A_908 = tpu.vector_load %arg7[%get3A_907] {strides = array<i32>} : memref<1664xi32, #tpu.memory_space<vmem>>, vector<16xi32>,
      %get3A_909 = vector.shape_cast %get3A_908 : vector<16xi32> to vector<16xi32>
      %get3A_910 = arith.constant 1104 : index
      %get3A_911 = tpu.vector_load %arg6[%get3A_910] {strides = array<i32>} : memref<1664xi32, #tpu.memory_space<vmem>>, vector<16xi32>,
      %get3A_912 = vector.shape_cast %get3A_911 : vector<16xi32> to vector<16xi32>
      %add3A_913 = arith.addi %get3A_909, %get3A_912 : vector<16xi32>
      %swap3A_914 = arith.constant 8 : i32
      %swap3A_915 = arith.index_cast %swap3A_914 : i32 to index
      %swap3A_916 = arith.constant 80 : index
      %swap3A_917 = tpu.vector_load %arg8[%swap3A_915, %swap3A_916] {strides = array<i32>} : memref<13x128xi32, #tpu.memory_space<vmem>>, vector<1x16xi32>,
      %swap3A_918 = vector.shape_cast %swap3A_917 : vector<1x16xi32> to vector<16xi32>
      %swap3A_919 = vector.shape_cast %add3A_913 : vector<16xi32> to vector<1x16xi32>
      tpu.vector_store %arg8[%swap3A_915, %swap3A_916], %swap3A_919 {strides = array<i32>} : memref<13x128xi32, #tpu.memory_space<vmem>>, vector<1x16xi32>,
      %get3A_920 = arith.constant 1120 : index
      %get3A_921 = tpu.vector_load %arg7[%get3A_920] {strides = array<i32>} : memref<1664xi32, #tpu.memory_space<vmem>>, vector<16xi32>,
      %get3A_922 = vector.shape_cast %get3A_921 : vector<16xi32> to vector<16xi32>
      %get3A_923 = arith.constant 1120 : index
      %get3A_924 = tpu.vector_load %arg6[%get3A_923] {strides = array<i32>} : memref<1664xi32, #tpu.memory_space<vmem>>, vector<16xi32>,
      %get3A_925 = vector.shape_cast %get3A_924 : vector<16xi32> to vector<16xi32>
      %add3A_926 = arith.addi %get3A_922, %get3A_925 : vector<16xi32>
      %swap3A_927 = arith.constant 8 : i32
      %swap3A_928 = arith.index_cast %swap3A_927 : i32 to index
      %swap3A_929 = arith.constant 96 : index
      %swap3A_930 = tpu.vector_load %arg8[%swap3A_928, %swap3A_929] {strides = array<i32>} : memref<13x128xi32, #tpu.memory_space<vmem>>, vector<1x16xi32>,
      %swap3A_931 = vector.shape_cast %swap3A_930 : vector<1x16xi32> to vector<16xi32>
      %swap3A_932 = vector.shape_cast %add3A_926 : vector<16xi32> to vector<1x16xi32>
      tpu.vector_store %arg8[%swap3A_928, %swap3A_929], %swap3A_932 {strides = array<i32>} : memref<13x128xi32, #tpu.memory_space<vmem>>, vector<1x16xi32>,
      %get3A_933 = arith.constant 1136 : index
      %get3A_934 = tpu.vector_load %arg7[%get3A_933] {strides = array<i32>} : memref<1664xi32, #tpu.memory_space<vmem>>, vector<16xi32>,
      %get3A_935 = vector.shape_cast %get3A_934 : vector<16xi32> to vector<16xi32>
      %get3A_936 = arith.constant 1136 : index
      %get3A_937 = tpu.vector_load %arg6[%get3A_936] {strides = array<i32>} : memref<1664xi32, #tpu.memory_space<vmem>>, vector<16xi32>,
      %get3A_938 = vector.shape_cast %get3A_937 : vector<16xi32> to vector<16xi32>
      %add3A_939 = arith.addi %get3A_935, %get3A_938 : vector<16xi32>
      %swap3A_940 = arith.constant 8 : i32
      %swap3A_941 = arith.index_cast %swap3A_940 : i32 to index
      %swap3A_942 = arith.constant 112 : index
      %swap3A_943 = tpu.vector_load %arg8[%swap3A_941, %swap3A_942] {strides = array<i32>} : memref<13x128xi32, #tpu.memory_space<vmem>>, vector<1x16xi32>,
      %swap3A_944 = vector.shape_cast %swap3A_943 : vector<1x16xi32> to vector<16xi32>
      %swap3A_945 = vector.shape_cast %add3A_939 : vector<16xi32> to vector<1x16xi32>
      tpu.vector_store %arg8[%swap3A_941, %swap3A_942], %swap3A_945 {strides = array<i32>} : memref<13x128xi32, #tpu.memory_space<vmem>>, vector<1x16xi32>,
      %get3A_946 = arith.constant 1152 : index
      %get3A_947 = tpu.vector_load %arg7[%get3A_946] {strides = array<i32>} : memref<1664xi32, #tpu.memory_space<vmem>>, vector<16xi32>,
      %get3A_948 = vector.shape_cast %get3A_947 : vector<16xi32> to vector<16xi32>
      %get3A_949 = arith.constant 1152 : index
      %get3A_950 = tpu.vector_load %arg6[%get3A_949] {strides = array<i32>} : memref<1664xi32, #tpu.memory_space<vmem>>, vector<16xi32>,
      %get3A_951 = vector.shape_cast %get3A_950 : vector<16xi32> to vector<16xi32>
      %add3A_952 = arith.addi %get3A_948, %get3A_951 : vector<16xi32>
      %swap3A_953 = arith.constant 9 : i32
      %swap3A_954 = arith.index_cast %swap3A_953 : i32 to index
      %swap3A_955 = arith.constant 0 : index
      %swap3A_956 = tpu.vector_load %arg8[%swap3A_954, %swap3A_955] {strides = array<i32>} : memref<13x128xi32, #tpu.memory_space<vmem>>, vector<1x16xi32>,
      %swap3A_957 = vector.shape_cast %swap3A_956 : vector<1x16xi32> to vector<16xi32>
      %swap3A_958 = vector.shape_cast %add3A_952 : vector<16xi32> to vector<1x16xi32>
      tpu.vector_store %arg8[%swap3A_954, %swap3A_955], %swap3A_958 {strides = array<i32>} : memref<13x128xi32, #tpu.memory_space<vmem>>, vector<1x16xi32>,
      %get3A_959 = arith.constant 1168 : index
      %get3A_960 = tpu.vector_load %arg7[%get3A_959] {strides = array<i32>} : memref<1664xi32, #tpu.memory_space<vmem>>, vector<16xi32>,
      %get3A_961 = vector.shape_cast %get3A_960 : vector<16xi32> to vector<16xi32>
      %get3A_962 = arith.constant 1168 : index
      %get3A_963 = tpu.vector_load %arg6[%get3A_962] {strides = array<i32>} : memref<1664xi32, #tpu.memory_space<vmem>>, vector<16xi32>,
      %get3A_964 = vector.shape_cast %get3A_963 : vector<16xi32> to vector<16xi32>
      %add3A_965 = arith.addi %get3A_961, %get3A_964 : vector<16xi32>
      %swap3A_966 = arith.constant 9 : i32
      %swap3A_967 = arith.index_cast %swap3A_966 : i32 to index
      %swap3A_968 = arith.constant 16 : index
      %swap3A_969 = tpu.vector_load %arg8[%swap3A_967, %swap3A_968] {strides = array<i32>} : memref<13x128xi32, #tpu.memory_space<vmem>>, vector<1x16xi32>,
      %swap3A_970 = vector.shape_cast %swap3A_969 : vector<1x16xi32> to vector<16xi32>
      %swap3A_971 = vector.shape_cast %add3A_965 : vector<16xi32> to vector<1x16xi32>
      tpu.vector_store %arg8[%swap3A_967, %swap3A_968], %swap3A_971 {strides = array<i32>} : memref<13x128xi32, #tpu.memory_space<vmem>>, vector<1x16xi32>,
      %get3A_972 = arith.constant 1184 : index
      %get3A_973 = tpu.vector_load %arg7[%get3A_972] {strides = array<i32>} : memref<1664xi32, #tpu.memory_space<vmem>>, vector<16xi32>,
      %get3A_974 = vector.shape_cast %get3A_973 : vector<16xi32> to vector<16xi32>
      %get3A_975 = arith.constant 1184 : index
      %get3A_976 = tpu.vector_load %arg6[%get3A_975] {strides = array<i32>} : memref<1664xi32, #tpu.memory_space<vmem>>, vector<16xi32>,
      %get3A_977 = vector.shape_cast %get3A_976 : vector<16xi32> to vector<16xi32>
      %add3A_978 = arith.addi %get3A_974, %get3A_977 : vector<16xi32>
      %swap3A_979 = arith.constant 9 : i32
      %swap3A_980 = arith.index_cast %swap3A_979 : i32 to index
      %swap3A_981 = arith.constant 32 : index
      %swap3A_982 = tpu.vector_load %arg8[%swap3A_980, %swap3A_981] {strides = array<i32>} : memref<13x128xi32, #tpu.memory_space<vmem>>, vector<1x16xi32>,
      %swap3A_983 = vector.shape_cast %swap3A_982 : vector<1x16xi32> to vector<16xi32>
      %swap3A_984 = vector.shape_cast %add3A_978 : vector<16xi32> to vector<1x16xi32>
      tpu.vector_store %arg8[%swap3A_980, %swap3A_981], %swap3A_984 {strides = array<i32>} : memref<13x128xi32, #tpu.memory_space<vmem>>, vector<1x16xi32>,
      %get3A_985 = arith.constant 1200 : index
      %get3A_986 = tpu.vector_load %arg7[%get3A_985] {strides = array<i32>} : memref<1664xi32, #tpu.memory_space<vmem>>, vector<16xi32>,
      %get3A_987 = vector.shape_cast %get3A_986 : vector<16xi32> to vector<16xi32>
      %get3A_988 = arith.constant 1200 : index
      %get3A_989 = tpu.vector_load %arg6[%get3A_988] {strides = array<i32>} : memref<1664xi32, #tpu.memory_space<vmem>>, vector<16xi32>,
      %get3A_990 = vector.shape_cast %get3A_989 : vector<16xi32> to vector<16xi32>
      %add3A_991 = arith.addi %get3A_987, %get3A_990 : vector<16xi32>
      %swap3A_992 = arith.constant 9 : i32
      %swap3A_993 = arith.index_cast %swap3A_992 : i32 to index
      %swap3A_994 = arith.constant 48 : index
      %swap3A_995 = tpu.vector_load %arg8[%swap3A_993, %swap3A_994] {strides = array<i32>} : memref<13x128xi32, #tpu.memory_space<vmem>>, vector<1x16xi32>,
      %swap3A_996 = vector.shape_cast %swap3A_995 : vector<1x16xi32> to vector<16xi32>
      %swap3A_997 = vector.shape_cast %add3A_991 : vector<16xi32> to vector<1x16xi32>
      tpu.vector_store %arg8[%swap3A_993, %swap3A_994], %swap3A_997 {strides = array<i32>} : memref<13x128xi32, #tpu.memory_space<vmem>>, vector<1x16xi32>,
      %get3A_998 = arith.constant 1216 : index
      %get3A_999 = tpu.vector_load %arg7[%get3A_998] {strides = array<i32>} : memref<1664xi32, #tpu.memory_space<vmem>>, vector<16xi32>,
      %get3A_1000 = vector.shape_cast %get3A_999 : vector<16xi32> to vector<16xi32>
      %get3A_1001 = arith.constant 1216 : index
      %get3A_1002 = tpu.vector_load %arg6[%get3A_1001] {strides = array<i32>} : memref<1664xi32, #tpu.memory_space<vmem>>, vector<16xi32>,
      %get3A_1003 = vector.shape_cast %get3A_1002 : vector<16xi32> to vector<16xi32>
      %add3A_1004 = arith.addi %get3A_1000, %get3A_1003 : vector<16xi32>
      %swap3A_1005 = arith.constant 9 : i32
      %swap3A_1006 = arith.index_cast %swap3A_1005 : i32 to index
      %swap3A_1007 = arith.constant 64 : index
      %swap3A_1008 = tpu.vector_load %arg8[%swap3A_1006, %swap3A_1007] {strides = array<i32>} : memref<13x128xi32, #tpu.memory_space<vmem>>, vector<1x16xi32>,
      %swap3A_1009 = vector.shape_cast %swap3A_1008 : vector<1x16xi32> to vector<16xi32>
      %swap3A_1010 = vector.shape_cast %add3A_1004 : vector<16xi32> to vector<1x16xi32>
      tpu.vector_store %arg8[%swap3A_1006, %swap3A_1007], %swap3A_1010 {strides = array<i32>} : memref<13x128xi32, #tpu.memory_space<vmem>>, vector<1x16xi32>,
      %get3A_1011 = arith.constant 1232 : index
      %get3A_1012 = tpu.vector_load %arg7[%get3A_1011] {strides = array<i32>} : memref<1664xi32, #tpu.memory_space<vmem>>, vector<16xi32>,
      %get3A_1013 = vector.shape_cast %get3A_1012 : vector<16xi32> to vector<16xi32>
      %get3A_1014 = arith.constant 1232 : index
      %get3A_1015 = tpu.vector_load %arg6[%get3A_1014] {strides = array<i32>} : memref<1664xi32, #tpu.memory_space<vmem>>, vector<16xi32>,
      %get3A_1016 = vector.shape_cast %get3A_1015 : vector<16xi32> to vector<16xi32>
      %add3A_1017 = arith.addi %get3A_1013, %get3A_1016 : vector<16xi32>
      %swap3A_1018 = arith.constant 9 : i32
      %swap3A_1019 = arith.index_cast %swap3A_1018 : i32 to index
      %swap3A_1020 = arith.constant 80 : index
      %swap3A_1021 = tpu.vector_load %arg8[%swap3A_1019, %swap3A_1020] {strides = array<i32>} : memref<13x128xi32, #tpu.memory_space<vmem>>, vector<1x16xi32>,
      %swap3A_1022 = vector.shape_cast %swap3A_1021 : vector<1x16xi32> to vector<16xi32>
      %swap3A_1023 = vector.shape_cast %add3A_1017 : vector<16xi32> to vector<1x16xi32>
      tpu.vector_store %arg8[%swap3A_1019, %swap3A_1020], %swap3A_1023 {strides = array<i32>} : memref<13x128xi32, #tpu.memory_space<vmem>>, vector<1x16xi32>,
      %get3A_1024 = arith.constant 1248 : index
      %get3A_1025 = tpu.vector_load %arg7[%get3A_1024] {strides = array<i32>} : memref<1664xi32, #tpu.memory_space<vmem>>, vector<16xi32>,
      %get3A_1026 = vector.shape_cast %get3A_1025 : vector<16xi32> to vector<16xi32>
      %get3A_1027 = arith.constant 1248 : index
      %get3A_1028 = tpu.vector_load %arg6[%get3A_1027] {strides = array<i32>} : memref<1664xi32, #tpu.memory_space<vmem>>, vector<16xi32>,
      %get3A_1029 = vector.shape_cast %get3A_1028 : vector<16xi32> to vector<16xi32>
      %add3A_1030 = arith.addi %get3A_1026, %get3A_1029 : vector<16xi32>
      %swap3A_1031 = arith.constant 9 : i32
      %swap3A_1032 = arith.index_cast %swap3A_1031 : i32 to index
      %swap3A_1033 = arith.constant 96 : index
      %swap3A_1034 = tpu.vector_load %arg8[%swap3A_1032, %swap3A_1033] {strides = array<i32>} : memref<13x128xi32, #tpu.memory_space<vmem>>, vector<1x16xi32>,
      %swap3A_1035 = vector.shape_cast %swap3A_1034 : vector<1x16xi32> to vector<16xi32>
      %swap3A_1036 = vector.shape_cast %add3A_1030 : vector<16xi32> to vector<1x16xi32>
      tpu.vector_store %arg8[%swap3A_1032, %swap3A_1033], %swap3A_1036 {strides = array<i32>} : memref<13x128xi32, #tpu.memory_space<vmem>>, vector<1x16xi32>,
      %get3A_1037 = arith.constant 1264 : index
      %get3A_1038 = tpu.vector_load %arg7[%get3A_1037] {strides = array<i32>} : memref<1664xi32, #tpu.memory_space<vmem>>, vector<16xi32>,
      %get3A_1039 = vector.shape_cast %get3A_1038 : vector<16xi32> to vector<16xi32>
      %get3A_1040 = arith.constant 1264 : index
      %get3A_1041 = tpu.vector_load %arg6[%get3A_1040] {strides = array<i32>} : memref<1664xi32, #tpu.memory_space<vmem>>, vector<16xi32>,
      %get3A_1042 = vector.shape_cast %get3A_1041 : vector<16xi32> to vector<16xi32>
      %add3A_1043 = arith.addi %get3A_1039, %get3A_1042 : vector<16xi32>
      %swap3A_1044 = arith.constant 9 : i32
      %swap3A_1045 = arith.index_cast %swap3A_1044 : i32 to index
      %swap3A_1046 = arith.constant 112 : index
      %swap3A_1047 = tpu.vector_load %arg8[%swap3A_1045, %swap3A_1046] {strides = array<i32>} : memref<13x128xi32, #tpu.memory_space<vmem>>, vector<1x16xi32>,
      %swap3A_1048 = vector.shape_cast %swap3A_1047 : vector<1x16xi32> to vector<16xi32>
      %swap3A_1049 = vector.shape_cast %add3A_1043 : vector<16xi32> to vector<1x16xi32>
      tpu.vector_store %arg8[%swap3A_1045, %swap3A_1046], %swap3A_1049 {strides = array<i32>} : memref<13x128xi32, #tpu.memory_space<vmem>>, vector<1x16xi32>,
      %get3A_1050 = arith.constant 1280 : index
      %get3A_1051 = tpu.vector_load %arg7[%get3A_1050] {strides = array<i32>} : memref<1664xi32, #tpu.memory_space<vmem>>, vector<16xi32>,
      %get3A_1052 = vector.shape_cast %get3A_1051 : vector<16xi32> to vector<16xi32>
      %get3A_1053 = arith.constant 1280 : index
      %get3A_1054 = tpu.vector_load %arg6[%get3A_1053] {strides = array<i32>} : memref<1664xi32, #tpu.memory_space<vmem>>, vector<16xi32>,
      %get3A_1055 = vector.shape_cast %get3A_1054 : vector<16xi32> to vector<16xi32>
      %add3A_1056 = arith.addi %get3A_1052, %get3A_1055 : vector<16xi32>
      %swap3A_1057 = arith.constant 10 : i32
      %swap3A_1058 = arith.index_cast %swap3A_1057 : i32 to index
      %swap3A_1059 = arith.constant 0 : index
      %swap3A_1060 = tpu.vector_load %arg8[%swap3A_1058, %swap3A_1059] {strides = array<i32>} : memref<13x128xi32, #tpu.memory_space<vmem>>, vector<1x16xi32>,
      %swap3A_1061 = vector.shape_cast %swap3A_1060 : vector<1x16xi32> to vector<16xi32>
      %swap3A_1062 = vector.shape_cast %add3A_1056 : vector<16xi32> to vector<1x16xi32>
      tpu.vector_store %arg8[%swap3A_1058, %swap3A_1059], %swap3A_1062 {strides = array<i32>} : memref<13x128xi32, #tpu.memory_space<vmem>>, vector<1x16xi32>,
      %get3A_1063 = arith.constant 1296 : index
      %get3A_1064 = tpu.vector_load %arg7[%get3A_1063] {strides = array<i32>} : memref<1664xi32, #tpu.memory_space<vmem>>, vector<16xi32>,
      %get3A_1065 = vector.shape_cast %get3A_1064 : vector<16xi32> to vector<16xi32>
      %get3A_1066 = arith.constant 1296 : index
      %get3A_1067 = tpu.vector_load %arg6[%get3A_1066] {strides = array<i32>} : memref<1664xi32, #tpu.memory_space<vmem>>, vector<16xi32>,
      %get3A_1068 = vector.shape_cast %get3A_1067 : vector<16xi32> to vector<16xi32>
      %add3A_1069 = arith.addi %get3A_1065, %get3A_1068 : vector<16xi32>
      %swap3A_1070 = arith.constant 10 : i32
      %swap3A_1071 = arith.index_cast %swap3A_1070 : i32 to index
      %swap3A_1072 = arith.constant 16 : index
      %swap3A_1073 = tpu.vector_load %arg8[%swap3A_1071, %swap3A_1072] {strides = array<i32>} : memref<13x128xi32, #tpu.memory_space<vmem>>, vector<1x16xi32>,
      %swap3A_1074 = vector.shape_cast %swap3A_1073 : vector<1x16xi32> to vector<16xi32>
      %swap3A_1075 = vector.shape_cast %add3A_1069 : vector<16xi32> to vector<1x16xi32>
      tpu.vector_store %arg8[%swap3A_1071, %swap3A_1072], %swap3A_1075 {strides = array<i32>} : memref<13x128xi32, #tpu.memory_space<vmem>>, vector<1x16xi32>,
      %get3A_1076 = arith.constant 1312 : index
      %get3A_1077 = tpu.vector_load %arg7[%get3A_1076] {strides = array<i32>} : memref<1664xi32, #tpu.memory_space<vmem>>, vector<16xi32>,
      %get3A_1078 = vector.shape_cast %get3A_1077 : vector<16xi32> to vector<16xi32>
      %get3A_1079 = arith.constant 1312 : index
      %get3A_1080 = tpu.vector_load %arg6[%get3A_1079] {strides = array<i32>} : memref<1664xi32, #tpu.memory_space<vmem>>, vector<16xi32>,
      %get3A_1081 = vector.shape_cast %get3A_1080 : vector<16xi32> to vector<16xi32>
      %add3A_1082 = arith.addi %get3A_1078, %get3A_1081 : vector<16xi32>
      %swap3A_1083 = arith.constant 10 : i32
      %swap3A_1084 = arith.index_cast %swap3A_1083 : i32 to index
      %swap3A_1085 = arith.constant 32 : index
      %swap3A_1086 = tpu.vector_load %arg8[%swap3A_1084, %swap3A_1085] {strides = array<i32>} : memref<13x128xi32, #tpu.memory_space<vmem>>, vector<1x16xi32>,
      %swap3A_1087 = vector.shape_cast %swap3A_1086 : vector<1x16xi32> to vector<16xi32>
      %swap3A_1088 = vector.shape_cast %add3A_1082 : vector<16xi32> to vector<1x16xi32>
      tpu.vector_store %arg8[%swap3A_1084, %swap3A_1085], %swap3A_1088 {strides = array<i32>} : memref<13x128xi32, #tpu.memory_space<vmem>>, vector<1x16xi32>,
      %get3A_1089 = arith.constant 1328 : index
      %get3A_1090 = tpu.vector_load %arg7[%get3A_1089] {strides = array<i32>} : memref<1664xi32, #tpu.memory_space<vmem>>, vector<16xi32>,
      %get3A_1091 = vector.shape_cast %get3A_1090 : vector<16xi32> to vector<16xi32>
      %get3A_1092 = arith.constant 1328 : index
      %get3A_1093 = tpu.vector_load %arg6[%get3A_1092] {strides = array<i32>} : memref<1664xi32, #tpu.memory_space<vmem>>, vector<16xi32>,
      %get3A_1094 = vector.shape_cast %get3A_1093 : vector<16xi32> to vector<16xi32>
      %add3A_1095 = arith.addi %get3A_1091, %get3A_1094 : vector<16xi32>
      %swap3A_1096 = arith.constant 10 : i32
      %swap3A_1097 = arith.index_cast %swap3A_1096 : i32 to index
      %swap3A_1098 = arith.constant 48 : index
      %swap3A_1099 = tpu.vector_load %arg8[%swap3A_1097, %swap3A_1098] {strides = array<i32>} : memref<13x128xi32, #tpu.memory_space<vmem>>, vector<1x16xi32>,
      %swap3A_1100 = vector.shape_cast %swap3A_1099 : vector<1x16xi32> to vector<16xi32>
      %swap3A_1101 = vector.shape_cast %add3A_1095 : vector<16xi32> to vector<1x16xi32>
      tpu.vector_store %arg8[%swap3A_1097, %swap3A_1098], %swap3A_1101 {strides = array<i32>} : memref<13x128xi32, #tpu.memory_space<vmem>>, vector<1x16xi32>,
      %get3A_1102 = arith.constant 1344 : index
      %get3A_1103 = tpu.vector_load %arg7[%get3A_1102] {strides = array<i32>} : memref<1664xi32, #tpu.memory_space<vmem>>, vector<16xi32>,
      %get3A_1104 = vector.shape_cast %get3A_1103 : vector<16xi32> to vector<16xi32>
      %get3A_1105 = arith.constant 1344 : index
      %get3A_1106 = tpu.vector_load %arg6[%get3A_1105] {strides = array<i32>} : memref<1664xi32, #tpu.memory_space<vmem>>, vector<16xi32>,
      %get3A_1107 = vector.shape_cast %get3A_1106 : vector<16xi32> to vector<16xi32>
      %add3A_1108 = arith.addi %get3A_1104, %get3A_1107 : vector<16xi32>
      %swap3A_1109 = arith.constant 10 : i32
      %swap3A_1110 = arith.index_cast %swap3A_1109 : i32 to index
      %swap3A_1111 = arith.constant 64 : index
      %swap3A_1112 = tpu.vector_load %arg8[%swap3A_1110, %swap3A_1111] {strides = array<i32>} : memref<13x128xi32, #tpu.memory_space<vmem>>, vector<1x16xi32>,
      %swap3A_1113 = vector.shape_cast %swap3A_1112 : vector<1x16xi32> to vector<16xi32>
      %swap3A_1114 = vector.shape_cast %add3A_1108 : vector<16xi32> to vector<1x16xi32>
      tpu.vector_store %arg8[%swap3A_1110, %swap3A_1111], %swap3A_1114 {strides = array<i32>} : memref<13x128xi32, #tpu.memory_space<vmem>>, vector<1x16xi32>,
      %get3A_1115 = arith.constant 1360 : index
      %get3A_1116 = tpu.vector_load %arg7[%get3A_1115] {strides = array<i32>} : memref<1664xi32, #tpu.memory_space<vmem>>, vector<16xi32>,
      %get3A_1117 = vector.shape_cast %get3A_1116 : vector<16xi32> to vector<16xi32>
      %get3A_1118 = arith.constant 1360 : index
      %get3A_1119 = tpu.vector_load %arg6[%get3A_1118] {strides = array<i32>} : memref<1664xi32, #tpu.memory_space<vmem>>, vector<16xi32>,
      %get3A_1120 = vector.shape_cast %get3A_1119 : vector<16xi32> to vector<16xi32>
      %add3A_1121 = arith.addi %get3A_1117, %get3A_1120 : vector<16xi32>
      %swap3A_1122 = arith.constant 10 : i32
      %swap3A_1123 = arith.index_cast %swap3A_1122 : i32 to index
      %swap3A_1124 = arith.constant 80 : index
      %swap3A_1125 = tpu.vector_load %arg8[%swap3A_1123, %swap3A_1124] {strides = array<i32>} : memref<13x128xi32, #tpu.memory_space<vmem>>, vector<1x16xi32>,
      %swap3A_1126 = vector.shape_cast %swap3A_1125 : vector<1x16xi32> to vector<16xi32>
      %swap3A_1127 = vector.shape_cast %add3A_1121 : vector<16xi32> to vector<1x16xi32>
      tpu.vector_store %arg8[%swap3A_1123, %swap3A_1124], %swap3A_1127 {strides = array<i32>} : memref<13x128xi32, #tpu.memory_space<vmem>>, vector<1x16xi32>,
      %get3A_1128 = arith.constant 1376 : index
      %get3A_1129 = tpu.vector_load %arg7[%get3A_1128] {strides = array<i32>} : memref<1664xi32, #tpu.memory_space<vmem>>, vector<16xi32>,
      %get3A_1130 = vector.shape_cast %get3A_1129 : vector<16xi32> to vector<16xi32>
      %get3A_1131 = arith.constant 1376 : index
      %get3A_1132 = tpu.vector_load %arg6[%get3A_1131] {strides = array<i32>} : memref<1664xi32, #tpu.memory_space<vmem>>, vector<16xi32>,
      %get3A_1133 = vector.shape_cast %get3A_1132 : vector<16xi32> to vector<16xi32>
      %add3A_1134 = arith.addi %get3A_1130, %get3A_1133 : vector<16xi32>
      %swap3A_1135 = arith.constant 10 : i32
      %swap3A_1136 = arith.index_cast %swap3A_1135 : i32 to index
      %swap3A_1137 = arith.constant 96 : index
      %swap3A_1138 = tpu.vector_load %arg8[%swap3A_1136, %swap3A_1137] {strides = array<i32>} : memref<13x128xi32, #tpu.memory_space<vmem>>, vector<1x16xi32>,
      %swap3A_1139 = vector.shape_cast %swap3A_1138 : vector<1x16xi32> to vector<16xi32>
      %swap3A_1140 = vector.shape_cast %add3A_1134 : vector<16xi32> to vector<1x16xi32>
      tpu.vector_store %arg8[%swap3A_1136, %swap3A_1137], %swap3A_1140 {strides = array<i32>} : memref<13x128xi32, #tpu.memory_space<vmem>>, vector<1x16xi32>,
      %get3A_1141 = arith.constant 1392 : index
      %get3A_1142 = tpu.vector_load %arg7[%get3A_1141] {strides = array<i32>} : memref<1664xi32, #tpu.memory_space<vmem>>, vector<16xi32>,
      %get3A_1143 = vector.shape_cast %get3A_1142 : vector<16xi32> to vector<16xi32>
      %get3A_1144 = arith.constant 1392 : index
      %get3A_1145 = tpu.vector_load %arg6[%get3A_1144] {strides = array<i32>} : memref<1664xi32, #tpu.memory_space<vmem>>, vector<16xi32>,
      %get3A_1146 = vector.shape_cast %get3A_1145 : vector<16xi32> to vector<16xi32>
      %add3A_1147 = arith.addi %get3A_1143, %get3A_1146 : vector<16xi32>
      %swap3A_1148 = arith.constant 10 : i32
      %swap3A_1149 = arith.index_cast %swap3A_1148 : i32 to index
      %swap3A_1150 = arith.constant 112 : index
      %swap3A_1151 = tpu.vector_load %arg8[%swap3A_1149, %swap3A_1150] {strides = array<i32>} : memref<13x128xi32, #tpu.memory_space<vmem>>, vector<1x16xi32>,
      %swap3A_1152 = vector.shape_cast %swap3A_1151 : vector<1x16xi32> to vector<16xi32>
      %swap3A_1153 = vector.shape_cast %add3A_1147 : vector<16xi32> to vector<1x16xi32>
      tpu.vector_store %arg8[%swap3A_1149, %swap3A_1150], %swap3A_1153 {strides = array<i32>} : memref<13x128xi32, #tpu.memory_space<vmem>>, vector<1x16xi32>,
      %get3A_1154 = arith.constant 1408 : index
      %get3A_1155 = tpu.vector_load %arg7[%get3A_1154] {strides = array<i32>} : memref<1664xi32, #tpu.memory_space<vmem>>, vector<16xi32>,
      %get3A_1156 = vector.shape_cast %get3A_1155 : vector<16xi32> to vector<16xi32>
      %get3A_1157 = arith.constant 1408 : index
      %get3A_1158 = tpu.vector_load %arg6[%get3A_1157] {strides = array<i32>} : memref<1664xi32, #tpu.memory_space<vmem>>, vector<16xi32>,
      %get3A_1159 = vector.shape_cast %get3A_1158 : vector<16xi32> to vector<16xi32>
      %add3A_1160 = arith.addi %get3A_1156, %get3A_1159 : vector<16xi32>
      %swap3A_1161 = arith.constant 11 : i32
      %swap3A_1162 = arith.index_cast %swap3A_1161 : i32 to index
      %swap3A_1163 = arith.constant 0 : index
      %swap3A_1164 = tpu.vector_load %arg8[%swap3A_1162, %swap3A_1163] {strides = array<i32>} : memref<13x128xi32, #tpu.memory_space<vmem>>, vector<1x16xi32>,
      %swap3A_1165 = vector.shape_cast %swap3A_1164 : vector<1x16xi32> to vector<16xi32>
      %swap3A_1166 = vector.shape_cast %add3A_1160 : vector<16xi32> to vector<1x16xi32>
      tpu.vector_store %arg8[%swap3A_1162, %swap3A_1163], %swap3A_1166 {strides = array<i32>} : memref<13x128xi32, #tpu.memory_space<vmem>>, vector<1x16xi32>,
      %get3A_1167 = arith.constant 1424 : index
      %get3A_1168 = tpu.vector_load %arg7[%get3A_1167] {strides = array<i32>} : memref<1664xi32, #tpu.memory_space<vmem>>, vector<16xi32>,
      %get3A_1169 = vector.shape_cast %get3A_1168 : vector<16xi32> to vector<16xi32>
      %get3A_1170 = arith.constant 1424 : index
      %get3A_1171 = tpu.vector_load %arg6[%get3A_1170] {strides = array<i32>} : memref<1664xi32, #tpu.memory_space<vmem>>, vector<16xi32>,
      %get3A_1172 = vector.shape_cast %get3A_1171 : vector<16xi32> to vector<16xi32>
      %add3A_1173 = arith.addi %get3A_1169, %get3A_1172 : vector<16xi32>
      %swap3A_1174 = arith.constant 11 : i32
      %swap3A_1175 = arith.index_cast %swap3A_1174 : i32 to index
      %swap3A_1176 = arith.constant 16 : index
      %swap3A_1177 = tpu.vector_load %arg8[%swap3A_1175, %swap3A_1176] {strides = array<i32>} : memref<13x128xi32, #tpu.memory_space<vmem>>, vector<1x16xi32>,
      %swap3A_1178 = vector.shape_cast %swap3A_1177 : vector<1x16xi32> to vector<16xi32>
      %swap3A_1179 = vector.shape_cast %add3A_1173 : vector<16xi32> to vector<1x16xi32>
      tpu.vector_store %arg8[%swap3A_1175, %swap3A_1176], %swap3A_1179 {strides = array<i32>} : memref<13x128xi32, #tpu.memory_space<vmem>>, vector<1x16xi32>,
      %get3A_1180 = arith.constant 1440 : index
      %get3A_1181 = tpu.vector_load %arg7[%get3A_1180] {strides = array<i32>} : memref<1664xi32, #tpu.memory_space<vmem>>, vector<16xi32>,
      %get3A_1182 = vector.shape_cast %get3A_1181 : vector<16xi32> to vector<16xi32>
      %get3A_1183 = arith.constant 1440 : index
      %get3A_1184 = tpu.vector_load %arg6[%get3A_1183] {strides = array<i32>} : memref<1664xi32, #tpu.memory_space<vmem>>, vector<16xi32>,
      %get3A_1185 = vector.shape_cast %get3A_1184 : vector<16xi32> to vector<16xi32>
      %add3A_1186 = arith.addi %get3A_1182, %get3A_1185 : vector<16xi32>
      %swap3A_1187 = arith.constant 11 : i32
      %swap3A_1188 = arith.index_cast %swap3A_1187 : i32 to index
      %swap3A_1189 = arith.constant 32 : index
      %swap3A_1190 = tpu.vector_load %arg8[%swap3A_1188, %swap3A_1189] {strides = array<i32>} : memref<13x128xi32, #tpu.memory_space<vmem>>, vector<1x16xi32>,
      %swap3A_1191 = vector.shape_cast %swap3A_1190 : vector<1x16xi32> to vector<16xi32>
      %swap3A_1192 = vector.shape_cast %add3A_1186 : vector<16xi32> to vector<1x16xi32>
      tpu.vector_store %arg8[%swap3A_1188, %swap3A_1189], %swap3A_1192 {strides = array<i32>} : memref<13x128xi32, #tpu.memory_space<vmem>>, vector<1x16xi32>,
      %get3A_1193 = arith.constant 1456 : index
      %get3A_1194 = tpu.vector_load %arg7[%get3A_1193] {strides = array<i32>} : memref<1664xi32, #tpu.memory_space<vmem>>, vector<16xi32>,
      %get3A_1195 = vector.shape_cast %get3A_1194 : vector<16xi32> to vector<16xi32>
      %get3A_1196 = arith.constant 1456 : index
      %get3A_1197 = tpu.vector_load %arg6[%get3A_1196] {strides = array<i32>} : memref<1664xi32, #tpu.memory_space<vmem>>, vector<16xi32>,
      %get3A_1198 = vector.shape_cast %get3A_1197 : vector<16xi32> to vector<16xi32>
      %add3A_1199 = arith.addi %get3A_1195, %get3A_1198 : vector<16xi32>
      %swap3A_1200 = arith.constant 11 : i32
      %swap3A_1201 = arith.index_cast %swap3A_1200 : i32 to index
      %swap3A_1202 = arith.constant 48 : index
      %swap3A_1203 = tpu.vector_load %arg8[%swap3A_1201, %swap3A_1202] {strides = array<i32>} : memref<13x128xi32, #tpu.memory_space<vmem>>, vector<1x16xi32>,
      %swap3A_1204 = vector.shape_cast %swap3A_1203 : vector<1x16xi32> to vector<16xi32>
      %swap3A_1205 = vector.shape_cast %add3A_1199 : vector<16xi32> to vector<1x16xi32>
      tpu.vector_store %arg8[%swap3A_1201, %swap3A_1202], %swap3A_1205 {strides = array<i32>} : memref<13x128xi32, #tpu.memory_space<vmem>>, vector<1x16xi32>,
      %get3A_1206 = arith.constant 1472 : index
      %get3A_1207 = tpu.vector_load %arg7[%get3A_1206] {strides = array<i32>} : memref<1664xi32, #tpu.memory_space<vmem>>, vector<16xi32>,
      %get3A_1208 = vector.shape_cast %get3A_1207 : vector<16xi32> to vector<16xi32>
      %get3A_1209 = arith.constant 1472 : index
      %get3A_1210 = tpu.vector_load %arg6[%get3A_1209] {strides = array<i32>} : memref<1664xi32, #tpu.memory_space<vmem>>, vector<16xi32>,
      %get3A_1211 = vector.shape_cast %get3A_1210 : vector<16xi32> to vector<16xi32>
      %add3A_1212 = arith.addi %get3A_1208, %get3A_1211 : vector<16xi32>
      %swap3A_1213 = arith.constant 11 : i32
      %swap3A_1214 = arith.index_cast %swap3A_1213 : i32 to index
      %swap3A_1215 = arith.constant 64 : index
      %swap3A_1216 = tpu.vector_load %arg8[%swap3A_1214, %swap3A_1215] {strides = array<i32>} : memref<13x128xi32, #tpu.memory_space<vmem>>, vector<1x16xi32>,
      %swap3A_1217 = vector.shape_cast %swap3A_1216 : vector<1x16xi32> to vector<16xi32>
      %swap3A_1218 = vector.shape_cast %add3A_1212 : vector<16xi32> to vector<1x16xi32>
      tpu.vector_store %arg8[%swap3A_1214, %swap3A_1215], %swap3A_1218 {strides = array<i32>} : memref<13x128xi32, #tpu.memory_space<vmem>>, vector<1x16xi32>,
      %get3A_1219 = arith.constant 1488 : index
      %get3A_1220 = tpu.vector_load %arg7[%get3A_1219] {strides = array<i32>} : memref<1664xi32, #tpu.memory_space<vmem>>, vector<16xi32>,
      %get3A_1221 = vector.shape_cast %get3A_1220 : vector<16xi32> to vector<16xi32>
      %get3A_1222 = arith.constant 1488 : index
      %get3A_1223 = tpu.vector_load %arg6[%get3A_1222] {strides = array<i32>} : memref<1664xi32, #tpu.memory_space<vmem>>, vector<16xi32>,
      %get3A_1224 = vector.shape_cast %get3A_1223 : vector<16xi32> to vector<16xi32>
      %add3A_1225 = arith.addi %get3A_1221, %get3A_1224 : vector<16xi32>
      %swap3A_1226 = arith.constant 11 : i32
      %swap3A_1227 = arith.index_cast %swap3A_1226 : i32 to index
      %swap3A_1228 = arith.constant 80 : index
      %swap3A_1229 = tpu.vector_load %arg8[%swap3A_1227, %swap3A_1228] {strides = array<i32>} : memref<13x128xi32, #tpu.memory_space<vmem>>, vector<1x16xi32>,
      %swap3A_1230 = vector.shape_cast %swap3A_1229 : vector<1x16xi32> to vector<16xi32>
      %swap3A_1231 = vector.shape_cast %add3A_1225 : vector<16xi32> to vector<1x16xi32>
      tpu.vector_store %arg8[%swap3A_1227, %swap3A_1228], %swap3A_1231 {strides = array<i32>} : memref<13x128xi32, #tpu.memory_space<vmem>>, vector<1x16xi32>,
      %get3A_1232 = arith.constant 1504 : index
      %get3A_1233 = tpu.vector_load %arg7[%get3A_1232] {strides = array<i32>} : memref<1664xi32, #tpu.memory_space<vmem>>, vector<16xi32>,
      %get3A_1234 = vector.shape_cast %get3A_1233 : vector<16xi32> to vector<16xi32>
      %get3A_1235 = arith.constant 1504 : index
      %get3A_1236 = tpu.vector_load %arg6[%get3A_1235] {strides = array<i32>} : memref<1664xi32, #tpu.memory_space<vmem>>, vector<16xi32>,
      %get3A_1237 = vector.shape_cast %get3A_1236 : vector<16xi32> to vector<16xi32>
      %add3A_1238 = arith.addi %get3A_1234, %get3A_1237 : vector<16xi32>
      %swap3A_1239 = arith.constant 11 : i32
      %swap3A_1240 = arith.index_cast %swap3A_1239 : i32 to index
      %swap3A_1241 = arith.constant 96 : index
      %swap3A_1242 = tpu.vector_load %arg8[%swap3A_1240, %swap3A_1241] {strides = array<i32>} : memref<13x128xi32, #tpu.memory_space<vmem>>, vector<1x16xi32>,
      %swap3A_1243 = vector.shape_cast %swap3A_1242 : vector<1x16xi32> to vector<16xi32>
      %swap3A_1244 = vector.shape_cast %add3A_1238 : vector<16xi32> to vector<1x16xi32>
      tpu.vector_store %arg8[%swap3A_1240, %swap3A_1241], %swap3A_1244 {strides = array<i32>} : memref<13x128xi32, #tpu.memory_space<vmem>>, vector<1x16xi32>,
      %get3A_1245 = arith.constant 1520 : index
      %get3A_1246 = tpu.vector_load %arg7[%get3A_1245] {strides = array<i32>} : memref<1664xi32, #tpu.memory_space<vmem>>, vector<16xi32>,
      %get3A_1247 = vector.shape_cast %get3A_1246 : vector<16xi32> to vector<16xi32>
      %get3A_1248 = arith.constant 1520 : index
      %get3A_1249 = tpu.vector_load %arg6[%get3A_1248] {strides = array<i32>} : memref<1664xi32, #tpu.memory_space<vmem>>, vector<16xi32>,
      %get3A_1250 = vector.shape_cast %get3A_1249 : vector<16xi32> to vector<16xi32>
      %add3A_1251 = arith.addi %get3A_1247, %get3A_1250 : vector<16xi32>
      %swap3A_1252 = arith.constant 11 : i32
      %swap3A_1253 = arith.index_cast %swap3A_1252 : i32 to index
      %swap3A_1254 = arith.constant 112 : index
      %swap3A_1255 = tpu.vector_load %arg8[%swap3A_1253, %swap3A_1254] {strides = array<i32>} : memref<13x128xi32, #tpu.memory_space<vmem>>, vector<1x16xi32>,
      %swap3A_1256 = vector.shape_cast %swap3A_1255 : vector<1x16xi32> to vector<16xi32>
      %swap3A_1257 = vector.shape_cast %add3A_1251 : vector<16xi32> to vector<1x16xi32>
      tpu.vector_store %arg8[%swap3A_1253, %swap3A_1254], %swap3A_1257 {strides = array<i32>} : memref<13x128xi32, #tpu.memory_space<vmem>>, vector<1x16xi32>,
      %get3A_1258 = arith.constant 1536 : index
      %get3A_1259 = tpu.vector_load %arg7[%get3A_1258] {strides = array<i32>} : memref<1664xi32, #tpu.memory_space<vmem>>, vector<16xi32>,
      %get3A_1260 = vector.shape_cast %get3A_1259 : vector<16xi32> to vector<16xi32>
      %get3A_1261 = arith.constant 1536 : index
      %get3A_1262 = tpu.vector_load %arg6[%get3A_1261] {strides = array<i32>} : memref<1664xi32, #tpu.memory_space<vmem>>, vector<16xi32>,
      %get3A_1263 = vector.shape_cast %get3A_1262 : vector<16xi32> to vector<16xi32>
      %add3A_1264 = arith.addi %get3A_1260, %get3A_1263 : vector<16xi32>
      %swap3A_1265 = arith.constant 12 : i32
      %swap3A_1266 = arith.index_cast %swap3A_1265 : i32 to index
      %swap3A_1267 = arith.constant 0 : index
      %swap3A_1268 = tpu.vector_load %arg8[%swap3A_1266, %swap3A_1267] {strides = array<i32>} : memref<13x128xi32, #tpu.memory_space<vmem>>, vector<1x16xi32>,
      %swap3A_1269 = vector.shape_cast %swap3A_1268 : vector<1x16xi32> to vector<16xi32>
      %swap3A_1270 = vector.shape_cast %add3A_1264 : vector<16xi32> to vector<1x16xi32>
      tpu.vector_store %arg8[%swap3A_1266, %swap3A_1267], %swap3A_1270 {strides = array<i32>} : memref<13x128xi32, #tpu.memory_space<vmem>>, vector<1x16xi32>,
      %get3A_1271 = arith.constant 1552 : index
      %get3A_1272 = tpu.vector_load %arg7[%get3A_1271] {strides = array<i32>} : memref<1664xi32, #tpu.memory_space<vmem>>, vector<16xi32>,
      %get3A_1273 = vector.shape_cast %get3A_1272 : vector<16xi32> to vector<16xi32>
      %get3A_1274 = arith.constant 1552 : index
      %get3A_1275 = tpu.vector_load %arg6[%get3A_1274] {strides = array<i32>} : memref<1664xi32, #tpu.memory_space<vmem>>, vector<16xi32>,
      %get3A_1276 = vector.shape_cast %get3A_1275 : vector<16xi32> to vector<16xi32>
      %add3A_1277 = arith.addi %get3A_1273, %get3A_1276 : vector<16xi32>
      %swap3A_1278 = arith.constant 12 : i32
      %swap3A_1279 = arith.index_cast %swap3A_1278 : i32 to index
      %swap3A_1280 = arith.constant 16 : index
      %swap3A_1281 = tpu.vector_load %arg8[%swap3A_1279, %swap3A_1280] {strides = array<i32>} : memref<13x128xi32, #tpu.memory_space<vmem>>, vector<1x16xi32>,
      %swap3A_1282 = vector.shape_cast %swap3A_1281 : vector<1x16xi32> to vector<16xi32>
      %swap3A_1283 = vector.shape_cast %add3A_1277 : vector<16xi32> to vector<1x16xi32>
      tpu.vector_store %arg8[%swap3A_1279, %swap3A_1280], %swap3A_1283 {strides = array<i32>} : memref<13x128xi32, #tpu.memory_space<vmem>>, vector<1x16xi32>,
      %get3A_1284 = arith.constant 1568 : index
      %get3A_1285 = tpu.vector_load %arg7[%get3A_1284] {strides = array<i32>} : memref<1664xi32, #tpu.memory_space<vmem>>, vector<16xi32>,
      %get3A_1286 = vector.shape_cast %get3A_1285 : vector<16xi32> to vector<16xi32>
      %get3A_1287 = arith.constant 1568 : index
      %get3A_1288 = tpu.vector_load %arg6[%get3A_1287] {strides = array<i32>} : memref<1664xi32, #tpu.memory_space<vmem>>, vector<16xi32>,
      %get3A_1289 = vector.shape_cast %get3A_1288 : vector<16xi32> to vector<16xi32>
      %add3A_1290 = arith.addi %get3A_1286, %get3A_1289 : vector<16xi32>
      %swap3A_1291 = arith.constant 12 : i32
      %swap3A_1292 = arith.index_cast %swap3A_1291 : i32 to index
      %swap3A_1293 = arith.constant 32 : index
      %swap3A_1294 = tpu.vector_load %arg8[%swap3A_1292, %swap3A_1293] {strides = array<i32>} : memref<13x128xi32, #tpu.memory_space<vmem>>, vector<1x16xi32>,
      %swap3A_1295 = vector.shape_cast %swap3A_1294 : vector<1x16xi32> to vector<16xi32>
      %swap3A_1296 = vector.shape_cast %add3A_1290 : vector<16xi32> to vector<1x16xi32>
      tpu.vector_store %arg8[%swap3A_1292, %swap3A_1293], %swap3A_1296 {strides = array<i32>} : memref<13x128xi32, #tpu.memory_space<vmem>>, vector<1x16xi32>,
      %get3A_1297 = arith.constant 1584 : index
      %get3A_1298 = tpu.vector_load %arg7[%get3A_1297] {strides = array<i32>} : memref<1664xi32, #tpu.memory_space<vmem>>, vector<16xi32>,
      %get3A_1299 = vector.shape_cast %get3A_1298 : vector<16xi32> to vector<16xi32>
      %get3A_1300 = arith.constant 1584 : index
      %get3A_1301 = tpu.vector_load %arg6[%get3A_1300] {strides = array<i32>} : memref<1664xi32, #tpu.memory_space<vmem>>, vector<16xi32>,
      %get3A_1302 = vector.shape_cast %get3A_1301 : vector<16xi32> to vector<16xi32>
      %add3A_1303 = arith.addi %get3A_1299, %get3A_1302 : vector<16xi32>
      %swap3A_1304 = arith.constant 12 : i32
      %swap3A_1305 = arith.index_cast %swap3A_1304 : i32 to index
      %swap3A_1306 = arith.constant 48 : index
      %swap3A_1307 = tpu.vector_load %arg8[%swap3A_1305, %swap3A_1306] {strides = array<i32>} : memref<13x128xi32, #tpu.memory_space<vmem>>, vector<1x16xi32>,
      %swap3A_1308 = vector.shape_cast %swap3A_1307 : vector<1x16xi32> to vector<16xi32>
      %swap3A_1309 = vector.shape_cast %add3A_1303 : vector<16xi32> to vector<1x16xi32>
      tpu.vector_store %arg8[%swap3A_1305, %swap3A_1306], %swap3A_1309 {strides = array<i32>} : memref<13x128xi32, #tpu.memory_space<vmem>>, vector<1x16xi32>,
      %get3A_1310 = arith.constant 1600 : index
      %get3A_1311 = tpu.vector_load %arg7[%get3A_1310] {strides = array<i32>} : memref<1664xi32, #tpu.memory_space<vmem>>, vector<16xi32>,
      %get3A_1312 = vector.shape_cast %get3A_1311 : vector<16xi32> to vector<16xi32>
      %get3A_1313 = arith.constant 1600 : index
      %get3A_1314 = tpu.vector_load %arg6[%get3A_1313] {strides = array<i32>} : memref<1664xi32, #tpu.memory_space<vmem>>, vector<16xi32>,
      %get3A_1315 = vector.shape_cast %get3A_1314 : vector<16xi32> to vector<16xi32>
      %add3A_1316 = arith.addi %get3A_1312, %get3A_1315 : vector<16xi32>
      %swap3A_1317 = arith.constant 12 : i32
      %swap3A_1318 = arith.index_cast %swap3A_1317 : i32 to index
      %swap3A_1319 = arith.constant 64 : index
      %swap3A_1320 = tpu.vector_load %arg8[%swap3A_1318, %swap3A_1319] {strides = array<i32>} : memref<13x128xi32, #tpu.memory_space<vmem>>, vector<1x16xi32>,
      %swap3A_1321 = vector.shape_cast %swap3A_1320 : vector<1x16xi32> to vector<16xi32>
      %swap3A_1322 = vector.shape_cast %add3A_1316 : vector<16xi32> to vector<1x16xi32>
      tpu.vector_store %arg8[%swap3A_1318, %swap3A_1319], %swap3A_1322 {strides = array<i32>} : memref<13x128xi32, #tpu.memory_space<vmem>>, vector<1x16xi32>,
      %get3A_1323 = arith.constant 1616 : index
      %get3A_1324 = tpu.vector_load %arg7[%get3A_1323] {strides = array<i32>} : memref<1664xi32, #tpu.memory_space<vmem>>, vector<16xi32>,
      %get3A_1325 = vector.shape_cast %get3A_1324 : vector<16xi32> to vector<16xi32>
      %get3A_1326 = arith.constant 1616 : index
      %get3A_1327 = tpu.vector_load %arg6[%get3A_1326] {strides = array<i32>} : memref<1664xi32, #tpu.memory_space<vmem>>, vector<16xi32>,
      %get3A_1328 = vector.shape_cast %get3A_1327 : vector<16xi32> to vector<16xi32>
      %add3A_1329 = arith.addi %get3A_1325, %get3A_1328 : vector<16xi32>
      %swap3A_1330 = arith.constant 12 : i32
      %swap3A_1331 = arith.index_cast %swap3A_1330 : i32 to index
      %swap3A_1332 = arith.constant 80 : index
      %swap3A_1333 = tpu.vector_load %arg8[%swap3A_1331, %swap3A_1332] {strides = array<i32>} : memref<13x128xi32, #tpu.memory_space<vmem>>, vector<1x16xi32>,
      %swap3A_1334 = vector.shape_cast %swap3A_1333 : vector<1x16xi32> to vector<16xi32>
      %swap3A_1335 = vector.shape_cast %add3A_1329 : vector<16xi32> to vector<1x16xi32>
      tpu.vector_store %arg8[%swap3A_1331, %swap3A_1332], %swap3A_1335 {strides = array<i32>} : memref<13x128xi32, #tpu.memory_space<vmem>>, vector<1x16xi32>,
      %get3A_1336 = arith.constant 1632 : index
      %get3A_1337 = tpu.vector_load %arg7[%get3A_1336] {strides = array<i32>} : memref<1664xi32, #tpu.memory_space<vmem>>, vector<16xi32>,
      %get3A_1338 = vector.shape_cast %get3A_1337 : vector<16xi32> to vector<16xi32>
      %get3A_1339 = arith.constant 1632 : index
      %get3A_1340 = tpu.vector_load %arg6[%get3A_1339] {strides = array<i32>} : memref<1664xi32, #tpu.memory_space<vmem>>, vector<16xi32>,
      %get3A_1341 = vector.shape_cast %get3A_1340 : vector<16xi32> to vector<16xi32>
      %add3A_1342 = arith.addi %get3A_1338, %get3A_1341 : vector<16xi32>
      %swap3A_1343 = arith.constant 12 : i32
      %swap3A_1344 = arith.index_cast %swap3A_1343 : i32 to index
      %swap3A_1345 = arith.constant 96 : index
      %swap3A_1346 = tpu.vector_load %arg8[%swap3A_1344, %swap3A_1345] {strides = array<i32>} : memref<13x128xi32, #tpu.memory_space<vmem>>, vector<1x16xi32>,
      %swap3A_1347 = vector.shape_cast %swap3A_1346 : vector<1x16xi32> to vector<16xi32>
      %swap3A_1348 = vector.shape_cast %add3A_1342 : vector<16xi32> to vector<1x16xi32>
      tpu.vector_store %arg8[%swap3A_1344, %swap3A_1345], %swap3A_1348 {strides = array<i32>} : memref<13x128xi32, #tpu.memory_space<vmem>>, vector<1x16xi32>,
      %get3A_1349 = arith.constant 1648 : index
      %get3A_1350 = tpu.vector_load %arg7[%get3A_1349] {strides = array<i32>} : memref<1664xi32, #tpu.memory_space<vmem>>, vector<16xi32>,
      %get3A_1351 = vector.shape_cast %get3A_1350 : vector<16xi32> to vector<16xi32>
      %get3A_1352 = arith.constant 1648 : index
      %get3A_1353 = tpu.vector_load %arg6[%get3A_1352] {strides = array<i32>} : memref<1664xi32, #tpu.memory_space<vmem>>, vector<16xi32>,
      %get3A_1354 = vector.shape_cast %get3A_1353 : vector<16xi32> to vector<16xi32>
      %add3A_1355 = arith.addi %get3A_1351, %get3A_1354 : vector<16xi32>
      %swap3A_1356 = arith.constant 12 : i32
      %swap3A_1357 = arith.index_cast %swap3A_1356 : i32 to index
      %swap3A_1358 = arith.constant 112 : index
      %swap3A_1359 = tpu.vector_load %arg8[%swap3A_1357, %swap3A_1358] {strides = array<i32>} : memref<13x128xi32, #tpu.memory_space<vmem>>, vector<1x16xi32>,
      %swap3A_1360 = vector.shape_cast %swap3A_1359 : vector<1x16xi32> to vector<16xi32>
      %swap3A_1361 = vector.shape_cast %add3A_1355 : vector<16xi32> to vector<1x16xi32>
      tpu.vector_store %arg8[%swap3A_1357, %swap3A_1358], %swap3A_1361 {strides = array<i32>} : memref<13x128xi32, #tpu.memory_space<vmem>>, vector<1x16xi32>,
      %dma_start3A = arith.constant 0 : i32
      %dma_start3A_1362 = arith.constant 0 : i32
      %dma_start3A_1363 = arith.constant 0 : i32
      %dma_start3A_1364 = tpu.memref_slice %arg9[%dma_start3A_1362, %dma_start3A_1363] : memref<1664x32xf32, #tpu.memory_space<vmem>> -> memref<128x32xf32, #tpu.memory_space<vmem>>
      %dma_start3A_1365 = arith.constant 0 : i32
      %dma_start3A_1366 = tpu.memref_slice %arg8[%dma_start3A, %dma_start3A_1365] : memref<13x128xi32, #tpu.memory_space<vmem>> -> memref<1x128xi32, #tpu.memory_space<vmem>>
      %dma_start3A_1367 = tpu.memref_squeeze %dma_start3A_1366 : memref<1x128xi32, #tpu.memory_space<vmem>> -> memref<128xi32, #tpu.memory_space<vmem>>
      %dma_start3A_1368 = arith.constant 0 : i32
      %dma_start3A_1369 = arith.constant 0 : i32
      %dma_start3A_1370 = tpu.memref_slice %arg4[%dma_start3A_1368, %dma_start3A_1369] : memref<2600001x32xf32, #tpu.memory_space<hbm>> -> memref<2600001x32xf32, #tpu.memory_space<hbm>>
      tpu.enqueue_indirect_dma source(%dma_start3A_1370 : memref<2600001x32xf32, #tpu.memory_space<hbm>>) target(%dma_start3A_1364 : memref<128x32xf32, #tpu.memory_space<vmem>>) offsets(%dma_start3A_1367 : memref<128xi32, #tpu.memory_space<vmem>>) semaphore(%arg10 : memref<!tpu.dma_semaphore, #tpu.memory_space<semaphore_mem>>)
      %dma_start3A_1371 = arith.constant 1 : i32
      %dma_start3A_1372 = arith.constant 128 : i32
      %dma_start3A_1373 = arith.constant 0 : i32
      %dma_start3A_1374 = tpu.memref_slice %arg9[%dma_start3A_1372, %dma_start3A_1373] : memref<1664x32xf32, #tpu.memory_space<vmem>> -> memref<128x32xf32, #tpu.memory_space<vmem>>
      %dma_start3A_1375 = arith.constant 0 : i32
      %dma_start3A_1376 = tpu.memref_slice %arg8[%dma_start3A_1371, %dma_start3A_1375] : memref<13x128xi32, #tpu.memory_space<vmem>> -> memref<1x128xi32, #tpu.memory_space<vmem>>
      %dma_start3A_1377 = tpu.memref_squeeze %dma_start3A_1376 : memref<1x128xi32, #tpu.memory_space<vmem>> -> memref<128xi32, #tpu.memory_space<vmem>>
      %dma_start3A_1378 = arith.constant 0 : i32
      %dma_start3A_1379 = arith.constant 0 : i32
      %dma_start3A_1380 = tpu.memref_slice %arg4[%dma_start3A_1378, %dma_start3A_1379] : memref<2600001x32xf32, #tpu.memory_space<hbm>> -> memref<2600001x32xf32, #tpu.memory_space<hbm>>
      tpu.enqueue_indirect_dma source(%dma_start3A_1380 : memref<2600001x32xf32, #tpu.memory_space<hbm>>) target(%dma_start3A_1374 : memref<128x32xf32, #tpu.memory_space<vmem>>) offsets(%dma_start3A_1377 : memref<128xi32, #tpu.memory_space<vmem>>) semaphore(%arg10 : memref<!tpu.dma_semaphore, #tpu.memory_space<semaphore_mem>>)
      %dma_start3A_1381 = arith.constant 2 : i32
      %dma_start3A_1382 = arith.constant 256 : i32
      %dma_start3A_1383 = arith.constant 0 : i32
      %dma_start3A_1384 = tpu.memref_slice %arg9[%dma_start3A_1382, %dma_start3A_1383] : memref<1664x32xf32, #tpu.memory_space<vmem>> -> memref<128x32xf32, #tpu.memory_space<vmem>>
      %dma_start3A_1385 = arith.constant 0 : i32
      %dma_start3A_1386 = tpu.memref_slice %arg8[%dma_start3A_1381, %dma_start3A_1385] : memref<13x128xi32, #tpu.memory_space<vmem>> -> memref<1x128xi32, #tpu.memory_space<vmem>>
      %dma_start3A_1387 = tpu.memref_squeeze %dma_start3A_1386 : memref<1x128xi32, #tpu.memory_space<vmem>> -> memref<128xi32, #tpu.memory_space<vmem>>
      %dma_start3A_1388 = arith.constant 0 : i32
      %dma_start3A_1389 = arith.constant 0 : i32
      %dma_start3A_1390 = tpu.memref_slice %arg4[%dma_start3A_1388, %dma_start3A_1389] : memref<2600001x32xf32, #tpu.memory_space<hbm>> -> memref<2600001x32xf32, #tpu.memory_space<hbm>>
      tpu.enqueue_indirect_dma source(%dma_start3A_1390 : memref<2600001x32xf32, #tpu.memory_space<hbm>>) target(%dma_start3A_1384 : memref<128x32xf32, #tpu.memory_space<vmem>>) offsets(%dma_start3A_1387 : memref<128xi32, #tpu.memory_space<vmem>>) semaphore(%arg10 : memref<!tpu.dma_semaphore, #tpu.memory_space<semaphore_mem>>)
      %dma_start3A_1391 = arith.constant 3 : i32
      %dma_start3A_1392 = arith.constant 384 : i32
      %dma_start3A_1393 = arith.constant 0 : i32
      %dma_start3A_1394 = tpu.memref_slice %arg9[%dma_start3A_1392, %dma_start3A_1393] : memref<1664x32xf32, #tpu.memory_space<vmem>> -> memref<128x32xf32, #tpu.memory_space<vmem>>
      %dma_start3A_1395 = arith.constant 0 : i32
      %dma_start3A_1396 = tpu.memref_slice %arg8[%dma_start3A_1391, %dma_start3A_1395] : memref<13x128xi32, #tpu.memory_space<vmem>> -> memref<1x128xi32, #tpu.memory_space<vmem>>
      %dma_start3A_1397 = tpu.memref_squeeze %dma_start3A_1396 : memref<1x128xi32, #tpu.memory_space<vmem>> -> memref<128xi32, #tpu.memory_space<vmem>>
      %dma_start3A_1398 = arith.constant 0 : i32
      %dma_start3A_1399 = arith.constant 0 : i32
      %dma_start3A_1400 = tpu.memref_slice %arg4[%dma_start3A_1398, %dma_start3A_1399] : memref<2600001x32xf32, #tpu.memory_space<hbm>> -> memref<2600001x32xf32, #tpu.memory_space<hbm>>
      tpu.enqueue_indirect_dma source(%dma_start3A_1400 : memref<2600001x32xf32, #tpu.memory_space<hbm>>) target(%dma_start3A_1394 : memref<128x32xf32, #tpu.memory_space<vmem>>) offsets(%dma_start3A_1397 : memref<128xi32, #tpu.memory_space<vmem>>) semaphore(%arg10 : memref<!tpu.dma_semaphore, #tpu.memory_space<semaphore_mem>>)
      %dma_start3A_1401 = arith.constant 4 : i32
      %dma_start3A_1402 = arith.constant 512 : i32
      %dma_start3A_1403 = arith.constant 0 : i32
      %dma_start3A_1404 = tpu.memref_slice %arg9[%dma_start3A_1402, %dma_start3A_1403] : memref<1664x32xf32, #tpu.memory_space<vmem>> -> memref<128x32xf32, #tpu.memory_space<vmem>>
      %dma_start3A_1405 = arith.constant 0 : i32
      %dma_start3A_1406 = tpu.memref_slice %arg8[%dma_start3A_1401, %dma_start3A_1405] : memref<13x128xi32, #tpu.memory_space<vmem>> -> memref<1x128xi32, #tpu.memory_space<vmem>>
      %dma_start3A_1407 = tpu.memref_squeeze %dma_start3A_1406 : memref<1x128xi32, #tpu.memory_space<vmem>> -> memref<128xi32, #tpu.memory_space<vmem>>
      %dma_start3A_1408 = arith.constant 0 : i32
      %dma_start3A_1409 = arith.constant 0 : i32
      %dma_start3A_1410 = tpu.memref_slice %arg4[%dma_start3A_1408, %dma_start3A_1409] : memref<2600001x32xf32, #tpu.memory_space<hbm>> -> memref<2600001x32xf32, #tpu.memory_space<hbm>>
      tpu.enqueue_indirect_dma source(%dma_start3A_1410 : memref<2600001x32xf32, #tpu.memory_space<hbm>>) target(%dma_start3A_1404 : memref<128x32xf32, #tpu.memory_space<vmem>>) offsets(%dma_start3A_1407 : memref<128xi32, #tpu.memory_space<vmem>>) semaphore(%arg10 : memref<!tpu.dma_semaphore, #tpu.memory_space<semaphore_mem>>)
      %dma_start3A_1411 = arith.constant 5 : i32
      %dma_start3A_1412 = arith.constant 640 : i32
      %dma_start3A_1413 = arith.constant 0 : i32
      %dma_start3A_1414 = tpu.memref_slice %arg9[%dma_start3A_1412, %dma_start3A_1413] : memref<1664x32xf32, #tpu.memory_space<vmem>> -> memref<128x32xf32, #tpu.memory_space<vmem>>
      %dma_start3A_1415 = arith.constant 0 : i32
      %dma_start3A_1416 = tpu.memref_slice %arg8[%dma_start3A_1411, %dma_start3A_1415] : memref<13x128xi32, #tpu.memory_space<vmem>> -> memref<1x128xi32, #tpu.memory_space<vmem>>
      %dma_start3A_1417 = tpu.memref_squeeze %dma_start3A_1416 : memref<1x128xi32, #tpu.memory_space<vmem>> -> memref<128xi32, #tpu.memory_space<vmem>>
      %dma_start3A_1418 = arith.constant 0 : i32
      %dma_start3A_1419 = arith.constant 0 : i32
      %dma_start3A_1420 = tpu.memref_slice %arg4[%dma_start3A_1418, %dma_start3A_1419] : memref<2600001x32xf32, #tpu.memory_space<hbm>> -> memref<2600001x32xf32, #tpu.memory_space<hbm>>
      tpu.enqueue_indirect_dma source(%dma_start3A_1420 : memref<2600001x32xf32, #tpu.memory_space<hbm>>) target(%dma_start3A_1414 : memref<128x32xf32, #tpu.memory_space<vmem>>) offsets(%dma_start3A_1417 : memref<128xi32, #tpu.memory_space<vmem>>) semaphore(%arg10 : memref<!tpu.dma_semaphore, #tpu.memory_space<semaphore_mem>>)
      %dma_start3A_1421 = arith.constant 6 : i32
      %dma_start3A_1422 = arith.constant 768 : i32
      %dma_start3A_1423 = arith.constant 0 : i32
      %dma_start3A_1424 = tpu.memref_slice %arg9[%dma_start3A_1422, %dma_start3A_1423] : memref<1664x32xf32, #tpu.memory_space<vmem>> -> memref<128x32xf32, #tpu.memory_space<vmem>>
      %dma_start3A_1425 = arith.constant 0 : i32
      %dma_start3A_1426 = tpu.memref_slice %arg8[%dma_start3A_1421, %dma_start3A_1425] : memref<13x128xi32, #tpu.memory_space<vmem>> -> memref<1x128xi32, #tpu.memory_space<vmem>>
      %dma_start3A_1427 = tpu.memref_squeeze %dma_start3A_1426 : memref<1x128xi32, #tpu.memory_space<vmem>> -> memref<128xi32, #tpu.memory_space<vmem>>
      %dma_start3A_1428 = arith.constant 0 : i32
      %dma_start3A_1429 = arith.constant 0 : i32
      %dma_start3A_1430 = tpu.memref_slice %arg4[%dma_start3A_1428, %dma_start3A_1429] : memref<2600001x32xf32, #tpu.memory_space<hbm>> -> memref<2600001x32xf32, #tpu.memory_space<hbm>>
      tpu.enqueue_indirect_dma source(%dma_start3A_1430 : memref<2600001x32xf32, #tpu.memory_space<hbm>>) target(%dma_start3A_1424 : memref<128x32xf32, #tpu.memory_space<vmem>>) offsets(%dma_start3A_1427 : memref<128xi32, #tpu.memory_space<vmem>>) semaphore(%arg10 : memref<!tpu.dma_semaphore, #tpu.memory_space<semaphore_mem>>)
      %dma_start3A_1431 = arith.constant 7 : i32
      %dma_start3A_1432 = arith.constant 896 : i32
      %dma_start3A_1433 = arith.constant 0 : i32
      %dma_start3A_1434 = tpu.memref_slice %arg9[%dma_start3A_1432, %dma_start3A_1433] : memref<1664x32xf32, #tpu.memory_space<vmem>> -> memref<128x32xf32, #tpu.memory_space<vmem>>
      %dma_start3A_1435 = arith.constant 0 : i32
      %dma_start3A_1436 = tpu.memref_slice %arg8[%dma_start3A_1431, %dma_start3A_1435] : memref<13x128xi32, #tpu.memory_space<vmem>> -> memref<1x128xi32, #tpu.memory_space<vmem>>
      %dma_start3A_1437 = tpu.memref_squeeze %dma_start3A_1436 : memref<1x128xi32, #tpu.memory_space<vmem>> -> memref<128xi32, #tpu.memory_space<vmem>>
      %dma_start3A_1438 = arith.constant 0 : i32
      %dma_start3A_1439 = arith.constant 0 : i32
      %dma_start3A_1440 = tpu.memref_slice %arg4[%dma_start3A_1438, %dma_start3A_1439] : memref<2600001x32xf32, #tpu.memory_space<hbm>> -> memref<2600001x32xf32, #tpu.memory_space<hbm>>
      tpu.enqueue_indirect_dma source(%dma_start3A_1440 : memref<2600001x32xf32, #tpu.memory_space<hbm>>) target(%dma_start3A_1434 : memref<128x32xf32, #tpu.memory_space<vmem>>) offsets(%dma_start3A_1437 : memref<128xi32, #tpu.memory_space<vmem>>) semaphore(%arg10 : memref<!tpu.dma_semaphore, #tpu.memory_space<semaphore_mem>>)
      %dma_start3A_1441 = arith.constant 8 : i32
      %dma_start3A_1442 = arith.constant 1024 : i32
      %dma_start3A_1443 = arith.constant 0 : i32
      %dma_start3A_1444 = tpu.memref_slice %arg9[%dma_start3A_1442, %dma_start3A_1443] : memref<1664x32xf32, #tpu.memory_space<vmem>> -> memref<128x32xf32, #tpu.memory_space<vmem>>
      %dma_start3A_1445 = arith.constant 0 : i32
      %dma_start3A_1446 = tpu.memref_slice %arg8[%dma_start3A_1441, %dma_start3A_1445] : memref<13x128xi32, #tpu.memory_space<vmem>> -> memref<1x128xi32, #tpu.memory_space<vmem>>
      %dma_start3A_1447 = tpu.memref_squeeze %dma_start3A_1446 : memref<1x128xi32, #tpu.memory_space<vmem>> -> memref<128xi32, #tpu.memory_space<vmem>>
      %dma_start3A_1448 = arith.constant 0 : i32
      %dma_start3A_1449 = arith.constant 0 : i32
      %dma_start3A_1450 = tpu.memref_slice %arg4[%dma_start3A_1448, %dma_start3A_1449] : memref<2600001x32xf32, #tpu.memory_space<hbm>> -> memref<2600001x32xf32, #tpu.memory_space<hbm>>
      tpu.enqueue_indirect_dma source(%dma_start3A_1450 : memref<2600001x32xf32, #tpu.memory_space<hbm>>) target(%dma_start3A_1444 : memref<128x32xf32, #tpu.memory_space<vmem>>) offsets(%dma_start3A_1447 : memref<128xi32, #tpu.memory_space<vmem>>) semaphore(%arg10 : memref<!tpu.dma_semaphore, #tpu.memory_space<semaphore_mem>>)
      %dma_start3A_1451 = arith.constant 9 : i32
      %dma_start3A_1452 = arith.constant 1152 : i32
      %dma_start3A_1453 = arith.constant 0 : i32
      %dma_start3A_1454 = tpu.memref_slice %arg9[%dma_start3A_1452, %dma_start3A_1453] : memref<1664x32xf32, #tpu.memory_space<vmem>> -> memref<128x32xf32, #tpu.memory_space<vmem>>
      %dma_start3A_1455 = arith.constant 0 : i32
      %dma_start3A_1456 = tpu.memref_slice %arg8[%dma_start3A_1451, %dma_start3A_1455] : memref<13x128xi32, #tpu.memory_space<vmem>> -> memref<1x128xi32, #tpu.memory_space<vmem>>
      %dma_start3A_1457 = tpu.memref_squeeze %dma_start3A_1456 : memref<1x128xi32, #tpu.memory_space<vmem>> -> memref<128xi32, #tpu.memory_space<vmem>>
      %dma_start3A_1458 = arith.constant 0 : i32
      %dma_start3A_1459 = arith.constant 0 : i32
      %dma_start3A_1460 = tpu.memref_slice %arg4[%dma_start3A_1458, %dma_start3A_1459] : memref<2600001x32xf32, #tpu.memory_space<hbm>> -> memref<2600001x32xf32, #tpu.memory_space<hbm>>
      tpu.enqueue_indirect_dma source(%dma_start3A_1460 : memref<2600001x32xf32, #tpu.memory_space<hbm>>) target(%dma_start3A_1454 : memref<128x32xf32, #tpu.memory_space<vmem>>) offsets(%dma_start3A_1457 : memref<128xi32, #tpu.memory_space<vmem>>) semaphore(%arg10 : memref<!tpu.dma_semaphore, #tpu.memory_space<semaphore_mem>>)
      %dma_start3A_1461 = arith.constant 10 : i32
      %dma_start3A_1462 = arith.constant 1280 : i32
      %dma_start3A_1463 = arith.constant 0 : i32
      %dma_start3A_1464 = tpu.memref_slice %arg9[%dma_start3A_1462, %dma_start3A_1463] : memref<1664x32xf32, #tpu.memory_space<vmem>> -> memref<128x32xf32, #tpu.memory_space<vmem>>
      %dma_start3A_1465 = arith.constant 0 : i32
      %dma_start3A_1466 = tpu.memref_slice %arg8[%dma_start3A_1461, %dma_start3A_1465] : memref<13x128xi32, #tpu.memory_space<vmem>> -> memref<1x128xi32, #tpu.memory_space<vmem>>
      %dma_start3A_1467 = tpu.memref_squeeze %dma_start3A_1466 : memref<1x128xi32, #tpu.memory_space<vmem>> -> memref<128xi32, #tpu.memory_space<vmem>>
      %dma_start3A_1468 = arith.constant 0 : i32
      %dma_start3A_1469 = arith.constant 0 : i32
      %dma_start3A_1470 = tpu.memref_slice %arg4[%dma_start3A_1468, %dma_start3A_1469] : memref<2600001x32xf32, #tpu.memory_space<hbm>> -> memref<2600001x32xf32, #tpu.memory_space<hbm>>
      tpu.enqueue_indirect_dma source(%dma_start3A_1470 : memref<2600001x32xf32, #tpu.memory_space<hbm>>) target(%dma_start3A_1464 : memref<128x32xf32, #tpu.memory_space<vmem>>) offsets(%dma_start3A_1467 : memref<128xi32, #tpu.memory_space<vmem>>) semaphore(%arg10 : memref<!tpu.dma_semaphore, #tpu.memory_space<semaphore_mem>>)
      %dma_start3A_1471 = arith.constant 11 : i32
      %dma_start3A_1472 = arith.constant 1408 : i32
      %dma_start3A_1473 = arith.constant 0 : i32
      %dma_start3A_1474 = tpu.memref_slice %arg9[%dma_start3A_1472, %dma_start3A_1473] : memref<1664x32xf32, #tpu.memory_space<vmem>> -> memref<128x32xf32, #tpu.memory_space<vmem>>
      %dma_start3A_1475 = arith.constant 0 : i32
      %dma_start3A_1476 = tpu.memref_slice %arg8[%dma_start3A_1471, %dma_start3A_1475] : memref<13x128xi32, #tpu.memory_space<vmem>> -> memref<1x128xi32, #tpu.memory_space<vmem>>
      %dma_start3A_1477 = tpu.memref_squeeze %dma_start3A_1476 : memref<1x128xi32, #tpu.memory_space<vmem>> -> memref<128xi32, #tpu.memory_space<vmem>>
      %dma_start3A_1478 = arith.constant 0 : i32
      %dma_start3A_1479 = arith.constant 0 : i32
      %dma_start3A_1480 = tpu.memref_slice %arg4[%dma_start3A_1478, %dma_start3A_1479] : memref<2600001x32xf32, #tpu.memory_space<hbm>> -> memref<2600001x32xf32, #tpu.memory_space<hbm>>
      tpu.enqueue_indirect_dma source(%dma_start3A_1480 : memref<2600001x32xf32, #tpu.memory_space<hbm>>) target(%dma_start3A_1474 : memref<128x32xf32, #tpu.memory_space<vmem>>) offsets(%dma_start3A_1477 : memref<128xi32, #tpu.memory_space<vmem>>) semaphore(%arg10 : memref<!tpu.dma_semaphore, #tpu.memory_space<semaphore_mem>>)
      %dma_start3A_1481 = arith.constant 12 : i32
      %dma_start3A_1482 = arith.constant 1536 : i32
      %dma_start3A_1483 = arith.constant 0 : i32
      %dma_start3A_1484 = tpu.memref_slice %arg9[%dma_start3A_1482, %dma_start3A_1483] : memref<1664x32xf32, #tpu.memory_space<vmem>> -> memref<128x32xf32, #tpu.memory_space<vmem>>
      %dma_start3A_1485 = arith.constant 0 : i32
      %dma_start3A_1486 = tpu.memref_slice %arg8[%dma_start3A_1481, %dma_start3A_1485] : memref<13x128xi32, #tpu.memory_space<vmem>> -> memref<1x128xi32, #tpu.memory_space<vmem>>
      %dma_start3A_1487 = tpu.memref_squeeze %dma_start3A_1486 : memref<1x128xi32, #tpu.memory_space<vmem>> -> memref<128xi32, #tpu.memory_space<vmem>>
      %dma_start3A_1488 = arith.constant 0 : i32
      %dma_start3A_1489 = arith.constant 0 : i32
      %dma_start3A_1490 = tpu.memref_slice %arg4[%dma_start3A_1488, %dma_start3A_1489] : memref<2600001x32xf32, #tpu.memory_space<hbm>> -> memref<2600001x32xf32, #tpu.memory_space<hbm>>
      tpu.enqueue_indirect_dma source(%dma_start3A_1490 : memref<2600001x32xf32, #tpu.memory_space<hbm>>) target(%dma_start3A_1484 : memref<128x32xf32, #tpu.memory_space<vmem>>) offsets(%dma_start3A_1487 : memref<128xi32, #tpu.memory_space<vmem>>) semaphore(%arg10 : memref<!tpu.dma_semaphore, #tpu.memory_space<semaphore_mem>>)
      %dma_wait3A = arith.constant 0 : i32
      %dma_wait3A_1491 = arith.constant 0 : i32
      %dma_wait3A_1492 = arith.constant 0 : i32
      %dma_wait3A_1493 = tpu.memref_slice %arg9[%dma_wait3A_1491, %dma_wait3A_1492] : memref<1664x32xf32, #tpu.memory_space<vmem>> -> memref<128x32xf32, #tpu.memory_space<vmem>>
      %dma_wait3A_1494 = arith.constant 0 : i32
      %dma_wait3A_1495 = tpu.memref_slice %arg8[%dma_wait3A, %dma_wait3A_1494] : memref<13x128xi32, #tpu.memory_space<vmem>> -> memref<1x128xi32, #tpu.memory_space<vmem>>
      %dma_wait3A_1496 = tpu.memref_squeeze %dma_wait3A_1495 : memref<1x128xi32, #tpu.memory_space<vmem>> -> memref<128xi32, #tpu.memory_space<vmem>>
      %dma_wait3A_1497 = arith.constant 0 : i32
      %dma_wait3A_1498 = arith.constant 0 : i32
      %dma_wait3A_1499 = tpu.memref_slice %arg4[%dma_wait3A_1497, %dma_wait3A_1498] : memref<2600001x32xf32, #tpu.memory_space<hbm>> -> memref<2600001x32xf32, #tpu.memory_space<hbm>>
      tpu.wait_indirect_dma semaphore(%arg10 : memref<!tpu.dma_semaphore, #tpu.memory_space<semaphore_mem>>) src(%dma_wait3A_1499 : memref<2600001x32xf32, #tpu.memory_space<hbm>>) dst(%dma_wait3A_1493 : memref<128x32xf32, #tpu.memory_space<vmem>>)
      %dma_wait3A_1500 = arith.constant 1 : i32
      %dma_wait3A_1501 = arith.constant 128 : i32
      %dma_wait3A_1502 = arith.constant 0 : i32
      %dma_wait3A_1503 = tpu.memref_slice %arg9[%dma_wait3A_1501, %dma_wait3A_1502] : memref<1664x32xf32, #tpu.memory_space<vmem>> -> memref<128x32xf32, #tpu.memory_space<vmem>>
      %dma_wait3A_1504 = arith.constant 0 : i32
      %dma_wait3A_1505 = tpu.memref_slice %arg8[%dma_wait3A_1500, %dma_wait3A_1504] : memref<13x128xi32, #tpu.memory_space<vmem>> -> memref<1x128xi32, #tpu.memory_space<vmem>>
      %dma_wait3A_1506 = tpu.memref_squeeze %dma_wait3A_1505 : memref<1x128xi32, #tpu.memory_space<vmem>> -> memref<128xi32, #tpu.memory_space<vmem>>
      %dma_wait3A_1507 = arith.constant 0 : i32
      %dma_wait3A_1508 = arith.constant 0 : i32
      %dma_wait3A_1509 = tpu.memref_slice %arg4[%dma_wait3A_1507, %dma_wait3A_1508] : memref<2600001x32xf32, #tpu.memory_space<hbm>> -> memref<2600001x32xf32, #tpu.memory_space<hbm>>
      tpu.wait_indirect_dma semaphore(%arg10 : memref<!tpu.dma_semaphore, #tpu.memory_space<semaphore_mem>>) src(%dma_wait3A_1509 : memref<2600001x32xf32, #tpu.memory_space<hbm>>) dst(%dma_wait3A_1503 : memref<128x32xf32, #tpu.memory_space<vmem>>)
      %dma_wait3A_1510 = arith.constant 2 : i32
      %dma_wait3A_1511 = arith.constant 256 : i32
      %dma_wait3A_1512 = arith.constant 0 : i32
      %dma_wait3A_1513 = tpu.memref_slice %arg9[%dma_wait3A_1511, %dma_wait3A_1512] : memref<1664x32xf32, #tpu.memory_space<vmem>> -> memref<128x32xf32, #tpu.memory_space<vmem>>
      %dma_wait3A_1514 = arith.constant 0 : i32
      %dma_wait3A_1515 = tpu.memref_slice %arg8[%dma_wait3A_1510, %dma_wait3A_1514] : memref<13x128xi32, #tpu.memory_space<vmem>> -> memref<1x128xi32, #tpu.memory_space<vmem>>
      %dma_wait3A_1516 = tpu.memref_squeeze %dma_wait3A_1515 : memref<1x128xi32, #tpu.memory_space<vmem>> -> memref<128xi32, #tpu.memory_space<vmem>>
      %dma_wait3A_1517 = arith.constant 0 : i32
      %dma_wait3A_1518 = arith.constant 0 : i32
      %dma_wait3A_1519 = tpu.memref_slice %arg4[%dma_wait3A_1517, %dma_wait3A_1518] : memref<2600001x32xf32, #tpu.memory_space<hbm>> -> memref<2600001x32xf32, #tpu.memory_space<hbm>>
      tpu.wait_indirect_dma semaphore(%arg10 : memref<!tpu.dma_semaphore, #tpu.memory_space<semaphore_mem>>) src(%dma_wait3A_1519 : memref<2600001x32xf32, #tpu.memory_space<hbm>>) dst(%dma_wait3A_1513 : memref<128x32xf32, #tpu.memory_space<vmem>>)
      %dma_wait3A_1520 = arith.constant 3 : i32
      %dma_wait3A_1521 = arith.constant 384 : i32
      %dma_wait3A_1522 = arith.constant 0 : i32
      %dma_wait3A_1523 = tpu.memref_slice %arg9[%dma_wait3A_1521, %dma_wait3A_1522] : memref<1664x32xf32, #tpu.memory_space<vmem>> -> memref<128x32xf32, #tpu.memory_space<vmem>>
      %dma_wait3A_1524 = arith.constant 0 : i32
      %dma_wait3A_1525 = tpu.memref_slice %arg8[%dma_wait3A_1520, %dma_wait3A_1524] : memref<13x128xi32, #tpu.memory_space<vmem>> -> memref<1x128xi32, #tpu.memory_space<vmem>>
      %dma_wait3A_1526 = tpu.memref_squeeze %dma_wait3A_1525 : memref<1x128xi32, #tpu.memory_space<vmem>> -> memref<128xi32, #tpu.memory_space<vmem>>
      %dma_wait3A_1527 = arith.constant 0 : i32
      %dma_wait3A_1528 = arith.constant 0 : i32
      %dma_wait3A_1529 = tpu.memref_slice %arg4[%dma_wait3A_1527, %dma_wait3A_1528] : memref<2600001x32xf32, #tpu.memory_space<hbm>> -> memref<2600001x32xf32, #tpu.memory_space<hbm>>
      tpu.wait_indirect_dma semaphore(%arg10 : memref<!tpu.dma_semaphore, #tpu.memory_space<semaphore_mem>>) src(%dma_wait3A_1529 : memref<2600001x32xf32, #tpu.memory_space<hbm>>) dst(%dma_wait3A_1523 : memref<128x32xf32, #tpu.memory_space<vmem>>)
      %dma_wait3A_1530 = arith.constant 4 : i32
      %dma_wait3A_1531 = arith.constant 512 : i32
      %dma_wait3A_1532 = arith.constant 0 : i32
      %dma_wait3A_1533 = tpu.memref_slice %arg9[%dma_wait3A_1531, %dma_wait3A_1532] : memref<1664x32xf32, #tpu.memory_space<vmem>> -> memref<128x32xf32, #tpu.memory_space<vmem>>
      %dma_wait3A_1534 = arith.constant 0 : i32
      %dma_wait3A_1535 = tpu.memref_slice %arg8[%dma_wait3A_1530, %dma_wait3A_1534] : memref<13x128xi32, #tpu.memory_space<vmem>> -> memref<1x128xi32, #tpu.memory_space<vmem>>
      %dma_wait3A_1536 = tpu.memref_squeeze %dma_wait3A_1535 : memref<1x128xi32, #tpu.memory_space<vmem>> -> memref<128xi32, #tpu.memory_space<vmem>>
      %dma_wait3A_1537 = arith.constant 0 : i32
      %dma_wait3A_1538 = arith.constant 0 : i32
      %dma_wait3A_1539 = tpu.memref_slice %arg4[%dma_wait3A_1537, %dma_wait3A_1538] : memref<2600001x32xf32, #tpu.memory_space<hbm>> -> memref<2600001x32xf32, #tpu.memory_space<hbm>>
      tpu.wait_indirect_dma semaphore(%arg10 : memref<!tpu.dma_semaphore, #tpu.memory_space<semaphore_mem>>) src(%dma_wait3A_1539 : memref<2600001x32xf32, #tpu.memory_space<hbm>>) dst(%dma_wait3A_1533 : memref<128x32xf32, #tpu.memory_space<vmem>>)
      %dma_wait3A_1540 = arith.constant 5 : i32
      %dma_wait3A_1541 = arith.constant 640 : i32
      %dma_wait3A_1542 = arith.constant 0 : i32
      %dma_wait3A_1543 = tpu.memref_slice %arg9[%dma_wait3A_1541, %dma_wait3A_1542] : memref<1664x32xf32, #tpu.memory_space<vmem>> -> memref<128x32xf32, #tpu.memory_space<vmem>>
      %dma_wait3A_1544 = arith.constant 0 : i32
      %dma_wait3A_1545 = tpu.memref_slice %arg8[%dma_wait3A_1540, %dma_wait3A_1544] : memref<13x128xi32, #tpu.memory_space<vmem>> -> memref<1x128xi32, #tpu.memory_space<vmem>>
      %dma_wait3A_1546 = tpu.memref_squeeze %dma_wait3A_1545 : memref<1x128xi32, #tpu.memory_space<vmem>> -> memref<128xi32, #tpu.memory_space<vmem>>
      %dma_wait3A_1547 = arith.constant 0 : i32
      %dma_wait3A_1548 = arith.constant 0 : i32
      %dma_wait3A_1549 = tpu.memref_slice %arg4[%dma_wait3A_1547, %dma_wait3A_1548] : memref<2600001x32xf32, #tpu.memory_space<hbm>> -> memref<2600001x32xf32, #tpu.memory_space<hbm>>
      tpu.wait_indirect_dma semaphore(%arg10 : memref<!tpu.dma_semaphore, #tpu.memory_space<semaphore_mem>>) src(%dma_wait3A_1549 : memref<2600001x32xf32, #tpu.memory_space<hbm>>) dst(%dma_wait3A_1543 : memref<128x32xf32, #tpu.memory_space<vmem>>)
      %dma_wait3A_1550 = arith.constant 6 : i32
      %dma_wait3A_1551 = arith.constant 768 : i32
      %dma_wait3A_1552 = arith.constant 0 : i32
      %dma_wait3A_1553 = tpu.memref_slice %arg9[%dma_wait3A_1551, %dma_wait3A_1552] : memref<1664x32xf32, #tpu.memory_space<vmem>> -> memref<128x32xf32, #tpu.memory_space<vmem>>
      %dma_wait3A_1554 = arith.constant 0 : i32
      %dma_wait3A_1555 = tpu.memref_slice %arg8[%dma_wait3A_1550, %dma_wait3A_1554] : memref<13x128xi32, #tpu.memory_space<vmem>> -> memref<1x128xi32, #tpu.memory_space<vmem>>
      %dma_wait3A_1556 = tpu.memref_squeeze %dma_wait3A_1555 : memref<1x128xi32, #tpu.memory_space<vmem>> -> memref<128xi32, #tpu.memory_space<vmem>>
      %dma_wait3A_1557 = arith.constant 0 : i32
      %dma_wait3A_1558 = arith.constant 0 : i32
      %dma_wait3A_1559 = tpu.memref_slice %arg4[%dma_wait3A_1557, %dma_wait3A_1558] : memref<2600001x32xf32, #tpu.memory_space<hbm>> -> memref<2600001x32xf32, #tpu.memory_space<hbm>>
      tpu.wait_indirect_dma semaphore(%arg10 : memref<!tpu.dma_semaphore, #tpu.memory_space<semaphore_mem>>) src(%dma_wait3A_1559 : memref<2600001x32xf32, #tpu.memory_space<hbm>>) dst(%dma_wait3A_1553 : memref<128x32xf32, #tpu.memory_space<vmem>>)
      %dma_wait3A_1560 = arith.constant 7 : i32
      %dma_wait3A_1561 = arith.constant 896 : i32
      %dma_wait3A_1562 = arith.constant 0 : i32
      %dma_wait3A_1563 = tpu.memref_slice %arg9[%dma_wait3A_1561, %dma_wait3A_1562] : memref<1664x32xf32, #tpu.memory_space<vmem>> -> memref<128x32xf32, #tpu.memory_space<vmem>>
      %dma_wait3A_1564 = arith.constant 0 : i32
      %dma_wait3A_1565 = tpu.memref_slice %arg8[%dma_wait3A_1560, %dma_wait3A_1564] : memref<13x128xi32, #tpu.memory_space<vmem>> -> memref<1x128xi32, #tpu.memory_space<vmem>>
      %dma_wait3A_1566 = tpu.memref_squeeze %dma_wait3A_1565 : memref<1x128xi32, #tpu.memory_space<vmem>> -> memref<128xi32, #tpu.memory_space<vmem>>
      %dma_wait3A_1567 = arith.constant 0 : i32
      %dma_wait3A_1568 = arith.constant 0 : i32
      %dma_wait3A_1569 = tpu.memref_slice %arg4[%dma_wait3A_1567, %dma_wait3A_1568] : memref<2600001x32xf32, #tpu.memory_space<hbm>> -> memref<2600001x32xf32, #tpu.memory_space<hbm>>
      tpu.wait_indirect_dma semaphore(%arg10 : memref<!tpu.dma_semaphore, #tpu.memory_space<semaphore_mem>>) src(%dma_wait3A_1569 : memref<2600001x32xf32, #tpu.memory_space<hbm>>) dst(%dma_wait3A_1563 : memref<128x32xf32, #tpu.memory_space<vmem>>)
      %dma_wait3A_1570 = arith.constant 8 : i32
      %dma_wait3A_1571 = arith.constant 1024 : i32
      %dma_wait3A_1572 = arith.constant 0 : i32
      %dma_wait3A_1573 = tpu.memref_slice %arg9[%dma_wait3A_1571, %dma_wait3A_1572] : memref<1664x32xf32, #tpu.memory_space<vmem>> -> memref<128x32xf32, #tpu.memory_space<vmem>>
      %dma_wait3A_1574 = arith.constant 0 : i32
      %dma_wait3A_1575 = tpu.memref_slice %arg8[%dma_wait3A_1570, %dma_wait3A_1574] : memref<13x128xi32, #tpu.memory_space<vmem>> -> memref<1x128xi32, #tpu.memory_space<vmem>>
      %dma_wait3A_1576 = tpu.memref_squeeze %dma_wait3A_1575 : memref<1x128xi32, #tpu.memory_space<vmem>> -> memref<128xi32, #tpu.memory_space<vmem>>
      %dma_wait3A_1577 = arith.constant 0 : i32
      %dma_wait3A_1578 = arith.constant 0 : i32
      %dma_wait3A_1579 = tpu.memref_slice %arg4[%dma_wait3A_1577, %dma_wait3A_1578] : memref<2600001x32xf32, #tpu.memory_space<hbm>> -> memref<2600001x32xf32, #tpu.memory_space<hbm>>
      tpu.wait_indirect_dma semaphore(%arg10 : memref<!tpu.dma_semaphore, #tpu.memory_space<semaphore_mem>>) src(%dma_wait3A_1579 : memref<2600001x32xf32, #tpu.memory_space<hbm>>) dst(%dma_wait3A_1573 : memref<128x32xf32, #tpu.memory_space<vmem>>)
      %dma_wait3A_1580 = arith.constant 9 : i32
      %dma_wait3A_1581 = arith.constant 1152 : i32
      %dma_wait3A_1582 = arith.constant 0 : i32
      %dma_wait3A_1583 = tpu.memref_slice %arg9[%dma_wait3A_1581, %dma_wait3A_1582] : memref<1664x32xf32, #tpu.memory_space<vmem>> -> memref<128x32xf32, #tpu.memory_space<vmem>>
      %dma_wait3A_1584 = arith.constant 0 : i32
      %dma_wait3A_1585 = tpu.memref_slice %arg8[%dma_wait3A_1580, %dma_wait3A_1584] : memref<13x128xi32, #tpu.memory_space<vmem>> -> memref<1x128xi32, #tpu.memory_space<vmem>>
      %dma_wait3A_1586 = tpu.memref_squeeze %dma_wait3A_1585 : memref<1x128xi32, #tpu.memory_space<vmem>> -> memref<128xi32, #tpu.memory_space<vmem>>
      %dma_wait3A_1587 = arith.constant 0 : i32
      %dma_wait3A_1588 = arith.constant 0 : i32
      %dma_wait3A_1589 = tpu.memref_slice %arg4[%dma_wait3A_1587, %dma_wait3A_1588] : memref<2600001x32xf32, #tpu.memory_space<hbm>> -> memref<2600001x32xf32, #tpu.memory_space<hbm>>
      tpu.wait_indirect_dma semaphore(%arg10 : memref<!tpu.dma_semaphore, #tpu.memory_space<semaphore_mem>>) src(%dma_wait3A_1589 : memref<2600001x32xf32, #tpu.memory_space<hbm>>) dst(%dma_wait3A_1583 : memref<128x32xf32, #tpu.memory_space<vmem>>)
      %dma_wait3A_1590 = arith.constant 10 : i32
      %dma_wait3A_1591 = arith.constant 1280 : i32
      %dma_wait3A_1592 = arith.constant 0 : i32
      %dma_wait3A_1593 = tpu.memref_slice %arg9[%dma_wait3A_1591, %dma_wait3A_1592] : memref<1664x32xf32, #tpu.memory_space<vmem>> -> memref<128x32xf32, #tpu.memory_space<vmem>>
      %dma_wait3A_1594 = arith.constant 0 : i32
      %dma_wait3A_1595 = tpu.memref_slice %arg8[%dma_wait3A_1590, %dma_wait3A_1594] : memref<13x128xi32, #tpu.memory_space<vmem>> -> memref<1x128xi32, #tpu.memory_space<vmem>>
      %dma_wait3A_1596 = tpu.memref_squeeze %dma_wait3A_1595 : memref<1x128xi32, #tpu.memory_space<vmem>> -> memref<128xi32, #tpu.memory_space<vmem>>
      %dma_wait3A_1597 = arith.constant 0 : i32
      %dma_wait3A_1598 = arith.constant 0 : i32
      %dma_wait3A_1599 = tpu.memref_slice %arg4[%dma_wait3A_1597, %dma_wait3A_1598] : memref<2600001x32xf32, #tpu.memory_space<hbm>> -> memref<2600001x32xf32, #tpu.memory_space<hbm>>
      tpu.wait_indirect_dma semaphore(%arg10 : memref<!tpu.dma_semaphore, #tpu.memory_space<semaphore_mem>>) src(%dma_wait3A_1599 : memref<2600001x32xf32, #tpu.memory_space<hbm>>) dst(%dma_wait3A_1593 : memref<128x32xf32, #tpu.memory_space<vmem>>)
      %dma_wait3A_1600 = arith.constant 11 : i32
      %dma_wait3A_1601 = arith.constant 1408 : i32
      %dma_wait3A_1602 = arith.constant 0 : i32
      %dma_wait3A_1603 = tpu.memref_slice %arg9[%dma_wait3A_1601, %dma_wait3A_1602] : memref<1664x32xf32, #tpu.memory_space<vmem>> -> memref<128x32xf32, #tpu.memory_space<vmem>>
      %dma_wait3A_1604 = arith.constant 0 : i32
      %dma_wait3A_1605 = tpu.memref_slice %arg8[%dma_wait3A_1600, %dma_wait3A_1604] : memref<13x128xi32, #tpu.memory_space<vmem>> -> memref<1x128xi32, #tpu.memory_space<vmem>>
      %dma_wait3A_1606 = tpu.memref_squeeze %dma_wait3A_1605 : memref<1x128xi32, #tpu.memory_space<vmem>> -> memref<128xi32, #tpu.memory_space<vmem>>
      %dma_wait3A_1607 = arith.constant 0 : i32
      %dma_wait3A_1608 = arith.constant 0 : i32
      %dma_wait3A_1609 = tpu.memref_slice %arg4[%dma_wait3A_1607, %dma_wait3A_1608] : memref<2600001x32xf32, #tpu.memory_space<hbm>> -> memref<2600001x32xf32, #tpu.memory_space<hbm>>
      tpu.wait_indirect_dma semaphore(%arg10 : memref<!tpu.dma_semaphore, #tpu.memory_space<semaphore_mem>>) src(%dma_wait3A_1609 : memref<2600001x32xf32, #tpu.memory_space<hbm>>) dst(%dma_wait3A_1603 : memref<128x32xf32, #tpu.memory_space<vmem>>)
      %dma_wait3A_1610 = arith.constant 12 : i32
      %dma_wait3A_1611 = arith.constant 1536 : i32
      %dma_wait3A_1612 = arith.constant 0 : i32
      %dma_wait3A_1613 = tpu.memref_slice %arg9[%dma_wait3A_1611, %dma_wait3A_1612] : memref<1664x32xf32, #tpu.memory_space<vmem>> -> memref<128x32xf32, #tpu.memory_space<vmem>>
      %dma_wait3A_1614 = arith.constant 0 : i32
      %dma_wait3A_1615 = tpu.memref_slice %arg8[%dma_wait3A_1610, %dma_wait3A_1614] : memref<13x128xi32, #tpu.memory_space<vmem>> -> memref<1x128xi32, #tpu.memory_space<vmem>>
      %dma_wait3A_1616 = tpu.memref_squeeze %dma_wait3A_1615 : memref<1x128xi32, #tpu.memory_space<vmem>> -> memref<128xi32, #tpu.memory_space<vmem>>
      %dma_wait3A_1617 = arith.constant 0 : i32
      %dma_wait3A_1618 = arith.constant 0 : i32
      %dma_wait3A_1619 = tpu.memref_slice %arg4[%dma_wait3A_1617, %dma_wait3A_1618] : memref<2600001x32xf32, #tpu.memory_space<hbm>> -> memref<2600001x32xf32, #tpu.memory_space<hbm>>
      tpu.wait_indirect_dma semaphore(%arg10 : memref<!tpu.dma_semaphore, #tpu.memory_space<semaphore_mem>>) src(%dma_wait3A_1619 : memref<2600001x32xf32, #tpu.memory_space<hbm>>) dst(%dma_wait3A_1613 : memref<128x32xf32, #tpu.memory_space<vmem>>)
      "tpu.region"() ({
        %run_scoped3A = tpu.sem_alloc : memref<!tpu.dma_semaphore, #tpu.memory_space<semaphore_mem>>
        %dma_start3A_1620 = arith.constant 0 : i32
        %dma_start3A_1621 = tpu.memref_slice %arg5[%add3A_11, %dma_start3A_1620] : memref<425984x32xf32, #tpu.memory_space<hbm>> -> memref<1664x32xf32, #tpu.memory_space<hbm>>
        %dma_start3A_1622 = arith.constant 0 : i32
        %dma_start3A_1623 = tpu.memref_slice %arg5[%add3A_11, %dma_start3A_1622] : memref<425984x32xf32, #tpu.memory_space<hbm>> -> memref<1664x32xf32, #tpu.memory_space<hbm>>
        tpu.enqueue_dma source(%arg9 : memref<1664x32xf32, #tpu.memory_space<vmem>>) target(%dma_start3A_1623 : memref<1664x32xf32, #tpu.memory_space<hbm>>) target_semaphore(%run_scoped3A : memref<!tpu.dma_semaphore, #tpu.memory_space<semaphore_mem>>)
        %dma_wait3A_1624 = arith.constant 0 : i32
        %dma_wait3A_1625 = tpu.memref_slice %arg5[%add3A_11, %dma_wait3A_1624] : memref<425984x32xf32, #tpu.memory_space<hbm>> -> memref<1664x32xf32, #tpu.memory_space<hbm>>
        %dma_wait3A_1626 = arith.constant 0 : i32
        %dma_wait3A_1627 = tpu.memref_slice %arg5[%add3A_11, %dma_wait3A_1626] : memref<425984x32xf32, #tpu.memory_space<hbm>> -> memref<1664x32xf32, #tpu.memory_space<hbm>>
        tpu.wait_dma2 semaphore(%run_scoped3A : memref<!tpu.dma_semaphore, #tpu.memory_space<semaphore_mem>>) src(%arg9 : memref<1664x32xf32, #tpu.memory_space<vmem>>) dst(%dma_wait3A_1627 : memref<1664x32xf32, #tpu.memory_space<hbm>>)
        tpu.yield
      }) : () -> ()
    }
    %scan3A_7 = arith.constant 8 : i32
    return
  }
}

</mosaic_0001>

<sc_bundles>
// kernel: _emb_call.3.cloned.1.call-start
scs
__scs_entry_jumppad:
0x0: {  	(pc) =	sbr.rel $0x88, $3  }
0x1: {  	(tag) =	ssettag $0x0;
	lr =	simm.s32 $0x1  }
0x2: {  	[smem:$0x3F9E] =	sst lr;
	_ =	strace $0xD0000000  }
0x3: {  	_ = 	snop  }
0x4: {  	_ = 	snop  }
0x5: {  	_ = 	snop  }
0x6: {  	_ = 	snop  }
0x7: {  	_ = 	snop  }
__scs_overlays_trampoline_lowered:
0x8: {  	[smem:$0x3FAD] =	sst s0  }
0x9: {  	[smem:$0x3FAE] =	sst s1  }
0xa: {  	[smem:$0x3FAF] =	sst s2  }
0xb: {  	[smem:$0x3FB0] =	sst s3  }
0xc: {  	[smem:$0x3FB1] =	sst s4  }
0xd: {  	[smem:$0x3FB2] =	sst s5  }
0xe: {  	[smem:$0x3FB3] =	sst s6  }
0xf: {  	[smem:$0x3FB4] =	sst s7  }
0x10: {  	[smem:$0x3FB5] =	sst s8  }
0x11: {  	[smem:$0x3FB6] =	sst s9;
	s0 =	simm.s32 @!p0 $0x0  }
0x12: {  	s1 =	sld [smem:$0x3F9C];
	s0 =	simm.s32 @p0 $0x1  }
0x13: {  	[smem:$0x3FB7] =	sst s0;
	s0 =	simm.s32 @!p1 $0x0  }
0x14: {  	s2 =	sld [smem:$0x3F9B];
	s0 =	simm.s32 @p1 $0x1  }
0x15: {  	[smem:$0x3FB8] =	sst s0;
	s0 =	simm.s32 @!p2 $0x0  }
0x16: {  	s3 =	sld [smem:$0x3FDB];
	s0 =	simm.s32 @p2 $0x1  }
0x17: {  	s4 =	simm.s32 $0x1BF5;
	[smem:$0x3FBA] =	sst s0  }
0x18: {  	s0 =	sld [smem:$0x3F9D];
	_ =	swait.ge [sflag:s4], $0x0  }
0x19: {  	s7 =	sld [smem:$0x3F9E]  }
0x1a: {  	s8 =	sadd.s32 $0xFFFFE003, lr  }
0x1b: {  	s9 =	sadd.s32 $0xFFFFFEF7, lr;
	s5 =	simm.s32 $0xFFFFFFFF;
	p2 =	slt.u32 s8, $0xFFFFF086  }
0x1c: {  	p1 =	slt.u32 s9, $0xF7A;
	s5 =	simm.s32 @!p2 $0x0  }
0x1d: {  	s5 =	simm.s32 @p1 $0x1;
	p0 =	seq.s32 s7, s2  }
0x1e: {  	s7 =	smul.u32 @!p0 $0xF7A, s2;
	p2 =	seq.s32 @!p0 s5, $0x0  }
0x1f: {  	s9 =	smul.u32 $0xF7A, s1;
	s8 =	simm.s32 @!p0 $0x1BF5;
	p2 =	por !p2, p0  }
0x20: {  	[sflag:s8] =	ssyncset.s32 @!p0 $0xFFFFF086;
	s6 =	sadd.s32 @!p0 s3, s7;
	s7 =	simm.s32 @!p0 $0x108  }
0x21: {  	s3 =	sadd.s32 s3, s9;
	s6 =	sadd.s32 @!p0 $0x88, s6;
	s7 =	simm.s32 @p2 $0x1082  }
0x22: {  	[simem:s7], [sflag:s8] =	dma.local @!p0 [hbm:s6], $0xF7A  }
0x23: {  	s9 =	sor.u32 $0xD0000000, s2;
	s6 =	simm.s32 $0x108;
	_ =	swait.ge @!p0 [sflag:s8], $0x0  }
0x24: {  	s3 =	sadd.s32 $0x88, s3;
	s6 =	simm.s32 @!p1 $0x1082;
	[sflag:s4] =	ssyncset.s32 $0xFFFFF086  }
0x25: {  	[simem:s6], [sflag:s4] =	dma.local [hbm:s3], $0xF7A  }
0x26: {  	[smem:$0x3F9E] =	sst s1;
	(tag) =	ssettag s2;
	_ =	strace s9  }
0x27: {  	s1 =	sld [smem:$0x3FAE]  }
0x28: {  	s2 =	sld [smem:$0x3FAF]  }
0x29: {  	s4 =	sld [smem:$0x3FB1]  }
0x2a: {  	p0 =	seq.s32 s5, $0x0;
	s5 =	sld [smem:$0x3FB2]  }
0x2b: {  	s6 =	sld [smem:$0x3FB3]  }
0x2c: {  	s7 =	sld [smem:$0x3FB4]  }
0x2d: {  	s3 =	simm.s32 $0x108;
	s8 =	sld [smem:$0x3FB5]  }
0x2e: {  	s3 =	simm.s32 @!p0 $0x1082;
	s9 =	sld [smem:$0x3FB6]  }
0x2f: {  	lr =	sadd.s32 s0, s3;
	s0 =	sld [smem:$0x3FAD]  }
0x30: {  	s3 =	sld [smem:$0x3FB0]  }
0x31: {  	[smem:$0x3FB9] =	sst s10  }
0x32: {  	s10 =	sld [smem:$0x3FB7];
	_ =	sdelay $0x3  }
0x33: {  	p0 =	seq.s32 s10, $0x1;
	s10 =	sld [smem:$0x3FB9];
	_ =	sdelay $0x3  }
0x34: {  	[smem:$0x3FB9] =	sst s10  }
0x35: {  	s10 =	sld [smem:$0x3FB8];
	_ =	sdelay $0x3  }
0x36: {  	p1 =	seq.s32 s10, $0x1;
	s10 =	sld [smem:$0x3FB9];
	_ =	sdelay $0x3  }
0x37: {  	[smem:$0x3FB9] =	sst s10  }
0x38: {  	s10 =	sld [smem:$0x3FBA]  }
0x39: {  	_ = 	snop;
	(pc) =	sbr.ind lr, $3  }
0x3a: {  	_ = 	snop  }
0x3b: {  	_ = 	snop  }
0x3c: {  	p2 =	seq.s32 s10, $0x1;
	s10 =	sld [smem:$0x3FB9]  }
0x3d: {  	_ =	shalt  }
0x3e: {  	_ =	shalt  }
0x3f: {  	_ =	shalt  }
0x40: {  	_ =	shalt  }
0x41: {  	_ =	shalt  }
0x42: {  	_ =	shalt  }
0x43: {  	_ =	shalt  }
0x44: {  	_ =	shalt  }
0x45: {  	_ =	shalt  }
0x46: {  	_ =	shalt  }
0x47: {  	_ =	shalt  }
0x48: {  	_ =	shalt  }
0x49: {  	_ =	shalt  }
0x4a: {  	_ =	shalt  }
0x4b: {  	_ =	shalt  }
0x4c: {  	_ =	shalt  }
0x4d: {  	_ =	shalt  }
0x4e: {  	_ =	shalt  }
0x4f: {  	_ =	shalt  }
0x50: {  	_ =	shalt  }
0x51: {  	_ =	shalt  }
0x52: {  	_ =	shalt  }
0x53: {  	_ =	shalt  }
0x54: {  	_ =	shalt  }
0x55: {  	_ =	shalt  }
0x56: {  	_ =	shalt  }
0x57: {  	_ =	shalt  }
0x58: {  	_ =	shalt  }
0x59: {  	_ =	shalt  }
0x5a: {  	_ =	shalt  }
0x5b: {  	_ =	shalt  }
0x5c: {  	_ =	shalt  }
0x5d: {  	_ =	shalt  }
0x5e: {  	_ =	shalt  }
0x5f: {  	_ =	shalt  }
0x60: {  	_ =	shalt  }
0x61: {  	_ =	shalt  }
0x62: {  	_ =	shalt  }
0x63: {  	_ =	shalt  }
0x64: {  	_ =	shalt  }
0x65: {  	_ =	shalt  }
0x66: {  	_ =	shalt  }
0x67: {  	_ =	shalt  }
0x68: {  	_ =	shalt  }
0x69: {  	_ =	shalt  }
0x6a: {  	_ =	shalt  }
0x6b: {  	_ =	shalt  }
0x6c: {  	_ =	shalt  }
0x6d: {  	_ =	shalt  }
0x6e: {  	_ =	shalt  }
0x6f: {  	_ =	shalt  }
0x70: {  	_ =	shalt  }
0x71: {  	_ =	shalt  }
0x72: {  	_ =	shalt  }
0x73: {  	_ =	shalt  }
0x74: {  	_ =	shalt  }
0x75: {  	_ =	shalt  }
0x76: {  	_ =	shalt  }
0x77: {  	_ =	shalt  }
0x78: {  	_ =	shalt  }
0x79: {  	_ =	shalt  }
0x7a: {  	_ =	shalt  }
0x7b: {  	_ =	shalt  }
0x7c: {  	_ =	shalt  }
0x7d: {  	_ =	shalt  }
0x7e: {  	_ =	shalt  }
0x7f: {  	_ =	shalt  }
0x80: {  	_ =	shalt  }
0x81: {  	_ =	shalt  }
0x82: {  	_ =	shalt  }
0x83: {  	_ =	shalt  }
0x84: {  	_ =	shalt  }
0x85: {  	_ =	shalt  }
0x86: {  	_ =	shalt  }
0x87: {  	_ =	shalt  }
.Lfunc_end0:
.L_simem_size_0:
called_computation.1_lowered:
.L_overlay_start_0:
0x88: {  	s2 =	sld [smem:$0x3FD9]  }
0x89: {  	s3 =	sld [smem:$0x3FFE];
	_ =	sdelay $0x1  }
0x8a: {  	s1 =	srdreg.scid  }
0x8b: {  	s0 =	sand.u32 $0x1, s1  }
0x8c: {  	s17 =	sshll.u32 s0, $0xA;
	s2 =	sadd.s32 s3, s2  }
0x8d: {  	s2 =	sadd.s32 s2, s17  }
0x8e: {  	[smem:$0x3FC5] =	sst s2  }
0x8f: {  	_ = 	snop  }
0x90: {  	s2 =	sld [smem:$0x3FC9]  }
0x91: {  	s18 =	sld [smem:$0x3FC8]  }
0x92: {  	s4 =	sld [smem:$0x3FD0];
	(tm) =	ssettm $0x1  }
0x93: {  	s5 =	sld [smem:$0x3FFB];
	_ =	sdelay $0x3  }
0x94: {  	_ =	strace s5  }
0x95: {  	s5 =	sld [smem:$0x3FFC];
	_ =	sdelay $0x3  }
0x96: {  	_ =	strace s5  }
0x97: {  	s5 =	sld [smem:$0x3FFD];
	_ =	sdelay $0x3  }
0x98: {  	_ =	strace s5  }
0x99: {  	_ =	strace $0x8FFFFFFF  }
0x9a: {  	s19 =	sld [smem:$0x3FDB];
	_ =	sdelay $0x1  }
0x9b: {  	s6 =	simm.s32 $_scs_section_size  }
0x9c: {  	s7 =	simm.s32 $_size__tile_overlayer_lowered;
	s8 =	simm.s32 $_tile_overlayer_lowered  }
0x9d: {  	s22 =	simm.s32 $0x1BFF;
	s21 =	sshll.u32 s8, $0x1;
	s5 =	sadd.s32 s6, s19  }
0x9e: {  	s9 =	simm.s32 $0x0;
	s20 =	sshll.u32 s7, $0x1;
	s7 =	sadd.s32 s21, s5  }
0x9f: {  	[timem:s9], [sflag:s22] =	dma.local [hbm:s7], s20  }
0xa0: {  	_ =	swait.ge [sflag:s22], s20  }
0xa1: {  	s6 =	ssub.s32 $0x0, s20;
	[sflag:s22] =	ssyncset.done $0x0  }
0xa2: {  	[sflag:s22] =	ssyncadd.s32 s6;
	_ =	sdelay $0x1  }
0xa3: {  	s23 =	simm.s32 $0x1B8B  }
0xa4: {  	_ =	swait.ge [sflag:s23], $0x1  }
0xa5: {  	[sflag:s23] =	ssyncset.done $0x0  }
0xa6: {  	s25 =	simm.s32 $0x1B8E;
	s24 =	sld [smem:$0x3FFE];
	[sflag:s23] =	ssyncadd.s32 $0xFFFFFFFF  }
0xa7: {  	s26 =	simm.s32 $execute0_lowered;
	[smem:$0x3FD2] =	sst s25  }
0xa8: {  	s7 =	sshll.u32 s26, $0x1;
	_ =	strace $0x80000046;
	[dreg:$0x1] =	wrdreg $0xFFFFFFFF  }
0xa9: {  	s28 =	simm.s32 $_size_execute0_lowered;
	s5 =	sadd.s32 s5, s7;
	[dreg:$0x0] =	wrdreg $0x0  }
0xaa: {  	s7 =	sshll.u32 s28, $0x1;
	[dreg:$0x2] =	wrdreg s5  }
0xab: {  	[dreg:$0x3] =	wrdreg s7  }
0xac: {  	[dreg:$0x4] =	wrdreg $0xC0  }
0xad: {  	_ =	task [dreg:s9], $0x5FFFF  }
0xae: {  	[dreg:$0x1] =	wrdreg $0xFFFFFFFF  }
0xaf: {  	[dreg:$0x0] =	wrdreg $0x60  }
0xb0: {  	[dreg:$0x2] =	wrdreg s2  }
0xb1: {  	[dreg:$0x3] =	wrdreg s18  }
0xb2: {  	[dreg:$0x4] =	wrdreg s24  }
0xb3: {  	[dreg:$0x5] =	wrdreg s4  }
0xb4: {  	[dreg:$0x6] =	wrdreg $0x9  }
0xb5: {  	_ =	task.clear_ibuf [dreg:s9], $0x7FFFF;
	_ =	strace $0x90000046  }
0xb6: {  	s29 =	simm.s32 $0x9;
	_ =	strace $0x80000048  }
0xb7: {  	_ =	swait.ge [sflag:s29], $0x1  }
0xb8: {  	[sflag:s29] =	ssyncadd.s32 $0xFFFFFFFF  }
0xb9: {  	_ =	strace $0x90000048  }
0xba: {  	_ =	sfence  }
0xbb: {  	s30 =	sld [smem:$0x0];
	_ =	sdelay $0x2  }
0xbc: {  	s31 =	sshll.u32 s1, $0xD;
	s1 =	sshrl.u32 s1, $0x2  }
0xbd: {  	s3 =	sand.u32 $0x4000, s31;
	s1 =	sadd.s32 s1, s30  }
0xbe: {  	s0 =	sor.u32 s3, s0;
	s1 =	sshll.u32 s1, $0x11  }
0xbf: {  	s0 =	sor.u32 s1, s0  }
0xc0: {  	s0 =	sadd.s32 $0x8F2B, s0  }
0xc1: {  	[sflag:s0] =	ssyncadd.remote.s32 $0x1  }
0xc2: {  	_ =	sfence.sel $0xFFFF  }
0xc3: {  	[dreg:$0x0] =	wrdreg $0xFFFFFFFF;
	(pc) =	sbr.abs _section_cstart, $3  }
0xc4: {  	[dreg:$0x1] =	wrdreg $0xFFFFFFFF  }
0xc5: {  	_ =	task.clear_ibuf [dreg:s9], $0x2FFFF;
	_ =	strace $0x9FFFFFFF  }
0xc6: {  	(tm) =	ssettm $0x7FFFFFFF  }
0xc7: {  	_ =	shalt  }
tec
execute0_lowered:
.L_overlay_start_1:
0x0: {  	(tag) =	ssettag $0x1  }
0x1: {  	s0 =	rddreg [dreg:$0x0]  }
0x2: {  	s1 =	srdreg.scid;
	s2 =	rddreg [dreg:$0x2]  }
0x3: {  	s9 =	stileid.u32;
	s6 =	rddreg [dreg:$0x3]  }
0x4: {  	s3 =	simm.s32 $0x0;
	s20 =	simm.s32 $0x680;
	s21 =	simm.s32 $0xD00  }
0x5: {  	s22 =	simm.s32 $0xD80;
	s24 =	simm.s32 $0x2380;
	s25 =	simm.s32 $0xE00  }
0x6: {  	s26 =	simm.s32 $0x3380;
	s11 =	simm.s32 $0x4380;
	s12 =	simm.s32 $0xF00  }
0x7: {  	s13 =	simm.s32 $0x5380;
	s14 =	simm.s32 $0xF80;
	s15 =	simm.s32 $0x6380  }
0x8: {  	s28 =	simm.s32 $0xC380;
	s29 =	simm.s32 $0x1300;
	[smem:$0x7FF] =	sst s3  }
0x9: {  	s30 =	simm.s32 $0xD380;
	_ =	strace $0x80000047;
	[dreg:$0x6] =	wrdreg s20  }
0xa: {  	s31 =	simm.s32 $0x1;
	s4 =	smul.u32 $0x6800, s9;
	[dreg:$0x7] =	wrdreg s21  }
0xb: {  	s1 =	sand.u32 $0x1, s1;
	s19 =	smul.u32 $0x1A000, s9;
	[dreg:$0x8] =	wrdreg s22  }
0xc: {  	s9 =	simm.s32 $0x1380;
	s5 =	smul.u32 $0x3400, s1;
	[dreg:$0x9] =	wrdreg s24  }
0xd: {  	s7 =	ssub.s32 $0x2, s1;
	s1 =	smul.u32 $0xD000, s1;
	[dreg:$0xa] =	wrdreg s25  }
0xe: {  	[dreg:$0xb] =	wrdreg s26;
	s20 =	simm.s32 $0x1100;
	s21 =	simm.s32 $0x9380  }
0xf: {  	s22 =	simm.s32 $0x1180;
	s24 =	simm.s32 $0x1200;
	s25 =	simm.s32 $0xB380  }
0x10: {  	s26 =	simm.s32 $0x1280;
	s8 =	sshrl.u32 s7, $0x1;
	s4 =	sadd.s32 s5, s4  }
0x11: {  	s16 =	ssub.s32 s7, s8;
	s7 =	simm.s32 $0x2;
	s8 =	simm.s32 $0x80  }
0x12: {  	s17 =	sshrl.u32 s4, $0x3;
	s4 =	sadd.s32 $0x27ACE00, s2;
	s18 =	smax.u32 s16, $0x1  }
0x13: {  	s2 =	sadd.s32 s19, s6;
	s16 =	simm.s32 $0x1000;
	s19 =	simm.s32 $0x8380  }
0x14: {  	[dreg:$0xc] =	wrdreg s18;
	s0 =	sadd.s32 s17, s0;
	s23 =	sadd.s32 s1, s2  }
0x15: {  	s17 =	simm.s32 $0x7380;
	s18 =	simm.s32 $0x1080;
	[dreg:$0x5] =	wrdreg s0  }
0x16: {  	s1 =	simm.s32 $0x0;
	[dreg:$0xd] =	wrdreg s23;
	s23 =	simm.s32 $0xA380  }
.LBB2_1:
0x17: {  	[dreg:$0xe] =	wrdreg s1  }
0x18: {  	s0 =	rddreg [dreg:$0x1]  }
0x19: {  	[tilespmem:s3], [sflag:$0x2] =	stream.linear.gather [hbm4b:s0+s3], $0x680, $0x38;
	[tilespmem:$0xE380] =	vst v63  }
0x1a: {  	_ =	swait.ge [sflag:s7], $0x680  }
0x1b: {  	[sflag:s7] =	ssyncset.done $0x0  }
0x1c: {  	s1 =	simm.s32 $0x0;
	s6 =	rddreg [dreg:$0xd];
	[sflag:s7] =	ssyncadd.s32 $0xFFFFF980  }
.LBB2_2:
0x1d: {  	s5 =	rddreg [dreg:$0x5]  }
0x1e: {  	s0 =	rddreg [dreg:$0x6];
	s5 =	sadd.s32 s1, s5  }
0x1f: {  	[tilespmem:s0], [sflag:$0x2] =	stream.linear.gather [hbm4b:s5+s3], $0x680, $0x38;
	[tilespmem:$0xE380] =	vst v63  }
0x20: {  	_ =	swait.ge [sflag:s7], $0x680  }
0x21: {  	[sflag:s7] =	ssyncset.done $0x0  }
0x22: {  	[sflag:s7] =	ssyncadd.s32 $0xFFFFF980  }
0x23: {  	v59 =	vld [tilespmem:$0x870];
	_ =	sdelay $0x4  }
0x24: {  	[tilespmem:$0x1FCD0] =	vst v59;
	v59 =	vld [tilespmem:$0x880];
	_ =	sdelay $0x4  }
0x25: {  	[tilespmem:$0x1FCE0] =	vst v59;
	v59 =	vld [tilespmem:$0x200];
	_ =	sdelay $0x1  }
0x26: {  	v10 =	vld [tilespmem:$0x680]  }
0x27: {  	v11 =	vld [tilespmem:$0x0]  }
0x28: {  	v18 =	vld [tilespmem:$0x690]  }
0x29: {  	[tilespmem:$0x1FCF0] =	vst v59;
	v59 =	vld [tilespmem:$0x890]  }
0x2a: {  	v19 =	vld [tilespmem:$0x10]  }
0x2b: {  	v28 =	vld [tilespmem:$0x6A0]  }
0x2c: {  	v29 =	vld [tilespmem:$0x20]  }
0x2d: {  	v36 =	vld [tilespmem:$0x6B0]  }
0x2e: {  	[tilespmem:$0x1FD00] =	vst v59;
	v59 =	vld [tilespmem:$0x210]  }
0x2f: {  	v37 =	vld [tilespmem:$0x30]  }
0x30: {  	v44 =	vld [tilespmem:$0x6C0]  }
0x31: {  	v45 =	vld [tilespmem:$0x40]  }
0x32: {  	v52 =	vld [tilespmem:$0x6D0]  }
0x33: {  	[tilespmem:$0x1FD10] =	vst v59;
	v59 =	vld [tilespmem:$0x8A0]  }
0x34: {  	v53 =	vld [tilespmem:$0x50]  }
0x35: {  	v60 =	vld [tilespmem:$0x6E0]  }
0x36: {  	v61 =	vld [tilespmem:$0x60]  }
0x37: {  	v1 =	vld [tilespmem:$0x6F0]  }
0x38: {  	[tilespmem:$0x1FD20] =	vst v59;
	v59 =	vld [tilespmem:$0x220]  }
0x39: {  	v0 =	vld [tilespmem:$0x70]  }
0x3a: {  	v3 =	vld [tilespmem:$0x700]  }
0x3b: {  	v2 =	vld [tilespmem:$0x80]  }
0x3c: {  	v5 =	vld [tilespmem:$0x710]  }
0x3d: {  	[tilespmem:$0x1FD30] =	vst v59;
	v59 =	vld [tilespmem:$0x8B0]  }
0x3e: {  	v4 =	vld [tilespmem:$0x90]  }
0x3f: {  	v7 =	vld [tilespmem:$0x720]  }
0x40: {  	v6 =	vld [tilespmem:$0xA0]  }
0x41: {  	v9 =	vld [tilespmem:$0x730]  }
0x42: {  	[tilespmem:$0x1FD40] =	vst v59;
	v59 =	vld [tilespmem:$0x230]  }
0x43: {  	v8 =	vld [tilespmem:$0xB0]  }
0x44: {  	v13 =	vld [tilespmem:$0x740]  }
0x45: {  	v12 =	vld [tilespmem:$0xC0]  }
0x46: {  	v15 =	vld [tilespmem:$0x750]  }
0x47: {  	[tilespmem:$0x1FD50] =	vst v59;
	v59 =	vld [tilespmem:$0x8C0]  }
0x48: {  	v14 =	vld [tilespmem:$0xD0]  }
0x49: {  	v17 =	vld [tilespmem:$0x760]  }
0x4a: {  	v16 =	vld [tilespmem:$0xE0]  }
0x4b: {  	v21 =	vld [tilespmem:$0x770]  }
0x4c: {  	[tilespmem:$0x1FD60] =	vst v59;
	v59 =	vld [tilespmem:$0x240]  }
0x4d: {  	v20 =	vld [tilespmem:$0xF0]  }
0x4e: {  	v23 =	vld [tilespmem:$0x780]  }
0x4f: {  	v22 =	vld [tilespmem:$0x100]  }
0x50: {  	v25 =	vld [tilespmem:$0x790]  }
0x51: {  	[tilespmem:$0x1FD70] =	vst v59;
	v59 =	vld [tilespmem:$0x8D0]  }
0x52: {  	v24 =	vld [tilespmem:$0x110]  }
0x53: {  	v27 =	vld [tilespmem:$0x7A0]  }
0x54: {  	v26 =	vld [tilespmem:$0x120]  }
0x55: {  	v31 =	vld [tilespmem:$0x7B0]  }
0x56: {  	[tilespmem:$0x1FD80] =	vst v59;
	v59 =	vld [tilespmem:$0x250]  }
0x57: {  	v30 =	vld [tilespmem:$0x130]  }
0x58: {  	v34 =	vld [tilespmem:$0x7C0]  }
0x59: {  	v32 =	vld [tilespmem:$0x140]  }
0x5a: {  	v35 =	vld [tilespmem:$0x7D0]  }
0x5b: {  	[tilespmem:$0x1FD90] =	vst v59;
	v59 =	vld [tilespmem:$0x8E0]  }
0x5c: {  	v33 =	vld [tilespmem:$0x150]  }
0x5d: {  	v40 =	vld [tilespmem:$0x7E0]  }
0x5e: {  	v38 =	vld [tilespmem:$0x160]  }
0x5f: {  	v42 =	vld [tilespmem:$0x7F0]  }
0x60: {  	[tilespmem:$0x1FDA0] =	vst v59;
	v59 =	vld [tilespmem:$0x260]  }
0x61: {  	v39 =	vld [tilespmem:$0x170]  }
0x62: {  	v46 =	vld [tilespmem:$0x800]  }
0x63: {  	v41 =	vld [tilespmem:$0x180]  }
0x64: {  	v48 =	vld [tilespmem:$0x810]  }
0x65: {  	[tilespmem:$0x1FDB0] =	vst v59;
	v59 =	vld [tilespmem:$0x8F0]  }
0x66: {  	v43 =	vld [tilespmem:$0x190]  }
0x67: {  	v50 =	vld [tilespmem:$0x820]  }
0x68: {  	v47 =	vld [tilespmem:$0x1A0]  }
0x69: {  	v54 =	vld [tilespmem:$0x830]  }
0x6a: {  	[tilespmem:$0x1FDC0] =	vst v59;
	v59 =	vld [tilespmem:$0x270]  }
0x6b: {  	v49 =	vld [tilespmem:$0x1B0]  }
0x6c: {  	v56 =	vld [tilespmem:$0x840]  }
0x6d: {  	v51 =	vld [tilespmem:$0x1C0]  }
0x6e: {  	v58 =	vld [tilespmem:$0x850]  }
0x6f: {  	[tilespmem:$0x1FDD0] =	vst v59;
	v59 =	vld [tilespmem:$0x900]  }
0x70: {  	v55 =	vld [tilespmem:$0x1D0]  }
0x71: {  	v62 =	vld [tilespmem:$0x860]  }
0x72: {  	v57 =	vld [tilespmem:$0x1E0]  }
0x73: {  	v63 =	vld [tilespmem:$0x1F0]  }
0x74: {  	[tilespmem:$0x1FDE0] =	vst v59;
	v59 =	vld [tilespmem:$0x280]  }
0x75: {  	v18 =	vadd.s32 v18, v19;
	v19 =	vld [tilespmem:$0x9F0]  }
0x76: {  	v28 =	vadd.s32 v28, v29;
	v29 =	vld [tilespmem:$0x370]  }
0x77: {  	v36 =	vadd.s32 v36, v37;
	v37 =	vld [tilespmem:$0xA00]  }
0x78: {  	v44 =	vadd.s32 v44, v45;
	v45 =	vld [tilespmem:$0x380]  }
0x79: {  	[tilespmem:$0x1FDF0] =	vst v59;
	v59 =	vld [tilespmem:$0x910]  }
0x7a: {  	v10 =	vadd.s32 v10, v11;
	v52 =	vadd.s32 v52, v53;
	v53 =	vld [tilespmem:$0xA10]  }
0x7b: {  	v60 =	vadd.s32 v60, v61;
	v61 =	vadd.s32 v3, v2;
	v2 =	vld [tilespmem:$0x400];
	[tilespmem:$0xD00] =	vst v10  }
0x7c: {  	v3 =	vld [tilespmem:$0xA90];
	[tilespmem:$0xD10] =	vst v18  }
0x7d: {  	v0 =	vadd.s32 v1, v0;
	v1 =	vld [tilespmem:$0x410];
	[tilespmem:$0xD20] =	vst v28  }
0x7e: {  	[tilespmem:$0x1FE00] =	vst v59;
	v59 =	vld [tilespmem:$0x290]  }
0x7f: {  	v11 =	vadd.s32 v9, v8;
	v8 =	vld [tilespmem:$0xAC0];
	[tilespmem:$0xD30] =	vst v36  }
0x80: {  	v9 =	vld [tilespmem:$0x440];
	[tilespmem:$0xD40] =	vst v44  }
0x81: {  	[tilespmem:$0xD50] =	vst v52;
	v28 =	vld [tilespmem:$0x390]  }
0x82: {  	[tilespmem:$0xD60] =	vst v60;
	v36 =	vld [tilespmem:$0x3A0]  }
0x83: {  	[tilespmem:$0x1FE10] =	vst v59;
	v59 =	vld [tilespmem:$0x920]  }
0x84: {  	v5 =	vadd.s32 v5, v4;
	[tilespmem:$0xD80] =	vst v61;
	v44 =	vld [tilespmem:$0x3B0]  }
0x85: {  	[tilespmem:$0xD90] =	vst v5;
	v52 =	vld [tilespmem:$0x3C0]  }
0x86: {  	v13 =	vadd.s32 v13, v12;
	[tilespmem:$0xDB0] =	vst v11;
	v60 =	vld [tilespmem:$0x3D0]  }
0x87: {  	[tilespmem:$0xDC0] =	vst v13;
	v61 =	vld [tilespmem:$0xA60]  }
0x88: {  	v21 =	vadd.s32 v21, v20;
	[tilespmem:$0x1FE20] =	vst v59;
	v59 =	vld [tilespmem:$0x2A0]  }
0x89: {  	v4 =	vadd.s32 v23, v22;
	[tilespmem:$0xDF0] =	vst v21;
	v11 =	vld [tilespmem:$0xA80]  }
0x8a: {  	v12 =	vadd.s32 v34, v32;
	[tilespmem:$0xE00] =	vst v4;
	v4 =	vld [tilespmem:$0xAA0]  }
0x8b: {  	v20 =	vadd.s32 v50, v47;
	[tilespmem:$0xE40] =	vst v12;
	v12 =	vld [tilespmem:$0xAD0]  }
0x8c: {  	v5 =	vadd.s32 v25, v24;
	[tilespmem:$0xEA0] =	vst v20;
	v25 =	vld [tilespmem:$0x1FCD0]  }
0x8d: {  	v22 =	vadd.s32 v56, v51;
	[tilespmem:$0x1FE30] =	vst v59;
	v59 =	vld [tilespmem:$0x930]  }
0x8e: {  	v23 =	vadd.s32 v58, v55;
	[tilespmem:$0xEC0] =	vst v22;
	v20 =	vld [tilespmem:$0xB00]  }
0x8f: {  	v10 =	vadd.s32 v7, v6;
	[tilespmem:$0xED0] =	vst v23;
	v22 =	vld [tilespmem:$0xB10]  }
0x90: {  	v18 =	vadd.s32 v15, v14;
	v23 =	vld [tilespmem:$0x490];
	[tilespmem:$0xDA0] =	vst v10  }
0x91: {  	[tilespmem:$0xDD0] =	vst v18;
	v18 =	vld [tilespmem:$0x3E0]  }
0x92: {  	[tilespmem:$0x1FE40] =	vst v59;
	v59 =	vld [tilespmem:$0x2B0]  }
0x93: {  	v6 =	vadd.s32 v27, v26;
	[tilespmem:$0xE10] =	vst v5;
	v10 =	vld [tilespmem:$0x3F0]  }
0x94: {  	v7 =	vadd.s32 v31, v30;
	[tilespmem:$0xE20] =	vst v6;
	v5 =	vld [tilespmem:$0x420]  }
0x95: {  	v13 =	vadd.s32 v35, v33;
	[tilespmem:$0xE30] =	vst v7;
	v6 =	vld [tilespmem:$0xAB0]  }
0x96: {  	[tilespmem:$0xE50] =	vst v13;
	v7 =	vld [tilespmem:$0x430]  }
0x97: {  	v14 =	vadd.s32 v40, v38;
	[tilespmem:$0x1FE50] =	vst v59;
	v59 =	vld [tilespmem:$0x940]  }
0x98: {  	v15 =	vadd.s32 v42, v39;
	[tilespmem:$0xE60] =	vst v14;
	v13 =	vld [tilespmem:$0x450]  }
0x99: {  	v21 =	vadd.s32 v54, v49;
	[tilespmem:$0xE70] =	vst v15;
	v14 =	vld [tilespmem:$0xAE0]  }
0x9a: {  	v24 =	vadd.s32 v62, v57;
	[tilespmem:$0xEB0] =	vst v21;
	v15 =	vld [tilespmem:$0x460]  }
0x9b: {  	[tilespmem:$0xEE0] =	vst v24;
	v21 =	vld [tilespmem:$0x480]  }
0x9c: {  	[tilespmem:$0x1FE60] =	vst v59;
	v59 =	vld [tilespmem:$0x2C0]  }
0x9d: {  	v24 =	vld [tilespmem:$0xB20];
	[tilespmem:$0x1FFB0] =	vst v19  }
0x9e: {  	[tilespmem:$0x1FFC0] =	vst v29;
	v29 =	vld [tilespmem:$0xA20]  }
0x9f: {  	[tilespmem:$0x1FFD0] =	vst v37;
	v37 =	vld [tilespmem:$0xA30]  }
0xa0: {  	[tilespmem:$0x1FFE0] =	vst v45;
	v45 =	vld [tilespmem:$0xA40]  }
0xa1: {  	[tilespmem:$0x1FE70] =	vst v59;
	v59 =	vld [tilespmem:$0x950]  }
0xa2: {  	[tilespmem:$0x1FFF0] =	vst v53;
	v53 =	vld [tilespmem:$0xA50];
	v19 =	vadd.s32 v17, v16  }
0xa3: {  	[tilespmem:$0xDE0] =	vst v19;
	v19 =	vld [tilespmem:$0xA70]  }
0xa4: {  	v16 =	vadd.s32 v46, v41;
	v26 =	vld [tilespmem:$0x1FCE0]  }
0xa5: {  	[tilespmem:$0xE80] =	vst v16;
	v16 =	vld [tilespmem:$0xAF0]  }
0xa6: {  	v17 =	vadd.s32 v48, v43;
	[tilespmem:$0x1FE80] =	vst v59;
	v59 =	vld [tilespmem:$0x2D0]  }
0xa7: {  	[tilespmem:$0xE90] =	vst v17;
	v17 =	vld [tilespmem:$0x470]  }
0xa8: {  	v27 =	vld [tilespmem:$0x1FCF0]  }
0xa9: {  	[tilespmem:$0xD70] =	vst v0;
	v0 =	vadd.s32 v25, v63;
	v25 =	vld [tilespmem:$0x4A0]  }
0xaa: {  	v30 =	vld [tilespmem:$0x1FD00]  }
0xab: {  	[tilespmem:$0x1FE90] =	vst v59;
	v59 =	vld [tilespmem:$0x960]  }
0xac: {  	v31 =	vld [tilespmem:$0x1FD10]  }
0xad: {  	[tilespmem:$0xEF0] =	vst v0;
	v0 =	vadd.s32 v26, v27;
	v26 =	vld [tilespmem:$0xB30]  }
0xae: {  	v27 =	vld [tilespmem:$0x4B0]  }
0xaf: {  	v32 =	vld [tilespmem:$0x1FD20]  }
0xb0: {  	[tilespmem:$0x1FEA0] =	vst v59;
	v59 =	vld [tilespmem:$0x2E0]  }
0xb1: {  	[tilespmem:$0xF00] =	vst v0;
	v0 =	vadd.s32 v30, v31;
	v30 =	vld [tilespmem:$0xB40]  }
0xb2: {  	v33 =	vld [tilespmem:$0x1FD30]  }
0xb3: {  	v31 =	vld [tilespmem:$0x4C0]  }
0xb4: {  	v34 =	vld [tilespmem:$0x1FD40]  }
0xb5: {  	[tilespmem:$0x1FEB0] =	vst v59;
	v59 =	vld [tilespmem:$0x970]  }
0xb6: {  	v35 =	vld [tilespmem:$0x1FD50]  }
0xb7: {  	[tilespmem:$0xF10] =	vst v0;
	v0 =	vadd.s32 v32, v33;
	v32 =	vld [tilespmem:$0xB50]  }
0xb8: {  	v33 =	vld [tilespmem:$0x4D0]  }
0xb9: {  	v38 =	vld [tilespmem:$0x1FD60]  }
0xba: {  	[tilespmem:$0x1FEC0] =	vst v59;
	v59 =	vld [tilespmem:$0x2F0]  }
0xbb: {  	[tilespmem:$0xF20] =	vst v0;
	v0 =	vadd.s32 v34, v35;
	v34 =	vld [tilespmem:$0xB60]  }
0xbc: {  	v39 =	vld [tilespmem:$0x1FD70]  }
0xbd: {  	v40 =	vld [tilespmem:$0x1FD80]  }
0xbe: {  	v41 =	vld [tilespmem:$0x1FD90]  }
0xbf: {  	[tilespmem:$0x1FED0] =	vst v59;
	v59 =	vld [tilespmem:$0x980]  }
0xc0: {  	v42 =	vld [tilespmem:$0x1FDA0]  }
0xc1: {  	v43 =	vld [tilespmem:$0x1FDB0]  }
0xc2: {  	v46 =	vld [tilespmem:$0x1FDC0]  }
0xc3: {  	v47 =	vld [tilespmem:$0x1FDD0]  }
0xc4: {  	[tilespmem:$0x1FEE0] =	vst v59;
	v59 =	vld [tilespmem:$0x300]  }
0xc5: {  	v48 =	vld [tilespmem:$0x1FDE0]  }
0xc6: {  	v49 =	vld [tilespmem:$0x1FDF0]  }
0xc7: {  	v50 =	vld [tilespmem:$0x1FE00]  }
0xc8: {  	v51 =	vld [tilespmem:$0x1FE10]  }
0xc9: {  	[tilespmem:$0x1FEF0] =	vst v59;
	v59 =	vld [tilespmem:$0x990]  }
0xca: {  	v54 =	vld [tilespmem:$0x1FE20]  }
0xcb: {  	v55 =	vld [tilespmem:$0x1FE30]  }
0xcc: {  	[tilespmem:$0xF30] =	vst v0;
	v0 =	vadd.s32 v38, v39;
	v56 =	vld [tilespmem:$0x1FE40]  }
0xcd: {  	[tilespmem:$0xF40] =	vst v0;
	v57 =	vld [tilespmem:$0x1FE50]  }
0xce: {  	v0 =	vadd.s32 v40, v41;
	[tilespmem:$0x1FF00] =	vst v59;
	v59 =	vld [tilespmem:$0x310]  }
0xcf: {  	[tilespmem:$0xF50] =	vst v0;
	v0 =	vadd.s32 v42, v43;
	v58 =	vld [tilespmem:$0x1FE60]  }
0xd0: {  	[tilespmem:$0xF60] =	vst v0;
	v0 =	vadd.s32 v46, v47;
	v62 =	vld [tilespmem:$0x1FE70]  }
0xd1: {  	[tilespmem:$0xF70] =	vst v0;
	v0 =	vadd.s32 v48, v49;
	v63 =	vld [tilespmem:$0x1FE80]  }
0xd2: {  	[tilespmem:$0xF80] =	vst v0;
	v38 =	vld [tilespmem:$0x1FE90]  }
0xd3: {  	v0 =	vadd.s32 v50, v51;
	[tilespmem:$0x1FF10] =	vst v59;
	v59 =	vld [tilespmem:$0x9A0]  }
0xd4: {  	v35 =	vld [tilespmem:$0x4E0];
	[tilespmem:$0xF90] =	vst v0;
	v0 =	vadd.s32 v54, v55  }
0xd5: {  	[tilespmem:$0xFA0] =	vst v0;
	v0 =	vadd.s32 v56, v57;
	v39 =	vld [tilespmem:$0x1FEA0]  }
0xd6: {  	[tilespmem:$0xFB0] =	vst v0;
	v0 =	vadd.s32 v58, v62;
	v40 =	vld [tilespmem:$0x1FEB0]  }
0xd7: {  	[tilespmem:$0xFC0] =	vst v0;
	v0 =	vadd.s32 v63, v38;
	v38 =	vld [tilespmem:$0xB70]  }
0xd8: {  	[tilespmem:$0x1FF20] =	vst v59;
	v59 =	vld [tilespmem:$0x320]  }
0xd9: {  	v63 =	vld [tilespmem:$0x1FFB0]  }
0xda: {  	v41 =	vld [tilespmem:$0x1FEC0]  }
0xdb: {  	[tilespmem:$0xFD0] =	vst v0;
	v0 =	vadd.s32 v39, v40;
	v39 =	vld [tilespmem:$0x4F0]  }
0xdc: {  	v42 =	vld [tilespmem:$0x1FED0]  }
0xdd: {  	[tilespmem:$0x1FF30] =	vst v59;
	v59 =	vld [tilespmem:$0x9B0]  }
0xde: {  	v40 =	vld [tilespmem:$0xB80]  }
0xdf: {  	v43 =	vld [tilespmem:$0x1FEE0]  }
0xe0: {  	v46 =	vld [tilespmem:$0x1FEF0]  }
0xe1: {  	[tilespmem:$0xFE0] =	vst v0;
	v0 =	vadd.s32 v41, v42;
	v41 =	vld [tilespmem:$0x500]  }
0xe2: {  	[tilespmem:$0x1FF40] =	vst v59;
	v59 =	vld [tilespmem:$0x330]  }
0xe3: {  	v42 =	vld [tilespmem:$0xB90]  }
0xe4: {  	v47 =	vld [tilespmem:$0x1FF00]  }
0xe5: {  	[tilespmem:$0xFF0] =	vst v0;
	v0 =	vadd.s32 v43, v46;
	v43 =	vld [tilespmem:$0x510]  }
0xe6: {  	v48 =	vld [tilespmem:$0x1FF10]  }
0xe7: {  	[tilespmem:$0x1FF50] =	vst v59;
	v59 =	vld [tilespmem:$0x9C0]  }
0xe8: {  	v46 =	vld [tilespmem:$0xBA0]  }
0xe9: {  	v49 =	vld [tilespmem:$0x1FF20]  }
0xea: {  	v50 =	vld [tilespmem:$0x1FF30]  }
0xeb: {  	[tilespmem:$0x1000] =	vst v0;
	v0 =	vadd.s32 v47, v48;
	v48 =	vld [tilespmem:$0x1FFC0]  }
0xec: {  	[tilespmem:$0x1FF60] =	vst v59;
	v59 =	vld [tilespmem:$0x340]  }
0xed: {  	v47 =	vld [tilespmem:$0x520]  }
0xee: {  	v51 =	vld [tilespmem:$0x1FF40]  }
0xef: {  	[tilespmem:$0x1010] =	vst v0;
	v0 =	vadd.s32 v49, v50;
	v49 =	vld [tilespmem:$0x1FFD0]  }
0xf0: {  	v54 =	vld [tilespmem:$0x1FF50]  }
0xf1: {  	[tilespmem:$0x1FF70] =	vst v59;
	v59 =	vld [tilespmem:$0x9D0]  }
0xf2: {  	v13 =	vadd.s32 v12, v13;
	v50 =	vld [tilespmem:$0x1FFE0]  }
0xf3: {  	v15 =	vadd.s32 v14, v15;
	[tilespmem:$0x1150] =	vst v13;
	v55 =	vld [tilespmem:$0x1FF60]  }
0xf4: {  	[tilespmem:$0x1160] =	vst v15;
	v56 =	vld [tilespmem:$0x1FF70]  }
0xf5: {  	[tilespmem:$0x1020] =	vst v0;
	v0 =	vadd.s32 v51, v54;
	v51 =	vld [tilespmem:$0x1FFF0]  }
0xf6: {  	v21 =	vadd.s32 v20, v21;
	[tilespmem:$0x1FF80] =	vst v59;
	v59 =	vld [tilespmem:$0x350]  }
0xf7: {  	[tilespmem:$0x1180] =	vst v21;
	v54 =	vadd.s32 v29, v36;
	v29 =	vld [tilespmem:$0x530]  }
0xf8: {  	[tilespmem:$0x10A0] =	vst v54;
	v54 =	vld [tilespmem:$0x5C0]  }
0xf9: {  	[tilespmem:$0x1030] =	vst v0;
	v0 =	vadd.s32 v55, v56;
	v57 =	vld [tilespmem:$0x1FF80]  }
0xfa: {  	v56 =	vadd.s32 v45, v52;
	v52 =	vld [tilespmem:$0xC40];
	[tilespmem:$0x1040] =	vst v0  }
0xfb: {  	v55 =	vadd.s32 v37, v44;
	[tilespmem:$0x1FF90] =	vst v59;
	v59 =	vld [tilespmem:$0x9E0]  }
0xfc: {  	[tilespmem:$0x10B0] =	vst v55;
	v58 =	vld [tilespmem:$0x1FF90]  }
0xfd: {  	v36 =	vld [tilespmem:$0xBC0];
	v45 =	vadd.s32 v22, v23;
	[tilespmem:$0x10C0] =	vst v56  }
0xfe: {  	v37 =	vld [tilespmem:$0x540];
	[tilespmem:$0x1190] =	vst v45;
	v55 =	vadd.s32 v32, v33  }
0xff: {  	v44 =	vld [tilespmem:$0xBD0];
	[tilespmem:$0x11D0] =	vst v55;
	v45 =	vadd.s32 v52, v54  }
0x100: {  	v56 =	vld [tilespmem:$0xC50];
	[tilespmem:$0x12C0] =	vst v45  }
0x101: {  	v32 =	vld [tilespmem:$0xC90];
	[tilespmem:$0x1FFA0] =	vst v59;
	v0 =	vadd.s32 v57, v58  }
0x102: {  	v52 =	vld [tilespmem:$0xCE0];
	v57 =	vadd.s32 v53, v60;
	[tilespmem:$0x1050] =	vst v0  }
0x103: {  	v54 =	vld [tilespmem:$0x660];
	v58 =	vadd.s32 v61, v18;
	[tilespmem:$0x10D0] =	vst v57  }
0x104: {  	v59 =	vld [tilespmem:$0x360];
	v60 =	vadd.s32 v11, v2;
	[tilespmem:$0x10E0] =	vst v58  }
0x105: {  	v62 =	vld [tilespmem:$0x1FFA0];
	v61 =	vadd.s32 v3, v1;
	[tilespmem:$0x1100] =	vst v60  }
0x106: {  	v18 =	vld [tilespmem:$0x550];
	v11 =	vadd.s32 v8, v9;
	[tilespmem:$0x1110] =	vst v61  }
0x107: {  	v2 =	vld [tilespmem:$0x560];
	v53 =	vadd.s32 v30, v31;
	[tilespmem:$0x1140] =	vst v11  }
0x108: {  	v1 =	vld [tilespmem:$0xBF0];
	[tilespmem:$0x11C0] =	vst v53;
	v57 =	vadd.s32 v34, v35  }
0x109: {  	v3 =	vld [tilespmem:$0x570];
	v61 =	vadd.s32 v40, v41;
	[tilespmem:$0x11E0] =	vst v57  }
0x10a: {  	v8 =	vld [tilespmem:$0xC20];
	[tilespmem:$0x1200] =	vst v61;
	v0 =	vadd.s32 v62, v59  }
0x10b: {  	v9 =	vld [tilespmem:$0x5A0];
	v59 =	vadd.s32 v19, v10;
	[tilespmem:$0x1060] =	vst v0  }
0x10c: {  	v30 =	vld [tilespmem:$0x600];
	v62 =	vadd.s32 v4, v5;
	[tilespmem:$0x10F0] =	vst v59  }
0x10d: {  	v58 =	vld [tilespmem:$0x5D0];
	v19 =	vadd.s32 v16, v17;
	[tilespmem:$0x1120] =	vst v62  }
0x10e: {  	v60 =	vld [tilespmem:$0xC60];
	v31 =	vadd.s32 v44, v18;
	[tilespmem:$0x1170] =	vst v19  }
0x10f: {  	v34 =	vld [tilespmem:$0x610];
	v35 =	vadd.s32 v1, v3;
	[tilespmem:$0x1250] =	vst v31  }
0x110: {  	v40 =	vld [tilespmem:$0xCB0];
	v41 =	vadd.s32 v8, v9;
	[tilespmem:$0x1270] =	vst v35  }
0x111: {  	v10 =	vld [tilespmem:$0xBE0];
	v0 =	vadd.s32 v63, v48;
	[tilespmem:$0x12A0] =	vst v41  }
0x112: {  	v4 =	vld [tilespmem:$0xC00];
	v63 =	vadd.s32 v6, v7;
	[tilespmem:$0x1070] =	vst v0  }
0x113: {  	v5 =	vld [tilespmem:$0x580];
	v59 =	vadd.s32 v38, v39;
	[tilespmem:$0x1130] =	vst v63  }
0x114: {  	v44 =	vld [tilespmem:$0xCC0];
	v55 =	vadd.s32 v32, v34;
	[tilespmem:$0x11F0] =	vst v59  }
0x115: {  	v6 =	vld [tilespmem:$0xC10];
	v0 =	vadd.s32 v49, v50;
	[tilespmem:$0x1310] =	vst v55  }
0x116: {  	v7 =	vld [tilespmem:$0x590];
	v49 =	vadd.s32 v24, v25;
	[tilespmem:$0x1080] =	vst v0  }
0x117: {  	v48 =	vld [tilespmem:$0xC30];
	v63 =	vadd.s32 v42, v43;
	[tilespmem:$0x11A0] =	vst v49  }
0x118: {  	v62 =	vld [tilespmem:$0x5E0];
	v25 =	vadd.s32 v46, v47;
	[tilespmem:$0x1210] =	vst v63  }
0x119: {  	v38 =	vld [tilespmem:$0x620];
	v47 =	vadd.s32 v56, v58;
	[tilespmem:$0x1220] =	vst v25  }
0x11a: {  	v50 =	vld [tilespmem:$0x5B0];
	v0 =	vadd.s32 v51, v28;
	[tilespmem:$0x12D0] =	vst v47  }
0x11b: {  	v42 =	vld [tilespmem:$0x630];
	v51 =	vadd.s32 v26, v27;
	[tilespmem:$0x1090] =	vst v0  }
0x11c: {  	v46 =	vld [tilespmem:$0x640];
	[tilespmem:$0x11B0] =	vst v51;
	v33 =	vadd.s32 v10, v2  }
0x11d: {  	v56 =	vld [tilespmem:$0xCF0];
	[tilespmem:$0x1260] =	vst v33;
	v39 =	vadd.s32 v6, v7  }
0x11e: {  	v58 =	vld [tilespmem:$0x670];
	v49 =	vadd.s32 v60, v62;
	[tilespmem:$0x1290] =	vst v39  }
0x11f: {  	v28 =	vld [tilespmem:$0xBB0];
	v62 =	vadd.s32 v52, v54;
	[tilespmem:$0x12E0] =	vst v49  }
0x120: {  	v24 =	vld [tilespmem:$0xC70];
	v43 =	vadd.s32 v48, v50;
	[tilespmem:$0x1360] =	vst v62  }
0x121: {  	v26 =	vld [tilespmem:$0x5F0];
	v59 =	vadd.s32 v40, v42;
	[tilespmem:$0x12B0] =	vst v43  }
0x122: {  	v48 =	vld [tilespmem:$0xCD0];
	v60 =	vadd.s32 v44, v46;
	[tilespmem:$0x1330] =	vst v59  }
0x123: {  	v50 =	vld [tilespmem:$0x650];
	v63 =	vadd.s32 v56, v58;
	[tilespmem:$0x1340] =	vst v60  }
0x124: {  	v27 =	vadd.s32 v28, v29;
	v28 =	vld [tilespmem:$0xC80];
	[tilespmem:$0x1370] =	vst v63  }
0x125: {  	v29 =	vadd.s32 v36, v37;
	v36 =	vld [tilespmem:$0xCA0];
	[tilespmem:$0x1230] =	vst v27  }
0x126: {  	v37 =	vadd.s32 v4, v5;
	[tilespmem:$0x1240] =	vst v29  }
0x127: {  	v51 =	vadd.s32 v24, v26;
	[tilespmem:$0x1280] =	vst v37  }
0x128: {  	[tilespmem:$0x12F0] =	vst v51;
	v61 =	vadd.s32 v48, v50  }
0x129: {  	s5 =	rddreg [dreg:$0x7];
	v53 =	vadd.s32 v28, v30;
	[tilespmem:$0x1350] =	vst v61  }
0x12a: {  	s0 =	rddreg [dreg:$0x8];
	v57 =	vadd.s32 v36, v38;
	[tilespmem:$0x1300] =	vst v53  }
0x12b: {  	s2 =	rddreg [dreg:$0xa];
	[tilespmem:$0x1320] =	vst v57  }
0x12c: {  	[tilespmem:s9], [sflag:$0x1] =	stream.indirect.gather [hbm4b:s4+s8], $0x20, s5, s8, $0xb8;
	[tilespmem:$0xE380] =	vst v63  }
0x12d: {  	s5 =	rddreg [dreg:$0x9]  }
0x12e: {  	[tilespmem:s5], [sflag:$0x1] =	stream.indirect.gather [hbm4b:s4+s8], $0x20, s0, s8, $0xb8;
	[tilespmem:$0xE380] =	vst v63  }
0x12f: {  	s10 =	rddreg [dreg:$0xb]  }
0x130: {  	[tilespmem:s10], [sflag:$0x1] =	stream.indirect.gather [hbm4b:s4+s8], $0x20, s2, s8, $0xb8;
	[tilespmem:$0xE380] =	vst v63  }
0x131: {  	s10 =	simm.s32 $0xE80  }
0x132: {  	[tilespmem:s11], [sflag:$0x1] =	stream.indirect.gather [hbm4b:s4+s8], $0x20, s10, s8, $0xb8;
	[tilespmem:$0xE380] =	vst v63  }
0x133: {  	_ = 	snop  }
0x134: {  	[tilespmem:s13], [sflag:$0x1] =	stream.indirect.gather [hbm4b:s4+s8], $0x20, s12, s8, $0xb8;
	[tilespmem:$0xE380] =	vst v63  }
0x135: {  	_ = 	snop  }
0x136: {  	[tilespmem:s15], [sflag:$0x1] =	stream.indirect.gather [hbm4b:s4+s8], $0x20, s14, s8, $0xb8;
	[tilespmem:$0xE380] =	vst v63  }
0x137: {  	_ = 	snop  }
0x138: {  	[tilespmem:s17], [sflag:$0x1] =	stream.indirect.gather [hbm4b:s4+s8], $0x20, s16, s8, $0xb8;
	[tilespmem:$0xE380] =	vst v63  }
0x139: {  	_ = 	snop  }
0x13a: {  	[tilespmem:s19], [sflag:$0x1] =	stream.indirect.gather [hbm4b:s4+s8], $0x20, s18, s8, $0xb8;
	[tilespmem:$0xE380] =	vst v63  }
0x13b: {  	_ = 	snop  }
0x13c: {  	[tilespmem:s21], [sflag:$0x1] =	stream.indirect.gather [hbm4b:s4+s8], $0x20, s20, s8, $0xb8;
	[tilespmem:$0xE380] =	vst v63  }
0x13d: {  	_ = 	snop  }
0x13e: {  	[tilespmem:s23], [sflag:$0x1] =	stream.indirect.gather [hbm4b:s4+s8], $0x20, s22, s8, $0xb8;
	[tilespmem:$0xE380] =	vst v63  }
0x13f: {  	_ = 	snop  }
0x140: {  	[tilespmem:s25], [sflag:$0x1] =	stream.indirect.gather [hbm4b:s4+s8], $0x20, s24, s8, $0xb8;
	[tilespmem:$0xE380] =	vst v63  }
0x141: {  	_ = 	snop  }
0x142: {  	[tilespmem:s28], [sflag:$0x1] =	stream.indirect.gather [hbm4b:s4+s8], $0x20, s26, s8, $0xb8;
	[tilespmem:$0xE380] =	vst v63  }
0x143: {  	_ = 	snop  }
0x144: {  	[tilespmem:s30], [sflag:$0x1] =	stream.indirect.gather [hbm4b:s4+s8], $0x20, s29, s8, $0xb8;
	[tilespmem:$0xE380] =	vst v63  }
0x145: {  	_ =	swait.ge [sflag:s31], $0x1000  }
0x146: {  	[sflag:s31] =	ssyncset.done $0x0  }
0x147: {  	[sflag:s31] =	ssyncadd.s32 $0xFFFFF000  }
0x148: {  	_ =	swait.ge [sflag:s31], $0x1000  }
0x149: {  	[sflag:s31] =	ssyncset.done $0x0  }
0x14a: {  	[sflag:s31] =	ssyncadd.s32 $0xFFFFF000  }
0x14b: {  	_ =	swait.ge [sflag:s31], $0x1000  }
0x14c: {  	[sflag:s31] =	ssyncset.done $0x0  }
0x14d: {  	[sflag:s31] =	ssyncadd.s32 $0xFFFFF000  }
0x14e: {  	_ =	swait.ge [sflag:s31], $0x1000  }
0x14f: {  	[sflag:s31] =	ssyncset.done $0x0  }
0x150: {  	[sflag:s31] =	ssyncadd.s32 $0xFFFFF000  }
0x151: {  	_ =	swait.ge [sflag:s31], $0x1000  }
0x152: {  	[sflag:s31] =	ssyncset.done $0x0  }
0x153: {  	[sflag:s31] =	ssyncadd.s32 $0xFFFFF000  }
0x154: {  	_ =	swait.ge [sflag:s31], $0x1000  }
0x155: {  	[sflag:s31] =	ssyncset.done $0x0  }
0x156: {  	[sflag:s31] =	ssyncadd.s32 $0xFFFFF000  }
0x157: {  	_ =	swait.ge [sflag:s31], $0x1000  }
0x158: {  	[sflag:s31] =	ssyncset.done $0x0  }
0x159: {  	[sflag:s31] =	ssyncadd.s32 $0xFFFFF000  }
0x15a: {  	_ =	swait.ge [sflag:s31], $0x1000  }
0x15b: {  	[sflag:s31] =	ssyncset.done $0x0  }
0x15c: {  	[sflag:s31] =	ssyncadd.s32 $0xFFFFF000  }
0x15d: {  	_ =	swait.ge [sflag:s31], $0x1000  }
0x15e: {  	[sflag:s31] =	ssyncset.done $0x0  }
0x15f: {  	[sflag:s31] =	ssyncadd.s32 $0xFFFFF000  }
0x160: {  	_ =	swait.ge [sflag:s31], $0x1000  }
0x161: {  	[sflag:s31] =	ssyncset.done $0x0  }
0x162: {  	[sflag:s31] =	ssyncadd.s32 $0xFFFFF000  }
0x163: {  	_ =	swait.ge [sflag:s31], $0x1000  }
0x164: {  	[sflag:s31] =	ssyncset.done $0x0  }
0x165: {  	[sflag:s31] =	ssyncadd.s32 $0xFFFFF000  }
0x166: {  	_ =	swait.ge [sflag:s31], $0x1000  }
0x167: {  	[sflag:s31] =	ssyncset.done $0x0  }
0x168: {  	[sflag:s31] =	ssyncadd.s32 $0xFFFFF000  }
0x169: {  	_ =	swait.ge [sflag:s31], $0x1000  }
0x16a: {  	p0 =	sne.s32 s1, $0x5B0;
	[sflag:s31] =	ssyncset.done $0x0  }
.Ltmp0:
0x16b: {  	[sflag:s31] =	ssyncadd.s32 $0xFFFFF000;
	(pc) =	sbr.rel @p0 .LBB2_2-.Ltmp0, $4  }
0x16c: {  	[hbm4b:s6+s3] =	stream.linear.scatter [tilespmem:s9], [sflag:$0x2], $0xD000, $0x38;
	[tilespmem:$0xE380] =	vst v63  }
0x16d: {  	_ =	swait.ge [sflag:s7], $0xD000  }
0x16e: {  	[sflag:s7] =	ssyncset.done $0x0  }
0x16f: {  	s1 =	sadd.s32 $0xD0, s1;
	s6 =	sadd.s32 $0x1A00, s6;
	[sflag:s7] =	ssyncadd.s32 $0xFFFF3000  }
0x170: {  	s1 =	rddreg [dreg:$0xe]  }
0x171: {  	s0 =	rddreg [dreg:$0xc];
	s1 =	sadd.s32 $0x1, s1  }
0x172: {  	p0 =	sne.s32 s1, s0  }
.Ltmp1:
0x173: {  	_ = 	snop;
	(pc) =	sbr.rel @p0 .LBB2_1-.Ltmp1, $1  }
0x174: {  	_ =	sdelay $0x3  }
0x175: {  	_ =	sfence.sel $0x180000  }
0x176: {  	[bflag:$0x0] =	sbarrier.arrive $0xFFFF  }
0x177: {  	_ =	strace $0x90000047  }
0x178: {  	s0 =	stileid.u32;
	[bflag:$0x2] =	sbarrier.arrive $0xFFFF  }
0x179: {  	p0 =	sne.s32 s0, $0x0;
	s0 =	rddreg [dreg:$0x4]  }
0x17a: {  	s0 =	sadd.s32 @!p0 $0x100000, s0  }
0x17b: {  	[sflag:s0] =	ssyncadd.tile.s32 @!p0 $0x1;
	_ =	shalt  }
.Lfunc_end2:
_tile_overlayer_lowered:
.L_overlay_start_2:
0x17c: {  	(tag) =	ssettag $0x2  }
0x17d: {  	s0 =	rddreg [dreg:$0x0];
	s2 =	stileid.u32  }
0x17e: {  	s1 =	rddreg [dreg:$0x1];
	p0 =	sne.s32 s2, $0x0  }
0x17f: {  	s3 =	rddreg [dreg:$0x2];
	[bflag:$0x3] =	sbarrier.arrive $0xFFFF;
	s2 =	simm.s32 @!p0 $0x1C02  }
0x180: {  	[timem:s3], [sflag:s2] =	dma.local @!p0 [hbm:s0], s1  }
0x181: {  	s0 =	simm.s32 @!p0 $0x2  }
0x182: {  	_ =	swait.ge @!p0 [sflag:s0], s1  }
0x183: {  	s1 =	ssub.s32 @!p0 $0x0, s1;
	[sflag:s0] =	ssyncset.done @!p0 $0x0  }
0x184: {  	[sflag:s0] =	ssyncadd.s32 @!p0 s1  }
0x185: {  	[bflag:$0x3] =	sbarrier.arrive $0xFFFF  }
0x186: {  	_ =	shalt  }

// kernel: sparse-core-data-format-call.cloned.1.call-start
scs
called_computation_lowered:
.L_overlay_start_0:
0x0: {  	s2 =	sld [smem:$0x3FD9]  }
0x1: {  	s3 =	sld [smem:$0x3FFE];
	_ =	sdelay $0x1  }
0x2: {  	s1 =	srdreg.scid  }
0x3: {  	s0 =	sand.u32 $0x1, s1  }
0x4: {  	s18 =	sshll.u32 s0, $0xA;
	s2 =	sadd.s32 s3, s2  }
0x5: {  	s2 =	sadd.s32 s2, s18  }
0x6: {  	[smem:$0x3FC5] =	sst s2  }
0x7: {  	_ = 	snop  }
0x8: {  	s2 =	sld [smem:$0x3FD0];
	(tm) =	ssettm $0x1  }
0x9: {  	s19 =	sld [smem:$0x3FFB];
	_ =	sdelay $0x3  }
0xa: {  	_ =	strace s19  }
0xb: {  	s3 =	sld [smem:$0x3FFC];
	_ =	sdelay $0x3  }
0xc: {  	_ =	strace s3  }
0xd: {  	s3 =	sld [smem:$0x3FFD];
	_ =	sdelay $0x3  }
0xe: {  	_ =	strace s3  }
0xf: {  	_ =	strace $0x8FFFFFFF  }
0x10: {  	s20 =	sld [smem:$0x3FDB];
	_ =	sdelay $0x1  }
0x11: {  	s4 =	simm.s32 $_scs_section_size  }
0x12: {  	s5 =	simm.s32 $_size__tile_overlayer_lowered;
	s6 =	simm.s32 $_tile_overlayer_lowered  }
0x13: {  	s23 =	simm.s32 $0x1BFF;
	s22 =	sshll.u32 s6, $0x1;
	s3 =	sadd.s32 s4, s20  }
0x14: {  	s7 =	simm.s32 $0x0;
	s21 =	sshll.u32 s5, $0x1;
	s5 =	sadd.s32 s22, s3  }
0x15: {  	[timem:s7], [sflag:s23] =	dma.local [hbm:s5], s21  }
0x16: {  	_ =	swait.ge [sflag:s23], s21  }
0x17: {  	s4 =	ssub.s32 $0x0, s21;
	[sflag:s23] =	ssyncset.done $0x0  }
0x18: {  	[sflag:s23] =	ssyncadd.s32 s4;
	_ =	sdelay $0x1  }
0x19: {  	s24 =	simm.s32 $0x1B8B  }
0x1a: {  	_ =	swait.ge [sflag:s24], $0x1  }
0x1b: {  	[sflag:s24] =	ssyncset.done $0x0  }
0x1c: {  	s26 =	simm.s32 $0x1B8E;
	s25 =	sld [smem:$0x3FFE];
	[sflag:s24] =	ssyncadd.s32 $0xFFFFFFFF  }
0x1d: {  	s27 =	simm.s32 $execute0_lowered;
	[smem:$0x3FD2] =	sst s26  }
0x1e: {  	s5 =	sshll.u32 s27, $0x1;
	_ =	strace $0x80000049;
	[dreg:$0x1] =	wrdreg $0xFFFFFFFF  }
0x1f: {  	s28 =	simm.s32 $_size_execute0_lowered;
	s3 =	sadd.s32 s3, s5;
	[dreg:$0x0] =	wrdreg $0x0  }
0x20: {  	s5 =	sshll.u32 s28, $0x1;
	[dreg:$0x2] =	wrdreg s3  }
0x21: {  	[dreg:$0x3] =	wrdreg s5  }
0x22: {  	[dreg:$0x4] =	wrdreg $0xC0  }
0x23: {  	_ =	task [dreg:s7], $0x5FFFF  }
0x24: {  	[dreg:$0x1] =	wrdreg $0xFFFFFFFF  }
0x25: {  	[dreg:$0x0] =	wrdreg $0x60  }
0x26: {  	[dreg:$0x2] =	wrdreg s25  }
0x27: {  	[dreg:$0x3] =	wrdreg s2  }
0x28: {  	[dreg:$0x4] =	wrdreg $0x9  }
0x29: {  	_ =	task.clear_ibuf [dreg:s7], $0x5FFFF;
	_ =	strace $0x90000049  }
0x2a: {  	s29 =	simm.s32 $0x9;
	_ =	strace $0x8000004B  }
0x2b: {  	_ =	swait.ge [sflag:s29], $0x1  }
0x2c: {  	[sflag:s29] =	ssyncadd.s32 $0xFFFFFFFF  }
0x2d: {  	_ =	strace $0x9000004B  }
0x2e: {  	_ =	sfence  }
0x2f: {  	s30 =	sld [smem:$0x0];
	_ =	sdelay $0x2  }
0x30: {  	s31 =	sshll.u32 s1, $0xD;
	s1 =	sshrl.u32 s1, $0x2  }
0x31: {  	s3 =	sand.u32 $0x4000, s31;
	s1 =	sadd.s32 s1, s30  }
0x32: {  	s0 =	sor.u32 s3, s0;
	s1 =	sshll.u32 s1, $0x11  }
0x33: {  	s0 =	sor.u32 s1, s0  }
0x34: {  	s0 =	sadd.s32 $0x8F2B, s0  }
0x35: {  	[sflag:s0] =	ssyncadd.remote.s32 $0x1  }
0x36: {  	_ =	sfence.sel $0xFFFF  }
0x37: {  	[dreg:$0x0] =	wrdreg $0xFFFFFFFF;
	(pc) =	sbr.abs _section_cstart, $3  }
0x38: {  	[dreg:$0x1] =	wrdreg $0xFFFFFFFF  }
0x39: {  	_ =	task.clear_ibuf [dreg:s7], $0x2FFFF;
	_ =	strace $0x9FFFFFFF  }
0x3a: {  	(tm) =	ssettm $0x7FFFFFFF  }
0x3b: {  	_ =	shalt  }
tec
execute0_lowered:
.L_overlay_start_1:
0x0: {  	(tag) =	ssettag $0x1  }
0x1: {  	s0 =	srdreg.scid  }
0x2: {  	s1 =	sshll.u32 s0, $0x4  }
0x3: {  	s4 =	rddreg [dreg:$0x0];
	s0 =	stileid.u32;
	s1 =	sand.u32 $0x10, s1  }
0x4: {  	s2 =	rddreg [dreg:$0x1];
	s7 =	simm.s32 $0x1;
	s1 =	sor.u32 s0, s1  }
0x5: {  	s8 =	simm.s32 $0x2;
	s11 =	simm.s32 $0x0;
	s3 =	sshll.u32 s1, $0x7  }
0x6: {  	s10 =	simm.s32 $0x0;
	s4 =	sadd.s32 $0x800, s4;
	s6 =	ssub.s32 $0x68000, s3  }
.Ltmp0:
0x7: {  	s1 =	rddreg [dreg:$0x2];
	s5 =	sand.u32 $0xF80, s6;
	(pc) =	sbr.rel .LBB1_1-.Ltmp0, $4  }
0x8: {  	_ =	strace $0x8000004A;
	s9 =	smov.u32 s3;
	p0 =	sne.s32 s5, $0x0  }
0x9: {  	s6 =	sshrl.u32 s6, $0xC;
	s5 =	simm.s32 $0x1;
	s7 =	simm.s32 @!p0 $0x0  }
0xa: {  	[sflag:s5] =	ssyncpa.u1 $0x0;
	p0 =	por $0x0, $0x0;
	s6 =	sadd.s32 s7, s6  }
0xb: {  	[sflag:s8] =	ssyncpa.u1 $0x0;
	s8 =	simm.s32 $0x340000;
	s7 =	sadd.s32 $0x1, s6  }
.LBB1_4:
0xc: {  	s14 =	sshll.u32 s11, $0x3  }
0xd: {  	s30 =	sand.u32 $0x7F, s11;
	s15 =	sand.u32 $0xFFFFFC00, s14  }
0xe: {  	s11 =	sor.u32 s30, s15  }
0xf: {  	s15 =	smulhi.u32 $0x4EC4EC4F, s11  }
0x10: {  	s14 =	smulhi.u32 $0x4EC4EC4F, s14  }
0x11: {  	s15 =	sshrl.u32 s15, $0x11  }
0x12: {  	s14 =	sshrl.u32 s14, $0x11;
	s15 =	smul.u32 $0x68000, s15  }
0x13: {  	s14 =	sand.u32 $0x1F, s14  }
0x14: {  	s14 =	smul.u32 $0xD000, s14;
	s11 =	ssub.s32 s11, s15  }
0x15: {  	s15 =	sand.u32 $0x7, s11  }
0x16: {  	s14 =	sadd.s32 s2, s14;
	s11 =	sshrl.u32 s11, $0x3;
	s15 =	sshll.u32 s15, $0x12  }
0x17: {  	[tilespmem:s13+$0x0 ss:$0x81] =	vst.msk $0xffff, v0;
	s11 =	sadd.s32 s11, s14;
	s31 =	sor.u32 $0x400, s15  }
0x18: {  	[hbm4b:s11+s31] =	stream.strided.scatter [tilespmem:s12], [sflag:$0x2], $0x1000, s8, s31, $0x20;
	[tilespmem:$0x4040] =	vst v63  }
.LBB1_5:
0x19: {  	s13 =	sadd.s32 $0x1000, s9  }
0x1a: {  	p2 =	sgt.s32 s13, $0x67FFF  }
0x1b: {  	s13 =	smov.u32 @p2 s3;
	p2 =	sne.s32 s10, s7  }
.Ltmp1:
0x1c: {  	p1 =	slt.u32 s10, $0x2;
	(pc) =	sbr.rel @!p2 .LBB1_6-.Ltmp1, $4  }
0x1d: {  	s12 =	simm.s32 @!p1 $0x2  }
0x1e: {  	s14 =	sadd.s32 $0x1, s10;
	_ =	swait.ge @!p1 [sflag:s12], $0x1000  }
0x1f: {  	s11 =	smov.u32 s9;
	p0 =	por !p0, !p0;
	[sflag:s12] =	ssyncset.done @!p1 $0x0  }
0x20: {  	s10 =	smov.u32 s14;
	s9 =	smov.u32 s13;
	[sflag:s12] =	ssyncadd.s32 @!p1 $0xFFFFF000  }
.LBB1_1:
0x21: {  	p1 =	sge.u32 s10, s6  }
0x22: {  	s12 =	sand.u32 @!p1 $0x1FFFFFF, s9  }
0x23: {  	s13 =	smulhi.u32 @!p1 $0x2762763, s12;
	_ =	sdelay $0x1  }
0x24: {  	s13 =	sshrl.u32 @!p1 s13, $0xC  }
0x25: {  	s13 =	smul.u32 @!p1 $0x68000, s13;
	_ =	sdelay $0x1  }
0x26: {  	s31 =	sadd.s32 $0xFFFFFFFF, s10;
	s14 =	sxor.u32 @!p1 $0xFFFFFFFF, s10;
	s12 =	ssub.s32 @!p1 s12, s13  }
0x27: {  	s15 =	simm.s32 @!p1 $0x80;
	s14 =	sshll.u32 @!p1 s14, $0xC;
	s12 =	sshll.u32 @!p1 s12, $0x4  }
0x28: {  	s13 =	sand.u32 @!p1 $0x1000, s14;
	s14 =	simm.s32 @!p1 $0x20;
	s12 =	sadd.s32 @!p1 s4, s12  }
0x29: {  	[tilespmem:s13], [sflag:$0x1] =	stream.strided.gather @!p1 [hbm4b:s12+s14], $0x1000, s15, s14, $0x38;
	[tilespmem:$0x4040] =	vst v63  }
0x2a: {  	p1 =	sge.u32 s31, s6  }
.Ltmp2:
0x2b: {  	_ = 	snop;
	(pc) =	sbr.rel @p1 .LBB1_5-.Ltmp2, $1  }
0x2c: {  	_ =	sdelay $0x3  }
0x2d: {  	s12 =	simm.s32 $0x1  }
0x2e: {  	_ =	swait.ge [sflag:s5], $0x1000;
	s12 =	simm.s32 @!p0 $0x0  }
0x2f: {  	[sflag:s5] =	ssyncset.done $0x0;
	s13 =	sshll.u32 s12, $0xC  }
0x30: {  	[sflag:s5] =	ssyncadd.s32 $0xFFFFF000;
	s16 =	sor.u32 $0x10, s13  }
0x31: {  	s12 =	smul.u32 $0x4080, s12;
	v1 =	vld [tilespmem:s16+$0x0]  }
0x32: {  	s30 =	sand.u32 $0x1, s10;
	v0 =	vld [tilespmem:s16+$0xFFFFFFF0]  }
0x33: {  	s13 =	smul.u32 $0x4080, s30;
	s12 =	sshrl.u32 s12, $0x2  }
0x34: {  	s14 =	sor.u32 $0x2000, s12  }
0x35: {  	s31 =	sshrl.u32 s13, $0x2;
	s13 =	sadd.s32 $0x0, s14  }
0x36: {  	s15 =	simm.s32 $0x4;
	s16 =	sadd.s32 $0x20, s16;
	s12 =	sor.u32 $0x2000, s31;
	[tilespmem:s13+$0x810 ss:$0x81] =	vst.msk $0xffff, v1  }
.LBB1_3:
0x37: {  	v1 =	vld [tilespmem:s16+$0x0];
	p1 =	sne.s32 s15, $0x1FC;
	[tilespmem:s13+$0x0 ss:$0x81] =	vst.msk $0xffff, v0;
	s13 =	smov.u32 s15;
	s15 =	sadd.s32 $0x4, s15  }
.Ltmp3:
0x38: {  	v0 =	vld [tilespmem:s16+$0xFFFFFFF0];
	(pc) =	sbr.rel @p1 .LBB1_3-.Ltmp3, $4  }
0x39: {  	_ = 	snop  }
0x3a: {  	s13 =	sshra.s32 s13, $0x2  }
0x3b: {  	s13 =	sadd.s32 s13, s14  }
0x3c: {  	s16 =	sadd.s32 $0x20, s16;
	[tilespmem:s13+$0x810 ss:$0x81] =	vst.msk $0xffff, v1  }
.Ltmp4:
0x3d: {  	_ = 	snop;
	(pc) =	sbr.rel .LBB1_4-.Ltmp4, $1  }
0x3e: {  	_ =	sdelay $0x3  }
.LBB1_6:
0x3f: {  	_ =	sfence.sel $0x180000  }
0x40: {  	s2 =	simm.s32 $0x1;
	[bflag:$0x0] =	sbarrier.arrive $0xFFFF  }
0x41: {  	s31 =	simm.s32 $0x2;
	[sflag:s2] =	ssyncpa.u1 $0x1  }
0x42: {  	[sflag:s31] =	ssyncpa.u1 $0x1  }
0x43: {  	p0 =	sne.s32 s0, $0x0;
	_ =	strace $0x9000004A  }
0x44: {  	s0 =	sadd.s32 @!p0 $0x100000, s1;
	[bflag:$0x2] =	sbarrier.arrive $0xFFFF  }
0x45: {  	[sflag:s0] =	ssyncadd.tile.s32 @!p0 $0x1;
	_ =	shalt  }
.Lfunc_end1:
_tile_overlayer_lowered:
.L_overlay_start_2:
0x46: {  	(tag) =	ssettag $0x2  }
0x47: {  	s0 =	rddreg [dreg:$0x0];
	s2 =	stileid.u32  }
0x48: {  	s1 =	rddreg [dreg:$0x1];
	p0 =	sne.s32 s2, $0x0  }
0x49: {  	s3 =	rddreg [dreg:$0x2];
	[bflag:$0x3] =	sbarrier.arrive $0xFFFF;
	s2 =	simm.s32 @!p0 $0x1C01  }
0x4a: {  	[timem:s3], [sflag:s2] =	dma.local @!p0 [hbm:s0], s1  }
0x4b: {  	s0 =	simm.s32 @!p0 $0x1  }
0x4c: {  	_ =	swait.ge @!p0 [sflag:s0], s1  }
0x4d: {  	s1 =	ssub.s32 @!p0 $0x0, s1;
	[sflag:s0] =	ssyncset.done @!p0 $0x0  }
0x4e: {  	[sflag:s0] =	ssyncadd.s32 @!p0 s1  }
0x4f: {  	[bflag:$0x3] =	sbarrier.arrive $0xFFFF  }
0x50: {  	_ =	shalt  }

</sc_bundles>
